<compile_context>
chip_gen: v7x
topology: tpu7x:2x2x1
jax: 0.10.2.dev20260603
libtpu: 0.0.44.dev20260713+nightly
codegen_flags: <defaults>
</compile_context>

<pallas_src>
import functools

import jax
import jax.numpy as jnp
from jax import lax
from jax.experimental import pallas as pl
from jax.experimental.pallas import tpu as pltpu
from jax.experimental.pallas import tpu_sc as plsc

S = 64
K = 8
R = 0.05
C = 64
P = 8192

ROWS_PER_W = 2
PIX_PER_W = ROWS_PER_W * S
CAP = 2048
NB = 8
BCAP = 384
COLS_PER_B = S // NB
R2 = R * R
BIG = 1e9
PT_CHUNKS = P // 16


def _kernel_body(pts_hbm, feat_hbm, img_hbm, depth_hbm,
                 pts_v, ci_v, bx_v, by_v, bz_v, bi_v,
                 bcnt_v, gidx_v, w_v, rows_v, out_v, depth_v, sem):
    wid = lax.axis_index("s") * 2 + lax.axis_index("c")
    iota = lax.iota(jnp.int32, 16)
    ones_m = iota < 16
    low8 = iota < 8

    pltpu.sync_copy(pts_hbm, pts_v)

    r0 = wid * ROWS_PER_W
    r0f = r0.astype(jnp.float32)
    y_lo = (r0f + 0.5) * (2.0 / S) - 1.0 - R
    y_hi = (r0f + (ROWS_PER_W - 1) + 0.5) * (2.0 / S) - 1.0 + R

    def scan_pts(i, cnt):
        for h in range(2):
            ridx = i * 32 + h * 16 + iota
            yv = pts_v[pl.ds(P + i * 32 + h * 16, 16)]
            m = (yv >= y_lo) & (yv <= y_hi)
            mi = m.astype(jnp.int32)
            pos = jnp.minimum(cnt + plsc.cumsum(mi) - 1, CAP - 1)
            plsc.store_scatter(ci_v, [pos], ridx, mask=m)
            cnt = jnp.minimum(cnt + jnp.sum(mi), CAP)
        return cnt

    with jax.named_scope("ph_a_compact"):
        cnt = lax.fori_loop(0, PT_CHUNKS // 2, scan_pts, jnp.int32(0))
    n_chunks = (cnt + 15) // 16

    def bin_one(b, _):
        bf = b.astype(jnp.float32)
        xlo = (bf * COLS_PER_B + 0.5) * (2.0 / S) - 1.0 - R
        xhi = (bf * COLS_PER_B + (COLS_PER_B - 1) + 0.5) * (2.0 / S) - 1.0 + R

        def bin_scan(j, bcnt):
            lane = j * 16 + iota
            vl = lane < cnt
            iv = jnp.where(vl, ci_v[pl.ds(j * 16, 16)], 0)
            xv = plsc.load_gather(pts_v, [iv])
            m = vl & (xv >= xlo) & (xv <= xhi)
            mi = m.astype(jnp.int32)
            pos = b * BCAP + jnp.minimum(bcnt + plsc.cumsum(mi) - 1, BCAP - 1)
            yv = plsc.load_gather(pts_v, [iv + P])
            zv = plsc.load_gather(pts_v, [iv + 2 * P])
            plsc.store_scatter(bx_v, [pos], xv, mask=m)
            plsc.store_scatter(by_v, [pos], yv, mask=m)
            plsc.store_scatter(bz_v, [pos], zv, mask=m)
            plsc.store_scatter(bi_v, [pos], iv, mask=m)
            return jnp.minimum(bcnt + jnp.sum(mi), BCAP - 16)

        bcnt = lax.fori_loop(0, n_chunks, bin_scan, jnp.int32(0))
        plsc.store_scatter(bx_v, [b * BCAP + bcnt + iota],
                           jnp.full((16,), BIG, jnp.float32), mask=ones_m)
        plsc.store_scatter(bcnt_v, [jnp.full((16,), b, jnp.int32)],
                           jnp.full((16,), bcnt, jnp.int32), mask=iota == 0)
        return _

    with jax.named_scope("ph_a2_bin"):
        lax.fori_loop(0, NB, bin_one, jnp.int32(0))
    bcv = bcnt_v[pl.ds(0, 16)]

    cyp0 = (r0.astype(jnp.float32) + 0.5) * (2.0 / S) - 1.0
    cyp1 = cyp0 + (2.0 / S)

    def per_col(col, _):
        b = col // COLS_PER_B
        cxp = (col.astype(jnp.float32) + 0.5) * (2.0 / S) - 1.0
        nb_b = jnp.sum(jnp.where(iota == b, bcv, 0))
        nbch = (nb_b + 15) // 16
        bin0 = b * BCAP

        def scan_chunk(j, carry):
            bz0, bp0, bz1, bp1 = carry
            base = bin0 + j * 16
            xv = bx_v[pl.ds(base, 16)]
            yv = by_v[pl.ds(base, 16)]
            zv = bz_v[pl.ds(base, 16)]
            dx = xv - cxp
            dxx = dx * dx
            dy0 = yv - cyp0
            dy1 = yv - cyp1
            d20 = dxx + dy0 * dy0
            d21 = dxx + dy1 * dy1
            zc0 = jnp.where(d20 < R2, zv, BIG)
            zc1 = jnp.where(d21 < R2, zv, BIG)
            pv = base + iota
            zd0, pd0 = plsc.sort_key_val(zc0, pv, descending=True)
            zd1, pd1 = plsc.sort_key_val(zc1, pv, descending=True)
            nz0, np0 = plsc.sort_key_val(jnp.where(low8, bz0, zd0),
                                         jnp.where(low8, bp0, pd0))
            nz1, np1 = plsc.sort_key_val(jnp.where(low8, bz1, zd1),
                                         jnp.where(low8, bp1, pd1))
            return (nz0, np0, nz1, np1)

        big0 = jnp.full((16,), BIG, jnp.float32)
        zero0 = jnp.zeros((16,), jnp.int32)
        bz0, bp0, bz1, bp1 = lax.fori_loop(
            0, nbch, scan_chunk, (big0, zero0, big0, zero0))

        for (bzv, bpv, ps, cyp) in ((bz0, bp0, col, cyp0),
                                    (bz1, bp1, col + S, cyp1)):
            valid = low8 & (bzv < 100.0)
            safe_p = jnp.where(valid, bpv, 0)
            gi = jnp.where(valid, plsc.load_gather(bi_v, [safe_p]), 0)
            gx = plsc.load_gather(bx_v, [safe_p])
            gy = plsc.load_gather(by_v, [safe_p])
            gz = plsc.load_gather(bz_v, [safe_p])
            dx = gx - cxp
            dy = gy - cyp
            d2 = dx * dx + dy * dy
            w = jnp.where(valid, 1.0 - d2 / jnp.float32(R2), 0.0)
            den = jnp.sum(w)
            denv = jnp.maximum(jnp.full((16,), den, jnp.float32), 1e-10)
            w = w / denv

            has0 = jnp.sum(jnp.where(valid & (iota == 0), 1, 0)) > 0
            z0 = jnp.sum(jnp.where(iota == 0, gz, 0.0))
            depth = jnp.where(has0, z0, -1.0)
            rowi = jnp.full((16,), ps // S, jnp.int32)
            coli = jnp.full((16,), col, jnp.int32)
            plsc.store_scatter(depth_v, [rowi, coli],
                               jnp.full((16,), depth, jnp.float32),
                               mask=iota == 0)
            plsc.store_scatter(gidx_v, [ps * K + iota], gi, mask=low8)
            plsc.store_scatter(w_v, [ps * 16 + iota], w, mask=ones_m)
        return _

    def bin_block(b, _):
        lo = b * COLS_PER_B
        lax.fori_loop(lo, lo + COLS_PER_B, per_col, jnp.int32(0))
        for segbase in (0, S * K):
            seg = segbase + b * (COLS_PER_B * K)
            pltpu.async_copy(
                feat_hbm.at[gidx_v.at[pl.ds(seg, COLS_PER_B * K)]],
                rows_v.at[pl.ds(seg, COLS_PER_B * K)], sem)
        return _

    with jax.named_scope("ph_b_topk"):
        lax.fori_loop(0, NB, bin_block, jnp.int32(0))

    for b in range(NB):
        for segbase in (0, S * K):
            seg = segbase + b * (COLS_PER_B * K)
            pltpu.make_async_copy(
                feat_hbm.at[gidx_v.at[pl.ds(seg, COLS_PER_B * K)]],
                rows_v.at[pl.ds(seg, COLS_PER_B * K)], sem).wait()

    def composite(c, _):
        wv0 = w_v[pl.ds(c * 16, 16)]
        wv1 = w_v[pl.ds((S + c) * 16, 16)]
        for cb in range(C // 16):
            acc0 = jnp.zeros((16,), jnp.float32)
            acc1 = jnp.zeros((16,), jnp.float32)
            for k in range(K):
                acc0 = acc0 + wv0[k] * rows_v[c * K + k, pl.ds(cb * 16, 16)]
                acc1 = acc1 + wv1[k] * rows_v[(S + c) * K + k,
                                              pl.ds(cb * 16, 16)]
            out_v[0, c, pl.ds(cb * 16, 16)] = acc0
            out_v[1, c, pl.ds(cb * 16, 16)] = acc1
        return _

    with jax.named_scope("ph_c_composite"):
        lax.fori_loop(0, S, composite, jnp.int32(0))

    pltpu.sync_copy(out_v, img_hbm.at[0, pl.ds(r0, ROWS_PER_W)])
    pltpu.sync_copy(depth_v, depth_hbm.at[pl.ds(r0, ROWS_PER_W)])


@jax.jit
def kernel(points, features):
    mesh = plsc.VectorSubcoreMesh(core_axis_name="c", subcore_axis_name="s")
    run = functools.partial(
        pl.kernel,
        mesh=mesh,
        compiler_params=pltpu.CompilerParams(
            needs_layout_passes=False, use_tc_tiling_on_sc=False),
        out_type=[
            jax.ShapeDtypeStruct((1, S, S, C), jnp.float32),
            jax.ShapeDtypeStruct((S, S), jnp.float32),
        ],
        scratch_types=[
            pltpu.VMEM((P * 3,), jnp.float32),
            pltpu.VMEM((CAP,), jnp.int32),
            pltpu.VMEM((NB * BCAP,), jnp.float32),
            pltpu.VMEM((NB * BCAP,), jnp.float32),
            pltpu.VMEM((NB * BCAP,), jnp.float32),
            pltpu.VMEM((NB * BCAP,), jnp.int32),
            pltpu.VMEM((16,), jnp.int32),
            pltpu.VMEM((PIX_PER_W * K,), jnp.int32),
            pltpu.VMEM((PIX_PER_W * 16,), jnp.float32),
            pltpu.VMEM((PIX_PER_W * K, C), jnp.float32),
            pltpu.VMEM((ROWS_PER_W, S, C), jnp.float32),
            pltpu.VMEM((ROWS_PER_W, S), jnp.float32),
            pltpu.SemaphoreType.DMA,
        ],
    )(_kernel_body)

    images, depth = run(points.T.reshape(-1), features)
    return images, depth[..., None]

# --- scband reference (transcript-rebuilt; emitter-appended) ---
"""Pipeline reference for scband-points-renderer-19104014533437 (READ-ONLY COPY).

The authoritative reference and input builder live on the scoring server;
editing this copy changes nothing except your own understanding.
"""

import jax, jax.numpy as jnp
import numpy as np

S = 64      # image_size
K = 8       # points_per_pixel
R = 0.05    # raster radius in NDC
C = 64      # feature channels
P = 8192    # number of points (packed)


def setup_inputs(seed: int = 0) -> dict:
    key = jax.random.key(seed)
    k1, k2, k3 = jax.random.split(key, 3)
    pts_xy = jax.random.uniform(k1, (P, 2), minval=-1.0, maxval=1.0, dtype=jnp.float32)
    pts_z = jax.random.uniform(k2, (P, 1), minval=0.5, maxval=2.0, dtype=jnp.float32)
    points = jnp.concatenate([pts_xy, pts_z], axis=1)   # NDC xy + depth z
    features = jax.random.normal(k3, (P, C), dtype=jnp.float32)
    return {"points": points, "features": features}


def _rasterize(points):
    # Faithful (brute-force) point rasterization: for each pixel, find the K
    # nearest-in-depth points whose NDC xy distance to the pixel center is < R.
    # Produces fragments (idx, zbuf, dists) exactly like pytorch3d's
    # PointsRasterizer (idx/zbuf/dists = -1 for empty slots).
    centers = (jnp.arange(S, dtype=jnp.float32) + 0.5) / S * 2.0 - 1.0
    pix_y, pix_x = jnp.meshgrid(centers, centers, indexing="ij")
    pix_x = pix_x.reshape(-1)
    pix_y = pix_y.reshape(-1)
    px, py, pz = points[:, 0], points[:, 1], points[:, 2]
    dx = pix_x[:, None] - px[None, :]
    dy = pix_y[:, None] - py[None, :]
    dist2 = dx * dx + dy * dy                        # [S*S, P]
    within = dist2 < (R * R)
    score = jnp.where(within, -pz[None, :], jnp.float32(-1e10))
    vals, idx = jax.lax.top_k(score, K)              # front-most K within radius
    valid = vals > -1e9
    idx_out = jnp.where(valid, idx, -1)
    zbuf = jnp.where(valid, -vals, -1.0)
    d = jnp.take_along_axis(dist2, jnp.maximum(idx, 0), axis=1)
    dists = jnp.where(valid, d, -1.0)
    return (idx_out.reshape(1, S, S, K),
            zbuf.reshape(1, S, S, K),
            dists.reshape(1, S, S, K))


def reference(points, features):
    # fragments = rasterizer(point_clouds)
    idx, zbuf, dists = _rasterize(points)
    # depth_map = fragments[1][0, ..., :1]  (zbuf of first batch element)
    depth_map = zbuf[0, ..., :1]
    # weights = 1 - dists2 / (r * r)
    weights = 1.0 - dists / (R * R)
    # NormWeightedCompositor: weighted-sum of gathered features normalized by
    # the weight sum; slots with idx < 0 are skipped (weight forced to 0).
    mask = idx >= 0
    w = jnp.where(mask, weights, 0.0)                # [1, S, S, K]
    safe_idx = jnp.maximum(idx, 0)
    feats = features[safe_idx]                       # gather -> [1, S, S, K, C]
    num = jnp.sum(w[..., None] * feats, axis=3)      # [1, S, S, C]
    denom = jnp.maximum(jnp.sum(w, axis=3, keepdims=True), 1e-10)
    images = num / denom                             # already NHWC (matches final permute)
    return images, depth_map

if __name__ == "__main__":
    import jax
    _d = setup_inputs()
    print(jax.jit(kernel)(*tuple(_d.values())))

</pallas_src>

<mosaic_0001>
#map = affine_map<(d0, d1) -> (0)>
#map1 = affine_map<(d0, d1) -> (0, 0)>
#map2 = affine_map<(d0, d1) -> (0, 0, 0, 0)>
module attributes {stable_mosaic.version = 14 : i64} {
  func.func @_kernel_body(%arg0: i32, %arg1: i32, %arg2: memref<24576xf32, #tpu.memory_space<hbm>>, %arg3: memref<8192x64xf32, #tpu.memory_space<hbm>>, %arg4: memref<1x64x64x64xf32, #tpu.memory_space<hbm>>, %arg5: memref<64x64xf32, #tpu.memory_space<hbm>>, %arg6: memref<24576xf32, #tpu.memory_space<vmem>>, %arg7: memref<2048xi32, #tpu.memory_space<vmem>>, %arg8: memref<3072xf32, #tpu.memory_space<vmem>>, %arg9: memref<3072xf32, #tpu.memory_space<vmem>>, %arg10: memref<3072xf32, #tpu.memory_space<vmem>>, %arg11: memref<3072xi32, #tpu.memory_space<vmem>>, %arg12: memref<16xi32, #tpu.memory_space<vmem>>, %arg13: memref<1024xi32, #tpu.memory_space<vmem>>, %arg14: memref<2048xf32, #tpu.memory_space<vmem>>, %arg15: memref<1024x64xf32, #tpu.memory_space<vmem>>, %arg16: memref<2x64x64xf32, #tpu.memory_space<vmem>>, %arg17: memref<2x64xf32, #tpu.memory_space<vmem>>, %arg18: memref<!tpu.dma_semaphore, #tpu.memory_space<semaphore_mem>>) attributes {dimension_semantics = [#tpu.dimension_semantics<core_parallel>, #tpu.dimension_semantics<subcore_parallel>], iteration_bounds = array<i64: 2, 16>, scalar_prefetch = 0 : i64, scratch_operands = 13 : i64, tpu.core_type = #tpu.core_type<sc_vector_subcore>, window_params = [{transform_indices = #map}, {transform_indices = #map1}, {transform_indices = #map2}, {transform_indices = #map1}]} {
    %mul3A = arith.constant 2 : i32
    %mul3A_0 = arith.muli %arg1, %mul3A : i32
    %add3A = arith.addi %mul3A_0, %arg0 : i32
    %iota3A = tpu.iota {dimensions = array<i32: 0>} : vector<16xi32>
    %lt3A = arith.constant 16 : i32
    %lt3A_1 = vector.broadcast %lt3A : i32 to vector<16xi32>
    %lt3A_2 = arith.cmpi slt, %iota3A, %lt3A_1 : vector<16xi32>
    %lt3A_3 = arith.constant 8 : i32
    %lt3A_4 = vector.broadcast %lt3A_3 : i32 to vector<16xi32>
    %lt3A_5 = arith.cmpi slt, %iota3A, %lt3A_4 : vector<16xi32>
    "tpu.region"() ({
      %run_scoped3A_205 = tpu.sem_alloc : memref<!tpu.dma_semaphore, #tpu.memory_space<semaphore_mem>>
      tpu.enqueue_dma source(%arg2 : memref<24576xf32, #tpu.memory_space<hbm>>) target(%arg6 : memref<24576xf32, #tpu.memory_space<vmem>>) target_semaphore(%run_scoped3A_205 : memref<!tpu.dma_semaphore, #tpu.memory_space<semaphore_mem>>)
      tpu.wait_dma2 semaphore(%run_scoped3A_205 : memref<!tpu.dma_semaphore, #tpu.memory_space<semaphore_mem>>) src(%arg2 : memref<24576xf32, #tpu.memory_space<hbm>>) dst(%arg6 : memref<24576xf32, #tpu.memory_space<vmem>>)
      tpu.yield
    }) : () -> ()
    %mul3A_6 = arith.constant 2 : i32
    %mul3A_7 = arith.muli %add3A, %mul3A_6 : i32
    %convert_element_type3A = arith.sitofp %mul3A_7 : i32 to f32
    %add3A_8 = arith.constant 5.000000e-01 : f32
    %add3A_9 = arith.addf %convert_element_type3A, %add3A_8 : f32
    %mul3A_10 = arith.constant 3.125000e-02 : f32
    %mul3A_11 = arith.mulf %add3A_9, %mul3A_10 : f32
    %sub3A = arith.constant 1.000000e+00 : f32
    %sub3A_12 = arith.subf %mul3A_11, %sub3A : f32
    %sub3A_13 = arith.constant 5.000000e-02 : f32
    %sub3A_14 = arith.subf %sub3A_12, %sub3A_13 : f32
    %add3A_15 = arith.constant 1.000000e+00 : f32
    %add3A_16 = arith.addf %convert_element_type3A, %add3A_15 : f32
    %add3A_17 = arith.constant 5.000000e-01 : f32
    %add3A_18 = arith.addf %add3A_16, %add3A_17 : f32
    %mul3A_19 = arith.constant 3.125000e-02 : f32
    %mul3A_20 = arith.mulf %add3A_18, %mul3A_19 : f32
    %sub3A_21 = arith.constant 1.000000e+00 : f32
    %sub3A_22 = arith.subf %mul3A_20, %sub3A_21 : f32
    %add3A_23 = arith.constant 5.000000e-02 : f32
    %add3A_24 = arith.addf %sub3A_22, %add3A_23 : f32
    "tpu.trace_start"() <{level = 10 : i32, message = "ph_a_compact"}> : () -> ()
    %scan3A = arith.constant 0 : i32
    %scan3A_25 = arith.constant 0 : i32
    %scan3A_26 = arith.constant 256 : i32
    %scan3A_27 = arith.addi %scan3A_25, %scan3A_26 : i32
    %scan3A_28 = arith.constant 1 : i32
    %scan3A_29 = scf.for %scan3A_205 = %scan3A_25 to %scan3A_27 step %scan3A_28 iter_args(%scan3A_206 = %scan3A) -> (i32)  : i32 {
      %mul3A_207 = arith.constant 32 : i32
      %mul3A_208 = arith.muli %scan3A_205, %mul3A_207 : i32
      %add3A_209 = arith.constant 0 : i32
      %add3A_210 = arith.addi %mul3A_208, %add3A_209 : i32
      %add3A_211 = vector.broadcast %add3A_210 : i32 to vector<16xi32>
      %add3A_212 = arith.addi %add3A_211, %iota3A : vector<16xi32>
      %mul3A_213 = arith.constant 32 : i32
      %mul3A_214 = arith.muli %scan3A_205, %mul3A_213 : i32
      %add3A_215 = arith.constant 8192 : i32
      %add3A_216 = arith.addi %add3A_215, %mul3A_214 : i32
      %add3A_217 = arith.constant 0 : i32
      %add3A_218 = arith.addi %add3A_216, %add3A_217 : i32
      %get3A_219 = arith.index_cast %add3A_218 : i32 to index
      %get3A_220 = tpu.vector_load %arg6[%get3A_219] {strides = array<i32>} : memref<24576xf32, #tpu.memory_space<vmem>>, vector<16xf32>,
      %ge3A = vector.broadcast %sub3A_14 : f32 to vector<16xf32>
      %ge3A_221 = arith.cmpf oge, %get3A_220, %ge3A : vector<16xf32>
      %le3A = vector.broadcast %add3A_24 : f32 to vector<16xf32>
      %le3A_222 = arith.cmpf ole, %get3A_220, %le3A : vector<16xf32>
      %and3A_223 = arith.andi %ge3A_221, %le3A_222 : vector<16xi1>
      %convert_element_type3A_224 = arith.extui %and3A_223 : vector<16xi1> to vector<16xi32>
      %broadcast_in_dim3A = arith.constant true
      %broadcast_in_dim3A_225 = vector.broadcast %broadcast_in_dim3A : i1 to vector<16xi1>
      %masked_cumsum3A = tpu.scan <sum>, %convert_element_type3A_224 masked %broadcast_in_dim3A_225 : vector<16xi32>, vector<16xi1> -> vector<16xi32>
      %add3A_226 = vector.broadcast %scan3A_206 : i32 to vector<16xi32>
      %add3A_227 = arith.addi %add3A_226, %masked_cumsum3A : vector<16xi32>
      %sub3A_228 = arith.constant 1 : i32
      %sub3A_229 = vector.broadcast %sub3A_228 : i32 to vector<16xi32>
      %sub3A_230 = arith.subi %add3A_227, %sub3A_229 : vector<16xi32>
      %min3A = arith.constant 2047 : i32
      %min3A_231 = vector.broadcast %min3A : i32 to vector<16xi32>
      %min3A_232 = arith.minsi %sub3A_230, %min3A_231 : vector<16xi32>
      tpu.vector_store_idx %arg7[%min3A_232], %add3A_212 masked %and3A_223 : memref<2048xi32, #tpu.memory_space<vmem>>[vector<16xi32>], vector<16xi32>, vector<16xi1>
      %reduce_sum3A = arith.constant true
      %reduce_sum3A_233 = vector.broadcast %reduce_sum3A : i1 to vector<16xi1>
      %reduce_sum3A_234 = tpu.scan <sum>, %convert_element_type3A_224 masked %reduce_sum3A_233 : vector<16xi32>, vector<16xi1> -> vector<16xi32>
      %reduce_sum3A_235 = vector.extract %reduce_sum3A_234[15] : i32 from vector<16xi32>
      %add3A_236 = arith.addi %scan3A_206, %reduce_sum3A_235 : i32
      %min3A_237 = arith.constant 2048 : i32
      %min3A_238 = arith.minsi %add3A_236, %min3A_237 : i32
      %mul3A_239 = arith.constant 32 : i32
      %mul3A_240 = arith.muli %scan3A_205, %mul3A_239 : i32
      %add3A_241 = arith.constant 16 : i32
      %add3A_242 = arith.addi %mul3A_240, %add3A_241 : i32
      %add3A_243 = vector.broadcast %add3A_242 : i32 to vector<16xi32>
      %add3A_244 = arith.addi %add3A_243, %iota3A : vector<16xi32>
      %mul3A_245 = arith.constant 32 : i32
      %mul3A_246 = arith.muli %scan3A_205, %mul3A_245 : i32
      %add3A_247 = arith.constant 8192 : i32
      %add3A_248 = arith.addi %add3A_247, %mul3A_246 : i32
      %add3A_249 = arith.constant 16 : i32
      %add3A_250 = arith.addi %add3A_248, %add3A_249 : i32
      %get3A_251 = arith.index_cast %add3A_250 : i32 to index
      %get3A_252 = tpu.vector_load %arg6[%get3A_251] {strides = array<i32>} : memref<24576xf32, #tpu.memory_space<vmem>>, vector<16xf32>,
      %ge3A_253 = vector.broadcast %sub3A_14 : f32 to vector<16xf32>
      %ge3A_254 = arith.cmpf oge, %get3A_252, %ge3A_253 : vector<16xf32>
      %le3A_255 = vector.broadcast %add3A_24 : f32 to vector<16xf32>
      %le3A_256 = arith.cmpf ole, %get3A_252, %le3A_255 : vector<16xf32>
      %and3A_257 = arith.andi %ge3A_254, %le3A_256 : vector<16xi1>
      %convert_element_type3A_258 = arith.extui %and3A_257 : vector<16xi1> to vector<16xi32>
      %broadcast_in_dim3A_259 = arith.constant true
      %broadcast_in_dim3A_260 = vector.broadcast %broadcast_in_dim3A_259 : i1 to vector<16xi1>
      %masked_cumsum3A_261 = tpu.scan <sum>, %convert_element_type3A_258 masked %broadcast_in_dim3A_260 : vector<16xi32>, vector<16xi1> -> vector<16xi32>
      %add3A_262 = vector.broadcast %min3A_238 : i32 to vector<16xi32>
      %add3A_263 = arith.addi %add3A_262, %masked_cumsum3A_261 : vector<16xi32>
      %sub3A_264 = arith.constant 1 : i32
      %sub3A_265 = vector.broadcast %sub3A_264 : i32 to vector<16xi32>
      %sub3A_266 = arith.subi %add3A_263, %sub3A_265 : vector<16xi32>
      %min3A_267 = arith.constant 2047 : i32
      %min3A_268 = vector.broadcast %min3A_267 : i32 to vector<16xi32>
      %min3A_269 = arith.minsi %sub3A_266, %min3A_268 : vector<16xi32>
      tpu.vector_store_idx %arg7[%min3A_269], %add3A_244 masked %and3A_257 : memref<2048xi32, #tpu.memory_space<vmem>>[vector<16xi32>], vector<16xi32>, vector<16xi1>
      %reduce_sum3A_270 = arith.constant true
      %reduce_sum3A_271 = vector.broadcast %reduce_sum3A_270 : i1 to vector<16xi1>
      %reduce_sum3A_272 = tpu.scan <sum>, %convert_element_type3A_258 masked %reduce_sum3A_271 : vector<16xi32>, vector<16xi1> -> vector<16xi32>
      %reduce_sum3A_273 = vector.extract %reduce_sum3A_272[15] : i32 from vector<16xi32>
      %add3A_274 = arith.addi %min3A_238, %reduce_sum3A_273 : i32
      %min3A_275 = arith.constant 2048 : i32
      %min3A_276 = arith.minsi %add3A_274, %min3A_275 : i32
      scf.yield %min3A_276 : i32
    }
    %scan3A_30 = arith.constant 256 : i32
    "tpu.trace_stop"() : () -> ()
    %add3A_31 = arith.constant 15 : i32
    %add3A_32 = arith.addi %scan3A_29, %add3A_31 : i32
    %jit3A = arith.constant 16 : i32
    %div3A = arith.divsi %add3A_32, %jit3A : i32
    %sign3A = arith.constant 0 : i32
    %sign3A_33 = arith.cmpi sgt, %add3A_32, %sign3A : i32
    %sign3A_34 = arith.extui %sign3A_33 : i1 to i32
    %sign3A_35 = arith.constant 0 : i32
    %sign3A_36 = arith.cmpi slt, %add3A_32, %sign3A_35 : i32
    %sign3A_37 = arith.extui %sign3A_36 : i1 to i32
    %sign3A_38 = arith.subi %sign3A_34, %sign3A_37 : i32
    %sign3A_39 = arith.constant 0 : i32
    %sign3A_40 = arith.cmpi sgt, %jit3A, %sign3A_39 : i32
    %sign3A_41 = arith.extui %sign3A_40 : i1 to i32
    %sign3A_42 = arith.constant 0 : i32
    %sign3A_43 = arith.cmpi slt, %jit3A, %sign3A_42 : i32
    %sign3A_44 = arith.extui %sign3A_43 : i1 to i32
    %sign3A_45 = arith.subi %sign3A_41, %sign3A_44 : i32
    %ne3A = arith.cmpi ne, %sign3A_38, %sign3A_45 : i32
    %rem3A = arith.remsi %add3A_32, %jit3A : i32
    %ne3A_46 = arith.constant 0 : i32
    %ne3A_47 = arith.cmpi ne, %rem3A, %ne3A_46 : i32
    %and3A = arith.andi %ne3A, %ne3A_47 : i1
    %sub3A_48 = arith.constant 1 : i32
    %sub3A_49 = arith.subi %div3A, %sub3A_48 : i32
    %select_n3A = arith.select %and3A, %sub3A_49, %div3A : i32
    "tpu.trace_start"() <{level = 10 : i32, message = "ph_a2_bin"}> : () -> ()
    %scan3A_50 = arith.constant 0 : i32
    %scan3A_51 = arith.constant 0 : i32
    %scan3A_52 = arith.constant 8 : i32
    %scan3A_53 = arith.addi %scan3A_51, %scan3A_52 : i32
    %scan3A_54 = arith.constant 1 : i32
    scf.for %scan3A_205 = %scan3A_51 to %scan3A_53 step %scan3A_54  : i32 {
      %convert_element_type3A_206 = arith.sitofp %scan3A_205 : i32 to f32
      %mul3A_207 = arith.constant 8.000000e+00 : f32
      %mul3A_208 = arith.mulf %convert_element_type3A_206, %mul3A_207 : f32
      %add3A_209 = arith.constant 5.000000e-01 : f32
      %add3A_210 = arith.addf %mul3A_208, %add3A_209 : f32
      %mul3A_211 = arith.constant 3.125000e-02 : f32
      %mul3A_212 = arith.mulf %add3A_210, %mul3A_211 : f32
      %sub3A_213 = arith.constant 1.000000e+00 : f32
      %sub3A_214 = arith.subf %mul3A_212, %sub3A_213 : f32
      %sub3A_215 = arith.constant 5.000000e-02 : f32
      %sub3A_216 = arith.subf %sub3A_214, %sub3A_215 : f32
      %mul3A_217 = arith.constant 8.000000e+00 : f32
      %mul3A_218 = arith.mulf %convert_element_type3A_206, %mul3A_217 : f32
      %add3A_219 = arith.constant 7.000000e+00 : f32
      %add3A_220 = arith.addf %mul3A_218, %add3A_219 : f32
      %add3A_221 = arith.constant 5.000000e-01 : f32
      %add3A_222 = arith.addf %add3A_220, %add3A_221 : f32
      %mul3A_223 = arith.constant 3.125000e-02 : f32
      %mul3A_224 = arith.mulf %add3A_222, %mul3A_223 : f32
      %sub3A_225 = arith.constant 1.000000e+00 : f32
      %sub3A_226 = arith.subf %mul3A_224, %sub3A_225 : f32
      %add3A_227 = arith.constant 5.000000e-02 : f32
      %add3A_228 = arith.addf %sub3A_226, %add3A_227 : f32
      %while3A = arith.constant 0 : i32
      %while3A_229 = arith.constant 0 : i32
      %while3A_230 = arith.subi %select_n3A, %while3A : i32
      %while3A_231 = arith.addi %while3A, %while3A_230 : i32
      %while3A_232 = arith.constant 1 : i32
      %while3A_233 = arith.divsi %while3A_230, %while3A_232 : i32
      %while3A_234 = arith.muli %while3A_233, %while3A_232 : i32
      %while3A_235 = arith.addi %while3A, %while3A_234 : i32
      %while3A_236 = arith.constant 1 : i32
      %while3A_237 = scf.for %while3A_250 = %while3A to %while3A_235 step %while3A_236 iter_args(%while3A_251 = %while3A_229) -> (i32)  : i32 {
        %mul3A_252 = arith.constant 16 : i32
        %mul3A_253 = arith.muli %while3A_250, %mul3A_252 : i32
        %add3A_254 = vector.broadcast %mul3A_253 : i32 to vector<16xi32>
        %add3A_255 = arith.addi %add3A_254, %iota3A : vector<16xi32>
        %lt3A_256 = vector.broadcast %scan3A_29 : i32 to vector<16xi32>
        %lt3A_257 = arith.cmpi slt, %add3A_255, %lt3A_256 : vector<16xi32>
        %mul3A_258 = arith.constant 16 : i32
        %mul3A_259 = arith.muli %while3A_250, %mul3A_258 : i32
        %get3A_260 = arith.index_cast %mul3A_259 : i32 to index
        %get3A_261 = tpu.vector_load %arg7[%get3A_260] {strides = array<i32>} : memref<2048xi32, #tpu.memory_space<vmem>>, vector<16xi32>,
        %jit3A_262 = arith.constant 0 : i32
        %broadcast_in_dim3A_263 = vector.broadcast %jit3A_262 : i32 to vector<16xi32>
        %select_n3A_264 = arith.select %lt3A_257, %get3A_261, %broadcast_in_dim3A_263 : vector<16xi1>, vector<16xi32>
        %gather3A = tpu.vector_load_idx %arg6[%select_n3A_264] : memref<24576xf32, #tpu.memory_space<vmem>>[vector<16xi32>], vector<16xf32>,
        %ge3A = vector.broadcast %sub3A_216 : f32 to vector<16xf32>
        %ge3A_265 = arith.cmpf oge, %gather3A, %ge3A : vector<16xf32>
        %and3A_266 = arith.andi %lt3A_257, %ge3A_265 : vector<16xi1>
        %le3A = vector.broadcast %add3A_228 : f32 to vector<16xf32>
        %le3A_267 = arith.cmpf ole, %gather3A, %le3A : vector<16xf32>
        %and3A_268 = arith.andi %and3A_266, %le3A_267 : vector<16xi1>
        %convert_element_type3A_269 = arith.extui %and3A_268 : vector<16xi1> to vector<16xi32>
        %mul3A_270 = arith.constant 384 : i32
        %mul3A_271 = arith.muli %scan3A_205, %mul3A_270 : i32
        %broadcast_in_dim3A_272 = arith.constant true
        %broadcast_in_dim3A_273 = vector.broadcast %broadcast_in_dim3A_272 : i1 to vector<16xi1>
        %masked_cumsum3A = tpu.scan <sum>, %convert_element_type3A_269 masked %broadcast_in_dim3A_273 : vector<16xi32>, vector<16xi1> -> vector<16xi32>
        %add3A_274 = vector.broadcast %while3A_251 : i32 to vector<16xi32>
        %add3A_275 = arith.addi %add3A_274, %masked_cumsum3A : vector<16xi32>
        %sub3A_276 = arith.constant 1 : i32
        %sub3A_277 = vector.broadcast %sub3A_276 : i32 to vector<16xi32>
        %sub3A_278 = arith.subi %add3A_275, %sub3A_277 : vector<16xi32>
        %min3A = arith.constant 383 : i32
        %min3A_279 = vector.broadcast %min3A : i32 to vector<16xi32>
        %min3A_280 = arith.minsi %sub3A_278, %min3A_279 : vector<16xi32>
        %add3A_281 = vector.broadcast %mul3A_271 : i32 to vector<16xi32>
        %add3A_282 = arith.addi %add3A_281, %min3A_280 : vector<16xi32>
        %add3A_283 = arith.constant 8192 : i32
        %add3A_284 = vector.broadcast %add3A_283 : i32 to vector<16xi32>
        %add3A_285 = arith.addi %select_n3A_264, %add3A_284 : vector<16xi32>
        %gather3A_286 = tpu.vector_load_idx %arg6[%add3A_285] : memref<24576xf32, #tpu.memory_space<vmem>>[vector<16xi32>], vector<16xf32>,
        %add3A_287 = arith.constant 16384 : i32
        %add3A_288 = vector.broadcast %add3A_287 : i32 to vector<16xi32>
        %add3A_289 = arith.addi %select_n3A_264, %add3A_288 : vector<16xi32>
        %gather3A_290 = tpu.vector_load_idx %arg6[%add3A_289] : memref<24576xf32, #tpu.memory_space<vmem>>[vector<16xi32>], vector<16xf32>,
        tpu.vector_store_idx %arg8[%add3A_282], %gather3A masked %and3A_268 : memref<3072xf32, #tpu.memory_space<vmem>>[vector<16xi32>], vector<16xf32>, vector<16xi1>
        tpu.vector_store_idx %arg9[%add3A_282], %gather3A_286 masked %and3A_268 : memref<3072xf32, #tpu.memory_space<vmem>>[vector<16xi32>], vector<16xf32>, vector<16xi1>
        tpu.vector_store_idx %arg10[%add3A_282], %gather3A_290 masked %and3A_268 : memref<3072xf32, #tpu.memory_space<vmem>>[vector<16xi32>], vector<16xf32>, vector<16xi1>
        tpu.vector_store_idx %arg11[%add3A_282], %select_n3A_264 masked %and3A_268 : memref<3072xi32, #tpu.memory_space<vmem>>[vector<16xi32>], vector<16xi32>, vector<16xi1>
        %reduce_sum3A = arith.constant true
        %reduce_sum3A_291 = vector.broadcast %reduce_sum3A : i1 to vector<16xi1>
        %reduce_sum3A_292 = tpu.scan <sum>, %convert_element_type3A_269 masked %reduce_sum3A_291 : vector<16xi32>, vector<16xi1> -> vector<16xi32>
        %reduce_sum3A_293 = vector.extract %reduce_sum3A_292[15] : i32 from vector<16xi32>
        %add3A_294 = arith.addi %while3A_251, %reduce_sum3A_293 : i32
        %min3A_295 = arith.constant 368 : i32
        %min3A_296 = arith.minsi %add3A_294, %min3A_295 : i32
        scf.yield %min3A_296 : i32
      }
      %while3A_238 = arith.constant 1 : i32
      %while3A_239 = scf.for %while3A_250 = %while3A_235 to %while3A_231 step %while3A_238 iter_args(%while3A_251 = %while3A_237) -> (i32)  : i32 {
        %mul3A_252 = arith.constant 16 : i32
        %mul3A_253 = arith.muli %while3A_250, %mul3A_252 : i32
        %add3A_254 = vector.broadcast %mul3A_253 : i32 to vector<16xi32>
        %add3A_255 = arith.addi %add3A_254, %iota3A : vector<16xi32>
        %lt3A_256 = vector.broadcast %scan3A_29 : i32 to vector<16xi32>
        %lt3A_257 = arith.cmpi slt, %add3A_255, %lt3A_256 : vector<16xi32>
        %mul3A_258 = arith.constant 16 : i32
        %mul3A_259 = arith.muli %while3A_250, %mul3A_258 : i32
        %get3A_260 = arith.index_cast %mul3A_259 : i32 to index
        %get3A_261 = tpu.vector_load %arg7[%get3A_260] {strides = array<i32>} : memref<2048xi32, #tpu.memory_space<vmem>>, vector<16xi32>,
        %jit3A_262 = arith.constant 0 : i32
        %broadcast_in_dim3A_263 = vector.broadcast %jit3A_262 : i32 to vector<16xi32>
        %select_n3A_264 = arith.select %lt3A_257, %get3A_261, %broadcast_in_dim3A_263 : vector<16xi1>, vector<16xi32>
        %gather3A = tpu.vector_load_idx %arg6[%select_n3A_264] : memref<24576xf32, #tpu.memory_space<vmem>>[vector<16xi32>], vector<16xf32>,
        %ge3A = vector.broadcast %sub3A_216 : f32 to vector<16xf32>
        %ge3A_265 = arith.cmpf oge, %gather3A, %ge3A : vector<16xf32>
        %and3A_266 = arith.andi %lt3A_257, %ge3A_265 : vector<16xi1>
        %le3A = vector.broadcast %add3A_228 : f32 to vector<16xf32>
        %le3A_267 = arith.cmpf ole, %gather3A, %le3A : vector<16xf32>
        %and3A_268 = arith.andi %and3A_266, %le3A_267 : vector<16xi1>
        %convert_element_type3A_269 = arith.extui %and3A_268 : vector<16xi1> to vector<16xi32>
        %mul3A_270 = arith.constant 384 : i32
        %mul3A_271 = arith.muli %scan3A_205, %mul3A_270 : i32
        %broadcast_in_dim3A_272 = arith.constant true
        %broadcast_in_dim3A_273 = vector.broadcast %broadcast_in_dim3A_272 : i1 to vector<16xi1>
        %masked_cumsum3A = tpu.scan <sum>, %convert_element_type3A_269 masked %broadcast_in_dim3A_273 : vector<16xi32>, vector<16xi1> -> vector<16xi32>
        %add3A_274 = vector.broadcast %while3A_251 : i32 to vector<16xi32>
        %add3A_275 = arith.addi %add3A_274, %masked_cumsum3A : vector<16xi32>
        %sub3A_276 = arith.constant 1 : i32
        %sub3A_277 = vector.broadcast %sub3A_276 : i32 to vector<16xi32>
        %sub3A_278 = arith.subi %add3A_275, %sub3A_277 : vector<16xi32>
        %min3A = arith.constant 383 : i32
        %min3A_279 = vector.broadcast %min3A : i32 to vector<16xi32>
        %min3A_280 = arith.minsi %sub3A_278, %min3A_279 : vector<16xi32>
        %add3A_281 = vector.broadcast %mul3A_271 : i32 to vector<16xi32>
        %add3A_282 = arith.addi %add3A_281, %min3A_280 : vector<16xi32>
        %add3A_283 = arith.constant 8192 : i32
        %add3A_284 = vector.broadcast %add3A_283 : i32 to vector<16xi32>
        %add3A_285 = arith.addi %select_n3A_264, %add3A_284 : vector<16xi32>
        %gather3A_286 = tpu.vector_load_idx %arg6[%add3A_285] : memref<24576xf32, #tpu.memory_space<vmem>>[vector<16xi32>], vector<16xf32>,
        %add3A_287 = arith.constant 16384 : i32
        %add3A_288 = vector.broadcast %add3A_287 : i32 to vector<16xi32>
        %add3A_289 = arith.addi %select_n3A_264, %add3A_288 : vector<16xi32>
        %gather3A_290 = tpu.vector_load_idx %arg6[%add3A_289] : memref<24576xf32, #tpu.memory_space<vmem>>[vector<16xi32>], vector<16xf32>,
        tpu.vector_store_idx %arg8[%add3A_282], %gather3A masked %and3A_268 : memref<3072xf32, #tpu.memory_space<vmem>>[vector<16xi32>], vector<16xf32>, vector<16xi1>
        tpu.vector_store_idx %arg9[%add3A_282], %gather3A_286 masked %and3A_268 : memref<3072xf32, #tpu.memory_space<vmem>>[vector<16xi32>], vector<16xf32>, vector<16xi1>
        tpu.vector_store_idx %arg10[%add3A_282], %gather3A_290 masked %and3A_268 : memref<3072xf32, #tpu.memory_space<vmem>>[vector<16xi32>], vector<16xf32>, vector<16xi1>
        tpu.vector_store_idx %arg11[%add3A_282], %select_n3A_264 masked %and3A_268 : memref<3072xi32, #tpu.memory_space<vmem>>[vector<16xi32>], vector<16xi32>, vector<16xi1>
        %reduce_sum3A = arith.constant true
        %reduce_sum3A_291 = vector.broadcast %reduce_sum3A : i1 to vector<16xi1>
        %reduce_sum3A_292 = tpu.scan <sum>, %convert_element_type3A_269 masked %reduce_sum3A_291 : vector<16xi32>, vector<16xi1> -> vector<16xi32>
        %reduce_sum3A_293 = vector.extract %reduce_sum3A_292[15] : i32 from vector<16xi32>
        %add3A_294 = arith.addi %while3A_251, %reduce_sum3A_293 : i32
        %min3A_295 = arith.constant 368 : i32
        %min3A_296 = arith.minsi %add3A_294, %min3A_295 : i32
        scf.yield %min3A_296 : i32
      }
      %mul3A_240 = arith.constant 384 : i32
      %mul3A_241 = arith.muli %scan3A_205, %mul3A_240 : i32
      %add3A_242 = arith.addi %mul3A_241, %while3A_239 : i32
      %add3A_243 = vector.broadcast %add3A_242 : i32 to vector<16xi32>
      %add3A_244 = arith.addi %add3A_243, %iota3A : vector<16xi32>
      %broadcast_in_dim3A = arith.constant 1.000000e+09 : f32
      %broadcast_in_dim3A_245 = vector.broadcast %broadcast_in_dim3A : f32 to vector<16xf32>
      tpu.vector_store_idx %arg8[%add3A_244], %broadcast_in_dim3A_245 masked %lt3A_2 : memref<3072xf32, #tpu.memory_space<vmem>>[vector<16xi32>], vector<16xf32>, vector<16xi1>
      %broadcast_in_dim3A_246 = vector.broadcast %scan3A_205 : i32 to vector<16xi32>
      %broadcast_in_dim3A_247 = vector.broadcast %while3A_239 : i32 to vector<16xi32>
      %eq3A = arith.constant 0 : i32
      %eq3A_248 = vector.broadcast %eq3A : i32 to vector<16xi32>
      %eq3A_249 = arith.cmpi eq, %iota3A, %eq3A_248 : vector<16xi32>
      tpu.vector_store_idx %arg12[%broadcast_in_dim3A_246], %broadcast_in_dim3A_247 masked %eq3A_249 : memref<16xi32, #tpu.memory_space<vmem>>[vector<16xi32>], vector<16xi32>, vector<16xi1>
    }
    %scan3A_55 = arith.constant 8 : i32
    "tpu.trace_stop"() : () -> ()
    %get3A = arith.constant 0 : index
    %get3A_56 = tpu.vector_load %arg12[%get3A] {strides = array<i32>} : memref<16xi32, #tpu.memory_space<vmem>>, vector<16xi32>,
    %convert_element_type3A_57 = arith.sitofp %mul3A_7 : i32 to f32
    %add3A_58 = arith.constant 5.000000e-01 : f32
    %add3A_59 = arith.addf %convert_element_type3A_57, %add3A_58 : f32
    %mul3A_60 = arith.constant 3.125000e-02 : f32
    %mul3A_61 = arith.mulf %add3A_59, %mul3A_60 : f32
    %sub3A_62 = arith.constant 1.000000e+00 : f32
    %sub3A_63 = arith.subf %mul3A_61, %sub3A_62 : f32
    %add3A_64 = arith.constant 3.125000e-02 : f32
    %add3A_65 = arith.addf %sub3A_63, %add3A_64 : f32
    "tpu.trace_start"() <{level = 10 : i32, message = "ph_b_topk"}> : () -> ()
    %scan3A_66 = arith.constant 0 : i32
    %scan3A_67 = arith.constant 0 : i32
    %scan3A_68 = arith.constant 8 : i32
    %scan3A_69 = arith.addi %scan3A_67, %scan3A_68 : i32
    %scan3A_70 = arith.constant 1 : i32
    scf.for %scan3A_205 = %scan3A_67 to %scan3A_69 step %scan3A_70  : i32 {
      %mul3A_206 = arith.constant 8 : i32
      %mul3A_207 = arith.muli %scan3A_205, %mul3A_206 : i32
      %add3A_208 = arith.constant 8 : i32
      %add3A_209 = arith.addi %mul3A_207, %add3A_208 : i32
      %while3A = arith.constant 0 : i32
      %while3A_210 = arith.subi %add3A_209, %mul3A_207 : i32
      %while3A_211 = arith.addi %mul3A_207, %while3A_210 : i32
      %while3A_212 = arith.constant 1 : i32
      %while3A_213 = arith.divsi %while3A_210, %while3A_212 : i32
      %while3A_214 = arith.muli %while3A_213, %while3A_212 : i32
      %while3A_215 = arith.addi %mul3A_207, %while3A_214 : i32
      %while3A_216 = arith.constant 1 : i32
      scf.for %while3A_237 = %mul3A_207 to %while3A_215 step %while3A_216  : i32 {
        %jit3A_238 = arith.constant 8 : i32
        %div3A_239 = arith.divsi %while3A_237, %jit3A_238 : i32
        %sign3A_240 = arith.constant 0 : i32
        %sign3A_241 = arith.cmpi sgt, %while3A_237, %sign3A_240 : i32
        %sign3A_242 = arith.extui %sign3A_241 : i1 to i32
        %sign3A_243 = arith.constant 0 : i32
        %sign3A_244 = arith.cmpi slt, %while3A_237, %sign3A_243 : i32
        %sign3A_245 = arith.extui %sign3A_244 : i1 to i32
        %sign3A_246 = arith.subi %sign3A_242, %sign3A_245 : i32
        %sign3A_247 = arith.constant 0 : i32
        %sign3A_248 = arith.cmpi sgt, %jit3A_238, %sign3A_247 : i32
        %sign3A_249 = arith.extui %sign3A_248 : i1 to i32
        %sign3A_250 = arith.constant 0 : i32
        %sign3A_251 = arith.cmpi slt, %jit3A_238, %sign3A_250 : i32
        %sign3A_252 = arith.extui %sign3A_251 : i1 to i32
        %sign3A_253 = arith.subi %sign3A_249, %sign3A_252 : i32
        %ne3A_254 = arith.cmpi ne, %sign3A_246, %sign3A_253 : i32
        %rem3A_255 = arith.remsi %while3A_237, %jit3A_238 : i32
        %ne3A_256 = arith.constant 0 : i32
        %ne3A_257 = arith.cmpi ne, %rem3A_255, %ne3A_256 : i32
        %and3A_258 = arith.andi %ne3A_254, %ne3A_257 : i1
        %sub3A_259 = arith.constant 1 : i32
        %sub3A_260 = arith.subi %div3A_239, %sub3A_259 : i32
        %select_n3A_261 = arith.select %and3A_258, %sub3A_260, %div3A_239 : i32
        %convert_element_type3A_262 = arith.sitofp %while3A_237 : i32 to f32
        %add3A_263 = arith.constant 5.000000e-01 : f32
        %add3A_264 = arith.addf %convert_element_type3A_262, %add3A_263 : f32
        %mul3A_265 = arith.constant 3.125000e-02 : f32
        %mul3A_266 = arith.mulf %add3A_264, %mul3A_265 : f32
        %sub3A_267 = arith.constant 1.000000e+00 : f32
        %sub3A_268 = arith.subf %mul3A_266, %sub3A_267 : f32
        %eq3A = vector.broadcast %select_n3A_261 : i32 to vector<16xi32>
        %eq3A_269 = arith.cmpi eq, %iota3A, %eq3A : vector<16xi32>
        %jit3A_270 = arith.constant 0 : i32
        %broadcast_in_dim3A = vector.broadcast %jit3A_270 : i32 to vector<16xi32>
        %select_n3A_271 = arith.select %eq3A_269, %get3A_56, %broadcast_in_dim3A : vector<16xi1>, vector<16xi32>
        %reduce_sum3A = arith.constant true
        %reduce_sum3A_272 = vector.broadcast %reduce_sum3A : i1 to vector<16xi1>
        %reduce_sum3A_273 = tpu.scan <sum>, %select_n3A_271 masked %reduce_sum3A_272 : vector<16xi32>, vector<16xi1> -> vector<16xi32>
        %reduce_sum3A_274 = vector.extract %reduce_sum3A_273[15] : i32 from vector<16xi32>
        %add3A_275 = arith.constant 15 : i32
        %add3A_276 = arith.addi %reduce_sum3A_274, %add3A_275 : i32
        %jit3A_277 = arith.constant 16 : i32
        %div3A_278 = arith.divsi %add3A_276, %jit3A_277 : i32
        %sign3A_279 = arith.constant 0 : i32
        %sign3A_280 = arith.cmpi sgt, %add3A_276, %sign3A_279 : i32
        %sign3A_281 = arith.extui %sign3A_280 : i1 to i32
        %sign3A_282 = arith.constant 0 : i32
        %sign3A_283 = arith.cmpi slt, %add3A_276, %sign3A_282 : i32
        %sign3A_284 = arith.extui %sign3A_283 : i1 to i32
        %sign3A_285 = arith.subi %sign3A_281, %sign3A_284 : i32
        %sign3A_286 = arith.constant 0 : i32
        %sign3A_287 = arith.cmpi sgt, %jit3A_277, %sign3A_286 : i32
        %sign3A_288 = arith.extui %sign3A_287 : i1 to i32
        %sign3A_289 = arith.constant 0 : i32
        %sign3A_290 = arith.cmpi slt, %jit3A_277, %sign3A_289 : i32
        %sign3A_291 = arith.extui %sign3A_290 : i1 to i32
        %sign3A_292 = arith.subi %sign3A_288, %sign3A_291 : i32
        %ne3A_293 = arith.cmpi ne, %sign3A_285, %sign3A_292 : i32
        %rem3A_294 = arith.remsi %add3A_276, %jit3A_277 : i32
        %ne3A_295 = arith.constant 0 : i32
        %ne3A_296 = arith.cmpi ne, %rem3A_294, %ne3A_295 : i32
        %and3A_297 = arith.andi %ne3A_293, %ne3A_296 : i1
        %sub3A_298 = arith.constant 1 : i32
        %sub3A_299 = arith.subi %div3A_278, %sub3A_298 : i32
        %select_n3A_300 = arith.select %and3A_297, %sub3A_299, %div3A_278 : i32
        %mul3A_301 = arith.constant 384 : i32
        %mul3A_302 = arith.muli %select_n3A_261, %mul3A_301 : i32
        %broadcast_in_dim3A_303 = arith.constant 1.000000e+09 : f32
        %broadcast_in_dim3A_304 = vector.broadcast %broadcast_in_dim3A_303 : f32 to vector<16xf32>
        %broadcast_in_dim3A_305 = arith.constant 0 : i32
        %broadcast_in_dim3A_306 = vector.broadcast %broadcast_in_dim3A_305 : i32 to vector<16xi32>
        %while3A_307 = arith.constant 0 : i32
        %while3A_308 = arith.subi %select_n3A_300, %while3A_307 : i32
        %while3A_309 = arith.addi %while3A_307, %while3A_308 : i32
        %while3A_310 = arith.constant 1 : i32
        %while3A_311 = arith.divsi %while3A_308, %while3A_310 : i32
        %while3A_312 = arith.muli %while3A_311, %while3A_310 : i32
        %while3A_313 = arith.addi %while3A_307, %while3A_312 : i32
        %while3A_314 = arith.constant 1 : i32
        %while3A_315:4 = scf.for %while3A_525 = %while3A_307 to %while3A_313 step %while3A_314 iter_args(%while3A_526 = %broadcast_in_dim3A_304, %while3A_527 = %broadcast_in_dim3A_306, %while3A_528 = %broadcast_in_dim3A_304, %while3A_529 = %broadcast_in_dim3A_306) -> (vector<16xf32>, vector<16xi32>, vector<16xf32>, vector<16xi32>)  : i32 {
          %mul3A_530 = arith.constant 16 : i32
          %mul3A_531 = arith.muli %while3A_525, %mul3A_530 : i32
          %add3A_532 = arith.addi %mul3A_302, %mul3A_531 : i32
          %get3A_533 = arith.index_cast %add3A_532 : i32 to index
          %get3A_534 = tpu.vector_load %arg8[%get3A_533] {strides = array<i32>} : memref<3072xf32, #tpu.memory_space<vmem>>, vector<16xf32>,
          %get3A_535 = arith.index_cast %add3A_532 : i32 to index
          %get3A_536 = tpu.vector_load %arg9[%get3A_535] {strides = array<i32>} : memref<3072xf32, #tpu.memory_space<vmem>>, vector<16xf32>,
          %get3A_537 = arith.index_cast %add3A_532 : i32 to index
          %get3A_538 = tpu.vector_load %arg10[%get3A_537] {strides = array<i32>} : memref<3072xf32, #tpu.memory_space<vmem>>, vector<16xf32>,
          %sub3A_539 = vector.broadcast %sub3A_268 : f32 to vector<16xf32>
          %sub3A_540 = arith.subf %get3A_534, %sub3A_539 : vector<16xf32>
          %mul3A_541 = arith.mulf %sub3A_540, %sub3A_540 : vector<16xf32>
          %sub3A_542 = vector.broadcast %sub3A_63 : f32 to vector<16xf32>
          %sub3A_543 = arith.subf %get3A_536, %sub3A_542 : vector<16xf32>
          %sub3A_544 = vector.broadcast %add3A_65 : f32 to vector<16xf32>
          %sub3A_545 = arith.subf %get3A_536, %sub3A_544 : vector<16xf32>
          %mul3A_546 = arith.mulf %sub3A_543, %sub3A_543 : vector<16xf32>
          %add3A_547 = arith.addf %mul3A_541, %mul3A_546 : vector<16xf32>
          %mul3A_548 = arith.mulf %sub3A_545, %sub3A_545 : vector<16xf32>
          %add3A_549 = arith.addf %mul3A_541, %mul3A_548 : vector<16xf32>
          %lt3A_550 = arith.constant 2.500000e-03 : f32
          %lt3A_551 = vector.broadcast %lt3A_550 : f32 to vector<16xf32>
          %lt3A_552 = arith.cmpf olt, %add3A_547, %lt3A_551 : vector<16xf32>
          %jit3A_553 = arith.constant 1.000000e+09 : f32
          %broadcast_in_dim3A_554 = vector.broadcast %jit3A_553 : f32 to vector<16xf32>
          %select_n3A_555 = arith.select %lt3A_552, %get3A_538, %broadcast_in_dim3A_554 : vector<16xi1>, vector<16xf32>
          %lt3A_556 = arith.constant 2.500000e-03 : f32
          %lt3A_557 = vector.broadcast %lt3A_556 : f32 to vector<16xf32>
          %lt3A_558 = arith.cmpf olt, %add3A_549, %lt3A_557 : vector<16xf32>
          %jit3A_559 = arith.constant 1.000000e+09 : f32
          %broadcast_in_dim3A_560 = vector.broadcast %jit3A_559 : f32 to vector<16xf32>
          %select_n3A_561 = arith.select %lt3A_558, %get3A_538, %broadcast_in_dim3A_560 : vector<16xi1>, vector<16xf32>
          %add3A_562 = vector.broadcast %add3A_532 : i32 to vector<16xi32>
          %add3A_563 = arith.addi %add3A_562, %iota3A : vector<16xi32>
          %masked_sort3A = arith.constant dense<true> : vector<16xi1>
          %masked_sort3A_564, %masked_sort3A_565, %masked_sort3A_566 = tpu.sort %select_n3A_555, %add3A_563 masked %masked_sort3A {descending = true} : (vector<16xf32>, vector<16xi32>, vector<16xi1>) -> (vector<16xi1>, vector<16xf32>, vector<16xi32>)
          %masked_sort3A_567 = arith.constant dense<true> : vector<16xi1>
          %masked_sort3A_568, %masked_sort3A_569, %masked_sort3A_570 = tpu.sort %select_n3A_561, %add3A_563 masked %masked_sort3A_567 {descending = true} : (vector<16xf32>, vector<16xi32>, vector<16xi1>) -> (vector<16xi1>, vector<16xf32>, vector<16xi32>)
          %select_n3A_571 = arith.select %lt3A_5, %while3A_526, %masked_sort3A_565 : vector<16xi1>, vector<16xf32>
          %select_n3A_572 = arith.select %lt3A_5, %while3A_527, %masked_sort3A_566 : vector<16xi1>, vector<16xi32>
          %masked_sort3A_573 = arith.constant dense<true> : vector<16xi1>
          %masked_sort3A_574, %masked_sort3A_575, %masked_sort3A_576 = tpu.sort %select_n3A_571, %select_n3A_572 masked %masked_sort3A_573 : (vector<16xf32>, vector<16xi32>, vector<16xi1>) -> (vector<16xi1>, vector<16xf32>, vector<16xi32>)
          %select_n3A_577 = arith.select %lt3A_5, %while3A_528, %masked_sort3A_569 : vector<16xi1>, vector<16xf32>
          %select_n3A_578 = arith.select %lt3A_5, %while3A_529, %masked_sort3A_570 : vector<16xi1>, vector<16xi32>
          %masked_sort3A_579 = arith.constant dense<true> : vector<16xi1>
          %masked_sort3A_580, %masked_sort3A_581, %masked_sort3A_582 = tpu.sort %select_n3A_577, %select_n3A_578 masked %masked_sort3A_579 : (vector<16xf32>, vector<16xi32>, vector<16xi1>) -> (vector<16xi1>, vector<16xf32>, vector<16xi32>)
          scf.yield %masked_sort3A_575, %masked_sort3A_576, %masked_sort3A_581, %masked_sort3A_582 : vector<16xf32>, vector<16xi32>, vector<16xf32>, vector<16xi32>
        }
        %while3A_316 = arith.constant 1 : i32
        %while3A_317:4 = scf.for %while3A_525 = %while3A_313 to %while3A_309 step %while3A_316 iter_args(%while3A_526 = %while3A_315#0, %while3A_527 = %while3A_315#1, %while3A_528 = %while3A_315#2, %while3A_529 = %while3A_315#3) -> (vector<16xf32>, vector<16xi32>, vector<16xf32>, vector<16xi32>)  : i32 {
          %mul3A_530 = arith.constant 16 : i32
          %mul3A_531 = arith.muli %while3A_525, %mul3A_530 : i32
          %add3A_532 = arith.addi %mul3A_302, %mul3A_531 : i32
          %get3A_533 = arith.index_cast %add3A_532 : i32 to index
          %get3A_534 = tpu.vector_load %arg8[%get3A_533] {strides = array<i32>} : memref<3072xf32, #tpu.memory_space<vmem>>, vector<16xf32>,
          %get3A_535 = arith.index_cast %add3A_532 : i32 to index
          %get3A_536 = tpu.vector_load %arg9[%get3A_535] {strides = array<i32>} : memref<3072xf32, #tpu.memory_space<vmem>>, vector<16xf32>,
          %get3A_537 = arith.index_cast %add3A_532 : i32 to index
          %get3A_538 = tpu.vector_load %arg10[%get3A_537] {strides = array<i32>} : memref<3072xf32, #tpu.memory_space<vmem>>, vector<16xf32>,
          %sub3A_539 = vector.broadcast %sub3A_268 : f32 to vector<16xf32>
          %sub3A_540 = arith.subf %get3A_534, %sub3A_539 : vector<16xf32>
          %mul3A_541 = arith.mulf %sub3A_540, %sub3A_540 : vector<16xf32>
          %sub3A_542 = vector.broadcast %sub3A_63 : f32 to vector<16xf32>
          %sub3A_543 = arith.subf %get3A_536, %sub3A_542 : vector<16xf32>
          %sub3A_544 = vector.broadcast %add3A_65 : f32 to vector<16xf32>
          %sub3A_545 = arith.subf %get3A_536, %sub3A_544 : vector<16xf32>
          %mul3A_546 = arith.mulf %sub3A_543, %sub3A_543 : vector<16xf32>
          %add3A_547 = arith.addf %mul3A_541, %mul3A_546 : vector<16xf32>
          %mul3A_548 = arith.mulf %sub3A_545, %sub3A_545 : vector<16xf32>
          %add3A_549 = arith.addf %mul3A_541, %mul3A_548 : vector<16xf32>
          %lt3A_550 = arith.constant 2.500000e-03 : f32
          %lt3A_551 = vector.broadcast %lt3A_550 : f32 to vector<16xf32>
          %lt3A_552 = arith.cmpf olt, %add3A_547, %lt3A_551 : vector<16xf32>
          %jit3A_553 = arith.constant 1.000000e+09 : f32
          %broadcast_in_dim3A_554 = vector.broadcast %jit3A_553 : f32 to vector<16xf32>
          %select_n3A_555 = arith.select %lt3A_552, %get3A_538, %broadcast_in_dim3A_554 : vector<16xi1>, vector<16xf32>
          %lt3A_556 = arith.constant 2.500000e-03 : f32
          %lt3A_557 = vector.broadcast %lt3A_556 : f32 to vector<16xf32>
          %lt3A_558 = arith.cmpf olt, %add3A_549, %lt3A_557 : vector<16xf32>
          %jit3A_559 = arith.constant 1.000000e+09 : f32
          %broadcast_in_dim3A_560 = vector.broadcast %jit3A_559 : f32 to vector<16xf32>
          %select_n3A_561 = arith.select %lt3A_558, %get3A_538, %broadcast_in_dim3A_560 : vector<16xi1>, vector<16xf32>
          %add3A_562 = vector.broadcast %add3A_532 : i32 to vector<16xi32>
          %add3A_563 = arith.addi %add3A_562, %iota3A : vector<16xi32>
          %masked_sort3A = arith.constant dense<true> : vector<16xi1>
          %masked_sort3A_564, %masked_sort3A_565, %masked_sort3A_566 = tpu.sort %select_n3A_555, %add3A_563 masked %masked_sort3A {descending = true} : (vector<16xf32>, vector<16xi32>, vector<16xi1>) -> (vector<16xi1>, vector<16xf32>, vector<16xi32>)
          %masked_sort3A_567 = arith.constant dense<true> : vector<16xi1>
          %masked_sort3A_568, %masked_sort3A_569, %masked_sort3A_570 = tpu.sort %select_n3A_561, %add3A_563 masked %masked_sort3A_567 {descending = true} : (vector<16xf32>, vector<16xi32>, vector<16xi1>) -> (vector<16xi1>, vector<16xf32>, vector<16xi32>)
          %select_n3A_571 = arith.select %lt3A_5, %while3A_526, %masked_sort3A_565 : vector<16xi1>, vector<16xf32>
          %select_n3A_572 = arith.select %lt3A_5, %while3A_527, %masked_sort3A_566 : vector<16xi1>, vector<16xi32>
          %masked_sort3A_573 = arith.constant dense<true> : vector<16xi1>
          %masked_sort3A_574, %masked_sort3A_575, %masked_sort3A_576 = tpu.sort %select_n3A_571, %select_n3A_572 masked %masked_sort3A_573 : (vector<16xf32>, vector<16xi32>, vector<16xi1>) -> (vector<16xi1>, vector<16xf32>, vector<16xi32>)
          %select_n3A_577 = arith.select %lt3A_5, %while3A_528, %masked_sort3A_569 : vector<16xi1>, vector<16xf32>
          %select_n3A_578 = arith.select %lt3A_5, %while3A_529, %masked_sort3A_570 : vector<16xi1>, vector<16xi32>
          %masked_sort3A_579 = arith.constant dense<true> : vector<16xi1>
          %masked_sort3A_580, %masked_sort3A_581, %masked_sort3A_582 = tpu.sort %select_n3A_577, %select_n3A_578 masked %masked_sort3A_579 : (vector<16xf32>, vector<16xi32>, vector<16xi1>) -> (vector<16xi1>, vector<16xf32>, vector<16xi32>)
          scf.yield %masked_sort3A_575, %masked_sort3A_576, %masked_sort3A_581, %masked_sort3A_582 : vector<16xf32>, vector<16xi32>, vector<16xf32>, vector<16xi32>
        }
        %add3A_318 = arith.constant 64 : i32
        %add3A_319 = arith.addi %while3A_237, %add3A_318 : i32
        %lt3A_320 = arith.constant 1.000000e+02 : f32
        %lt3A_321 = vector.broadcast %lt3A_320 : f32 to vector<16xf32>
        %lt3A_322 = arith.cmpf olt, %while3A_317#0, %lt3A_321 : vector<16xf32>
        %and3A_323 = arith.andi %lt3A_5, %lt3A_322 : vector<16xi1>
        %jit3A_324 = arith.constant 0 : i32
        %broadcast_in_dim3A_325 = vector.broadcast %jit3A_324 : i32 to vector<16xi32>
        %select_n3A_326 = arith.select %and3A_323, %while3A_317#1, %broadcast_in_dim3A_325 : vector<16xi1>, vector<16xi32>
        %gather3A = tpu.vector_load_idx %arg11[%select_n3A_326] : memref<3072xi32, #tpu.memory_space<vmem>>[vector<16xi32>], vector<16xi32>,
        %jit3A_327 = arith.constant 0 : i32
        %broadcast_in_dim3A_328 = vector.broadcast %jit3A_327 : i32 to vector<16xi32>
        %select_n3A_329 = arith.select %and3A_323, %gather3A, %broadcast_in_dim3A_328 : vector<16xi1>, vector<16xi32>
        %gather3A_330 = tpu.vector_load_idx %arg8[%select_n3A_326] : memref<3072xf32, #tpu.memory_space<vmem>>[vector<16xi32>], vector<16xf32>,
        %gather3A_331 = tpu.vector_load_idx %arg9[%select_n3A_326] : memref<3072xf32, #tpu.memory_space<vmem>>[vector<16xi32>], vector<16xf32>,
        %gather3A_332 = tpu.vector_load_idx %arg10[%select_n3A_326] : memref<3072xf32, #tpu.memory_space<vmem>>[vector<16xi32>], vector<16xf32>,
        %sub3A_333 = vector.broadcast %sub3A_268 : f32 to vector<16xf32>
        %sub3A_334 = arith.subf %gather3A_330, %sub3A_333 : vector<16xf32>
        %sub3A_335 = vector.broadcast %sub3A_63 : f32 to vector<16xf32>
        %sub3A_336 = arith.subf %gather3A_331, %sub3A_335 : vector<16xf32>
        %mul3A_337 = arith.mulf %sub3A_334, %sub3A_334 : vector<16xf32>
        %mul3A_338 = arith.mulf %sub3A_336, %sub3A_336 : vector<16xf32>
        %add3A_339 = arith.addf %mul3A_337, %mul3A_338 : vector<16xf32>
        %div3A_340 = arith.constant 2.500000e-03 : f32
        %div3A_341 = vector.broadcast %div3A_340 : f32 to vector<16xf32>
        %div3A_342 = arith.divf %add3A_339, %div3A_341 : vector<16xf32>
        %sub3A_343 = arith.constant 1.000000e+00 : f32
        %sub3A_344 = vector.broadcast %sub3A_343 : f32 to vector<16xf32>
        %sub3A_345 = arith.subf %sub3A_344, %div3A_342 : vector<16xf32>
        %jit3A_346 = arith.constant 0.000000e+00 : f32
        %broadcast_in_dim3A_347 = vector.broadcast %jit3A_346 : f32 to vector<16xf32>
        %select_n3A_348 = arith.select %and3A_323, %sub3A_345, %broadcast_in_dim3A_347 : vector<16xi1>, vector<16xf32>
        %reduce_sum3A_349 = arith.constant true
        %reduce_sum3A_350 = vector.broadcast %reduce_sum3A_349 : i1 to vector<16xi1>
        %reduce_sum3A_351 = tpu.scan <sum>, %select_n3A_348 masked %reduce_sum3A_350 : vector<16xf32>, vector<16xi1> -> vector<16xf32>
        %reduce_sum3A_352 = vector.extract %reduce_sum3A_351[15] : f32 from vector<16xf32>
        %broadcast_in_dim3A_353 = vector.broadcast %reduce_sum3A_352 : f32 to vector<16xf32>
        %max3A = arith.constant 1.000000e-10 : f32
        %max3A_354 = vector.broadcast %max3A : f32 to vector<16xf32>
        %max3A_355 = arith.maximumf %broadcast_in_dim3A_353, %max3A_354 : vector<16xf32>
        %div3A_356 = arith.divf %select_n3A_348, %max3A_355 : vector<16xf32>
        %eq3A_357 = arith.constant 0 : i32
        %eq3A_358 = vector.broadcast %eq3A_357 : i32 to vector<16xi32>
        %eq3A_359 = arith.cmpi eq, %iota3A, %eq3A_358 : vector<16xi32>
        %and3A_360 = arith.andi %and3A_323, %eq3A_359 : vector<16xi1>
        %jit3A_361 = arith.constant 1 : i32
        %jit3A_362 = arith.constant 0 : i32
        %broadcast_in_dim3A_363 = vector.broadcast %jit3A_361 : i32 to vector<16xi32>
        %broadcast_in_dim3A_364 = vector.broadcast %jit3A_362 : i32 to vector<16xi32>
        %select_n3A_365 = arith.select %and3A_360, %broadcast_in_dim3A_363, %broadcast_in_dim3A_364 : vector<16xi1>, vector<16xi32>
        %reduce_sum3A_366 = arith.constant true
        %reduce_sum3A_367 = vector.broadcast %reduce_sum3A_366 : i1 to vector<16xi1>
        %reduce_sum3A_368 = tpu.scan <sum>, %select_n3A_365 masked %reduce_sum3A_367 : vector<16xi32>, vector<16xi1> -> vector<16xi32>
        %reduce_sum3A_369 = vector.extract %reduce_sum3A_368[15] : i32 from vector<16xi32>
        %gt3A = arith.constant 0 : i32
        %gt3A_370 = arith.cmpi sgt, %reduce_sum3A_369, %gt3A : i32
        %eq3A_371 = arith.constant 0 : i32
        %eq3A_372 = vector.broadcast %eq3A_371 : i32 to vector<16xi32>
        %eq3A_373 = arith.cmpi eq, %iota3A, %eq3A_372 : vector<16xi32>
        %jit3A_374 = arith.constant 0.000000e+00 : f32
        %broadcast_in_dim3A_375 = vector.broadcast %jit3A_374 : f32 to vector<16xf32>
        %select_n3A_376 = arith.select %eq3A_373, %gather3A_332, %broadcast_in_dim3A_375 : vector<16xi1>, vector<16xf32>
        %reduce_sum3A_377 = arith.constant true
        %reduce_sum3A_378 = vector.broadcast %reduce_sum3A_377 : i1 to vector<16xi1>
        %reduce_sum3A_379 = tpu.scan <sum>, %select_n3A_376 masked %reduce_sum3A_378 : vector<16xf32>, vector<16xi1> -> vector<16xf32>
        %reduce_sum3A_380 = vector.extract %reduce_sum3A_379[15] : f32 from vector<16xf32>
        %jit3A_381 = arith.constant -1.000000e+00 : f32
        %select_n3A_382 = arith.select %gt3A_370, %reduce_sum3A_380, %jit3A_381 : f32
        %jit3A_383 = arith.constant 64 : i32
        %div3A_384 = arith.divsi %while3A_237, %jit3A_383 : i32
        %sign3A_385 = arith.constant 0 : i32
        %sign3A_386 = arith.cmpi sgt, %while3A_237, %sign3A_385 : i32
        %sign3A_387 = arith.extui %sign3A_386 : i1 to i32
        %sign3A_388 = arith.constant 0 : i32
        %sign3A_389 = arith.cmpi slt, %while3A_237, %sign3A_388 : i32
        %sign3A_390 = arith.extui %sign3A_389 : i1 to i32
        %sign3A_391 = arith.subi %sign3A_387, %sign3A_390 : i32
        %sign3A_392 = arith.constant 0 : i32
        %sign3A_393 = arith.cmpi sgt, %jit3A_383, %sign3A_392 : i32
        %sign3A_394 = arith.extui %sign3A_393 : i1 to i32
        %sign3A_395 = arith.constant 0 : i32
        %sign3A_396 = arith.cmpi slt, %jit3A_383, %sign3A_395 : i32
        %sign3A_397 = arith.extui %sign3A_396 : i1 to i32
        %sign3A_398 = arith.subi %sign3A_394, %sign3A_397 : i32
        %ne3A_399 = arith.cmpi ne, %sign3A_391, %sign3A_398 : i32
        %rem3A_400 = arith.remsi %while3A_237, %jit3A_383 : i32
        %ne3A_401 = arith.constant 0 : i32
        %ne3A_402 = arith.cmpi ne, %rem3A_400, %ne3A_401 : i32
        %and3A_403 = arith.andi %ne3A_399, %ne3A_402 : i1
        %sub3A_404 = arith.constant 1 : i32
        %sub3A_405 = arith.subi %div3A_384, %sub3A_404 : i32
        %select_n3A_406 = arith.select %and3A_403, %sub3A_405, %div3A_384 : i32
        %broadcast_in_dim3A_407 = vector.broadcast %select_n3A_406 : i32 to vector<16xi32>
        %broadcast_in_dim3A_408 = vector.broadcast %while3A_237 : i32 to vector<16xi32>
        %broadcast_in_dim3A_409 = vector.broadcast %select_n3A_382 : f32 to vector<16xf32>
        %eq3A_410 = arith.constant 0 : i32
        %eq3A_411 = vector.broadcast %eq3A_410 : i32 to vector<16xi32>
        %eq3A_412 = arith.cmpi eq, %iota3A, %eq3A_411 : vector<16xi32>
        tpu.vector_store_idx %arg17[%broadcast_in_dim3A_407, %broadcast_in_dim3A_408], %broadcast_in_dim3A_409 masked %eq3A_412 : memref<2x64xf32, #tpu.memory_space<vmem>>[vector<16xi32>, vector<16xi32>], vector<16xf32>, vector<16xi1>
        %mul3A_413 = arith.constant 8 : i32
        %mul3A_414 = arith.muli %while3A_237, %mul3A_413 : i32
        %add3A_415 = vector.broadcast %mul3A_414 : i32 to vector<16xi32>
        %add3A_416 = arith.addi %add3A_415, %iota3A : vector<16xi32>
        tpu.vector_store_idx %arg13[%add3A_416], %select_n3A_329 masked %lt3A_5 : memref<1024xi32, #tpu.memory_space<vmem>>[vector<16xi32>], vector<16xi32>, vector<16xi1>
        %mul3A_417 = arith.constant 16 : i32
        %mul3A_418 = arith.muli %while3A_237, %mul3A_417 : i32
        %add3A_419 = vector.broadcast %mul3A_418 : i32 to vector<16xi32>
        %add3A_420 = arith.addi %add3A_419, %iota3A : vector<16xi32>
        tpu.vector_store_idx %arg14[%add3A_420], %div3A_356 masked %lt3A_2 : memref<2048xf32, #tpu.memory_space<vmem>>[vector<16xi32>], vector<16xf32>, vector<16xi1>
        %lt3A_421 = arith.constant 1.000000e+02 : f32
        %lt3A_422 = vector.broadcast %lt3A_421 : f32 to vector<16xf32>
        %lt3A_423 = arith.cmpf olt, %while3A_317#2, %lt3A_422 : vector<16xf32>
        %and3A_424 = arith.andi %lt3A_5, %lt3A_423 : vector<16xi1>
        %jit3A_425 = arith.constant 0 : i32
        %broadcast_in_dim3A_426 = vector.broadcast %jit3A_425 : i32 to vector<16xi32>
        %select_n3A_427 = arith.select %and3A_424, %while3A_317#3, %broadcast_in_dim3A_426 : vector<16xi1>, vector<16xi32>
        %gather3A_428 = tpu.vector_load_idx %arg11[%select_n3A_427] : memref<3072xi32, #tpu.memory_space<vmem>>[vector<16xi32>], vector<16xi32>,
        %jit3A_429 = arith.constant 0 : i32
        %broadcast_in_dim3A_430 = vector.broadcast %jit3A_429 : i32 to vector<16xi32>
        %select_n3A_431 = arith.select %and3A_424, %gather3A_428, %broadcast_in_dim3A_430 : vector<16xi1>, vector<16xi32>
        %gather3A_432 = tpu.vector_load_idx %arg8[%select_n3A_427] : memref<3072xf32, #tpu.memory_space<vmem>>[vector<16xi32>], vector<16xf32>,
        %gather3A_433 = tpu.vector_load_idx %arg9[%select_n3A_427] : memref<3072xf32, #tpu.memory_space<vmem>>[vector<16xi32>], vector<16xf32>,
        %gather3A_434 = tpu.vector_load_idx %arg10[%select_n3A_427] : memref<3072xf32, #tpu.memory_space<vmem>>[vector<16xi32>], vector<16xf32>,
        %sub3A_435 = vector.broadcast %sub3A_268 : f32 to vector<16xf32>
        %sub3A_436 = arith.subf %gather3A_432, %sub3A_435 : vector<16xf32>
        %sub3A_437 = vector.broadcast %add3A_65 : f32 to vector<16xf32>
        %sub3A_438 = arith.subf %gather3A_433, %sub3A_437 : vector<16xf32>
        %mul3A_439 = arith.mulf %sub3A_436, %sub3A_436 : vector<16xf32>
        %mul3A_440 = arith.mulf %sub3A_438, %sub3A_438 : vector<16xf32>
        %add3A_441 = arith.addf %mul3A_439, %mul3A_440 : vector<16xf32>
        %div3A_442 = arith.constant 2.500000e-03 : f32
        %div3A_443 = vector.broadcast %div3A_442 : f32 to vector<16xf32>
        %div3A_444 = arith.divf %add3A_441, %div3A_443 : vector<16xf32>
        %sub3A_445 = arith.constant 1.000000e+00 : f32
        %sub3A_446 = vector.broadcast %sub3A_445 : f32 to vector<16xf32>
        %sub3A_447 = arith.subf %sub3A_446, %div3A_444 : vector<16xf32>
        %jit3A_448 = arith.constant 0.000000e+00 : f32
        %broadcast_in_dim3A_449 = vector.broadcast %jit3A_448 : f32 to vector<16xf32>
        %select_n3A_450 = arith.select %and3A_424, %sub3A_447, %broadcast_in_dim3A_449 : vector<16xi1>, vector<16xf32>
        %reduce_sum3A_451 = arith.constant true
        %reduce_sum3A_452 = vector.broadcast %reduce_sum3A_451 : i1 to vector<16xi1>
        %reduce_sum3A_453 = tpu.scan <sum>, %select_n3A_450 masked %reduce_sum3A_452 : vector<16xf32>, vector<16xi1> -> vector<16xf32>
        %reduce_sum3A_454 = vector.extract %reduce_sum3A_453[15] : f32 from vector<16xf32>
        %broadcast_in_dim3A_455 = vector.broadcast %reduce_sum3A_454 : f32 to vector<16xf32>
        %max3A_456 = arith.constant 1.000000e-10 : f32
        %max3A_457 = vector.broadcast %max3A_456 : f32 to vector<16xf32>
        %max3A_458 = arith.maximumf %broadcast_in_dim3A_455, %max3A_457 : vector<16xf32>
        %div3A_459 = arith.divf %select_n3A_450, %max3A_458 : vector<16xf32>
        %eq3A_460 = arith.constant 0 : i32
        %eq3A_461 = vector.broadcast %eq3A_460 : i32 to vector<16xi32>
        %eq3A_462 = arith.cmpi eq, %iota3A, %eq3A_461 : vector<16xi32>
        %and3A_463 = arith.andi %and3A_424, %eq3A_462 : vector<16xi1>
        %jit3A_464 = arith.constant 1 : i32
        %jit3A_465 = arith.constant 0 : i32
        %broadcast_in_dim3A_466 = vector.broadcast %jit3A_464 : i32 to vector<16xi32>
        %broadcast_in_dim3A_467 = vector.broadcast %jit3A_465 : i32 to vector<16xi32>
        %select_n3A_468 = arith.select %and3A_463, %broadcast_in_dim3A_466, %broadcast_in_dim3A_467 : vector<16xi1>, vector<16xi32>
        %reduce_sum3A_469 = arith.constant true
        %reduce_sum3A_470 = vector.broadcast %reduce_sum3A_469 : i1 to vector<16xi1>
        %reduce_sum3A_471 = tpu.scan <sum>, %select_n3A_468 masked %reduce_sum3A_470 : vector<16xi32>, vector<16xi1> -> vector<16xi32>
        %reduce_sum3A_472 = vector.extract %reduce_sum3A_471[15] : i32 from vector<16xi32>
        %gt3A_473 = arith.constant 0 : i32
        %gt3A_474 = arith.cmpi sgt, %reduce_sum3A_472, %gt3A_473 : i32
        %eq3A_475 = arith.constant 0 : i32
        %eq3A_476 = vector.broadcast %eq3A_475 : i32 to vector<16xi32>
        %eq3A_477 = arith.cmpi eq, %iota3A, %eq3A_476 : vector<16xi32>
        %jit3A_478 = arith.constant 0.000000e+00 : f32
        %broadcast_in_dim3A_479 = vector.broadcast %jit3A_478 : f32 to vector<16xf32>
        %select_n3A_480 = arith.select %eq3A_477, %gather3A_434, %broadcast_in_dim3A_479 : vector<16xi1>, vector<16xf32>
        %reduce_sum3A_481 = arith.constant true
        %reduce_sum3A_482 = vector.broadcast %reduce_sum3A_481 : i1 to vector<16xi1>
        %reduce_sum3A_483 = tpu.scan <sum>, %select_n3A_480 masked %reduce_sum3A_482 : vector<16xf32>, vector<16xi1> -> vector<16xf32>
        %reduce_sum3A_484 = vector.extract %reduce_sum3A_483[15] : f32 from vector<16xf32>
        %jit3A_485 = arith.constant -1.000000e+00 : f32
        %select_n3A_486 = arith.select %gt3A_474, %reduce_sum3A_484, %jit3A_485 : f32
        %jit3A_487 = arith.constant 64 : i32
        %div3A_488 = arith.divsi %add3A_319, %jit3A_487 : i32
        %sign3A_489 = arith.constant 0 : i32
        %sign3A_490 = arith.cmpi sgt, %add3A_319, %sign3A_489 : i32
        %sign3A_491 = arith.extui %sign3A_490 : i1 to i32
        %sign3A_492 = arith.constant 0 : i32
        %sign3A_493 = arith.cmpi slt, %add3A_319, %sign3A_492 : i32
        %sign3A_494 = arith.extui %sign3A_493 : i1 to i32
        %sign3A_495 = arith.subi %sign3A_491, %sign3A_494 : i32
        %sign3A_496 = arith.constant 0 : i32
        %sign3A_497 = arith.cmpi sgt, %jit3A_487, %sign3A_496 : i32
        %sign3A_498 = arith.extui %sign3A_497 : i1 to i32
        %sign3A_499 = arith.constant 0 : i32
        %sign3A_500 = arith.cmpi slt, %jit3A_487, %sign3A_499 : i32
        %sign3A_501 = arith.extui %sign3A_500 : i1 to i32
        %sign3A_502 = arith.subi %sign3A_498, %sign3A_501 : i32
        %ne3A_503 = arith.cmpi ne, %sign3A_495, %sign3A_502 : i32
        %rem3A_504 = arith.remsi %add3A_319, %jit3A_487 : i32
        %ne3A_505 = arith.constant 0 : i32
        %ne3A_506 = arith.cmpi ne, %rem3A_504, %ne3A_505 : i32
        %and3A_507 = arith.andi %ne3A_503, %ne3A_506 : i1
        %sub3A_508 = arith.constant 1 : i32
        %sub3A_509 = arith.subi %div3A_488, %sub3A_508 : i32
        %select_n3A_510 = arith.select %and3A_507, %sub3A_509, %div3A_488 : i32
        %broadcast_in_dim3A_511 = vector.broadcast %select_n3A_510 : i32 to vector<16xi32>
        %broadcast_in_dim3A_512 = vector.broadcast %while3A_237 : i32 to vector<16xi32>
        %broadcast_in_dim3A_513 = vector.broadcast %select_n3A_486 : f32 to vector<16xf32>
        %eq3A_514 = arith.constant 0 : i32
        %eq3A_515 = vector.broadcast %eq3A_514 : i32 to vector<16xi32>
        %eq3A_516 = arith.cmpi eq, %iota3A, %eq3A_515 : vector<16xi32>
        tpu.vector_store_idx %arg17[%broadcast_in_dim3A_511, %broadcast_in_dim3A_512], %broadcast_in_dim3A_513 masked %eq3A_516 : memref<2x64xf32, #tpu.memory_space<vmem>>[vector<16xi32>, vector<16xi32>], vector<16xf32>, vector<16xi1>
        %mul3A_517 = arith.constant 8 : i32
        %mul3A_518 = arith.muli %add3A_319, %mul3A_517 : i32
        %add3A_519 = vector.broadcast %mul3A_518 : i32 to vector<16xi32>
        %add3A_520 = arith.addi %add3A_519, %iota3A : vector<16xi32>
        tpu.vector_store_idx %arg13[%add3A_520], %select_n3A_431 masked %lt3A_5 : memref<1024xi32, #tpu.memory_space<vmem>>[vector<16xi32>], vector<16xi32>, vector<16xi1>
        %mul3A_521 = arith.constant 16 : i32
        %mul3A_522 = arith.muli %add3A_319, %mul3A_521 : i32
        %add3A_523 = vector.broadcast %mul3A_522 : i32 to vector<16xi32>
        %add3A_524 = arith.addi %add3A_523, %iota3A : vector<16xi32>
        tpu.vector_store_idx %arg14[%add3A_524], %div3A_459 masked %lt3A_2 : memref<2048xf32, #tpu.memory_space<vmem>>[vector<16xi32>], vector<16xf32>, vector<16xi1>
      }
      %while3A_217 = arith.constant 1 : i32
      scf.for %while3A_237 = %while3A_215 to %while3A_211 step %while3A_217  : i32 {
        %jit3A_238 = arith.constant 8 : i32
        %div3A_239 = arith.divsi %while3A_237, %jit3A_238 : i32
        %sign3A_240 = arith.constant 0 : i32
        %sign3A_241 = arith.cmpi sgt, %while3A_237, %sign3A_240 : i32
        %sign3A_242 = arith.extui %sign3A_241 : i1 to i32
        %sign3A_243 = arith.constant 0 : i32
        %sign3A_244 = arith.cmpi slt, %while3A_237, %sign3A_243 : i32
        %sign3A_245 = arith.extui %sign3A_244 : i1 to i32
        %sign3A_246 = arith.subi %sign3A_242, %sign3A_245 : i32
        %sign3A_247 = arith.constant 0 : i32
        %sign3A_248 = arith.cmpi sgt, %jit3A_238, %sign3A_247 : i32
        %sign3A_249 = arith.extui %sign3A_248 : i1 to i32
        %sign3A_250 = arith.constant 0 : i32
        %sign3A_251 = arith.cmpi slt, %jit3A_238, %sign3A_250 : i32
        %sign3A_252 = arith.extui %sign3A_251 : i1 to i32
        %sign3A_253 = arith.subi %sign3A_249, %sign3A_252 : i32
        %ne3A_254 = arith.cmpi ne, %sign3A_246, %sign3A_253 : i32
        %rem3A_255 = arith.remsi %while3A_237, %jit3A_238 : i32
        %ne3A_256 = arith.constant 0 : i32
        %ne3A_257 = arith.cmpi ne, %rem3A_255, %ne3A_256 : i32
        %and3A_258 = arith.andi %ne3A_254, %ne3A_257 : i1
        %sub3A_259 = arith.constant 1 : i32
        %sub3A_260 = arith.subi %div3A_239, %sub3A_259 : i32
        %select_n3A_261 = arith.select %and3A_258, %sub3A_260, %div3A_239 : i32
        %convert_element_type3A_262 = arith.sitofp %while3A_237 : i32 to f32
        %add3A_263 = arith.constant 5.000000e-01 : f32
        %add3A_264 = arith.addf %convert_element_type3A_262, %add3A_263 : f32
        %mul3A_265 = arith.constant 3.125000e-02 : f32
        %mul3A_266 = arith.mulf %add3A_264, %mul3A_265 : f32
        %sub3A_267 = arith.constant 1.000000e+00 : f32
        %sub3A_268 = arith.subf %mul3A_266, %sub3A_267 : f32
        %eq3A = vector.broadcast %select_n3A_261 : i32 to vector<16xi32>
        %eq3A_269 = arith.cmpi eq, %iota3A, %eq3A : vector<16xi32>
        %jit3A_270 = arith.constant 0 : i32
        %broadcast_in_dim3A = vector.broadcast %jit3A_270 : i32 to vector<16xi32>
        %select_n3A_271 = arith.select %eq3A_269, %get3A_56, %broadcast_in_dim3A : vector<16xi1>, vector<16xi32>
        %reduce_sum3A = arith.constant true
        %reduce_sum3A_272 = vector.broadcast %reduce_sum3A : i1 to vector<16xi1>
        %reduce_sum3A_273 = tpu.scan <sum>, %select_n3A_271 masked %reduce_sum3A_272 : vector<16xi32>, vector<16xi1> -> vector<16xi32>
        %reduce_sum3A_274 = vector.extract %reduce_sum3A_273[15] : i32 from vector<16xi32>
        %add3A_275 = arith.constant 15 : i32
        %add3A_276 = arith.addi %reduce_sum3A_274, %add3A_275 : i32
        %jit3A_277 = arith.constant 16 : i32
        %div3A_278 = arith.divsi %add3A_276, %jit3A_277 : i32
        %sign3A_279 = arith.constant 0 : i32
        %sign3A_280 = arith.cmpi sgt, %add3A_276, %sign3A_279 : i32
        %sign3A_281 = arith.extui %sign3A_280 : i1 to i32
        %sign3A_282 = arith.constant 0 : i32
        %sign3A_283 = arith.cmpi slt, %add3A_276, %sign3A_282 : i32
        %sign3A_284 = arith.extui %sign3A_283 : i1 to i32
        %sign3A_285 = arith.subi %sign3A_281, %sign3A_284 : i32
        %sign3A_286 = arith.constant 0 : i32
        %sign3A_287 = arith.cmpi sgt, %jit3A_277, %sign3A_286 : i32
        %sign3A_288 = arith.extui %sign3A_287 : i1 to i32
        %sign3A_289 = arith.constant 0 : i32
        %sign3A_290 = arith.cmpi slt, %jit3A_277, %sign3A_289 : i32
        %sign3A_291 = arith.extui %sign3A_290 : i1 to i32
        %sign3A_292 = arith.subi %sign3A_288, %sign3A_291 : i32
        %ne3A_293 = arith.cmpi ne, %sign3A_285, %sign3A_292 : i32
        %rem3A_294 = arith.remsi %add3A_276, %jit3A_277 : i32
        %ne3A_295 = arith.constant 0 : i32
        %ne3A_296 = arith.cmpi ne, %rem3A_294, %ne3A_295 : i32
        %and3A_297 = arith.andi %ne3A_293, %ne3A_296 : i1
        %sub3A_298 = arith.constant 1 : i32
        %sub3A_299 = arith.subi %div3A_278, %sub3A_298 : i32
        %select_n3A_300 = arith.select %and3A_297, %sub3A_299, %div3A_278 : i32
        %mul3A_301 = arith.constant 384 : i32
        %mul3A_302 = arith.muli %select_n3A_261, %mul3A_301 : i32
        %broadcast_in_dim3A_303 = arith.constant 1.000000e+09 : f32
        %broadcast_in_dim3A_304 = vector.broadcast %broadcast_in_dim3A_303 : f32 to vector<16xf32>
        %broadcast_in_dim3A_305 = arith.constant 0 : i32
        %broadcast_in_dim3A_306 = vector.broadcast %broadcast_in_dim3A_305 : i32 to vector<16xi32>
        %while3A_307 = arith.constant 0 : i32
        %while3A_308 = arith.subi %select_n3A_300, %while3A_307 : i32
        %while3A_309 = arith.addi %while3A_307, %while3A_308 : i32
        %while3A_310 = arith.constant 1 : i32
        %while3A_311 = arith.divsi %while3A_308, %while3A_310 : i32
        %while3A_312 = arith.muli %while3A_311, %while3A_310 : i32
        %while3A_313 = arith.addi %while3A_307, %while3A_312 : i32
        %while3A_314 = arith.constant 1 : i32
        %while3A_315:4 = scf.for %while3A_525 = %while3A_307 to %while3A_313 step %while3A_314 iter_args(%while3A_526 = %broadcast_in_dim3A_304, %while3A_527 = %broadcast_in_dim3A_306, %while3A_528 = %broadcast_in_dim3A_304, %while3A_529 = %broadcast_in_dim3A_306) -> (vector<16xf32>, vector<16xi32>, vector<16xf32>, vector<16xi32>)  : i32 {
          %mul3A_530 = arith.constant 16 : i32
          %mul3A_531 = arith.muli %while3A_525, %mul3A_530 : i32
          %add3A_532 = arith.addi %mul3A_302, %mul3A_531 : i32
          %get3A_533 = arith.index_cast %add3A_532 : i32 to index
          %get3A_534 = tpu.vector_load %arg8[%get3A_533] {strides = array<i32>} : memref<3072xf32, #tpu.memory_space<vmem>>, vector<16xf32>,
          %get3A_535 = arith.index_cast %add3A_532 : i32 to index
          %get3A_536 = tpu.vector_load %arg9[%get3A_535] {strides = array<i32>} : memref<3072xf32, #tpu.memory_space<vmem>>, vector<16xf32>,
          %get3A_537 = arith.index_cast %add3A_532 : i32 to index
          %get3A_538 = tpu.vector_load %arg10[%get3A_537] {strides = array<i32>} : memref<3072xf32, #tpu.memory_space<vmem>>, vector<16xf32>,
          %sub3A_539 = vector.broadcast %sub3A_268 : f32 to vector<16xf32>
          %sub3A_540 = arith.subf %get3A_534, %sub3A_539 : vector<16xf32>
          %mul3A_541 = arith.mulf %sub3A_540, %sub3A_540 : vector<16xf32>
          %sub3A_542 = vector.broadcast %sub3A_63 : f32 to vector<16xf32>
          %sub3A_543 = arith.subf %get3A_536, %sub3A_542 : vector<16xf32>
          %sub3A_544 = vector.broadcast %add3A_65 : f32 to vector<16xf32>
          %sub3A_545 = arith.subf %get3A_536, %sub3A_544 : vector<16xf32>
          %mul3A_546 = arith.mulf %sub3A_543, %sub3A_543 : vector<16xf32>
          %add3A_547 = arith.addf %mul3A_541, %mul3A_546 : vector<16xf32>
          %mul3A_548 = arith.mulf %sub3A_545, %sub3A_545 : vector<16xf32>
          %add3A_549 = arith.addf %mul3A_541, %mul3A_548 : vector<16xf32>
          %lt3A_550 = arith.constant 2.500000e-03 : f32
          %lt3A_551 = vector.broadcast %lt3A_550 : f32 to vector<16xf32>
          %lt3A_552 = arith.cmpf olt, %add3A_547, %lt3A_551 : vector<16xf32>
          %jit3A_553 = arith.constant 1.000000e+09 : f32
          %broadcast_in_dim3A_554 = vector.broadcast %jit3A_553 : f32 to vector<16xf32>
          %select_n3A_555 = arith.select %lt3A_552, %get3A_538, %broadcast_in_dim3A_554 : vector<16xi1>, vector<16xf32>
          %lt3A_556 = arith.constant 2.500000e-03 : f32
          %lt3A_557 = vector.broadcast %lt3A_556 : f32 to vector<16xf32>
          %lt3A_558 = arith.cmpf olt, %add3A_549, %lt3A_557 : vector<16xf32>
          %jit3A_559 = arith.constant 1.000000e+09 : f32
          %broadcast_in_dim3A_560 = vector.broadcast %jit3A_559 : f32 to vector<16xf32>
          %select_n3A_561 = arith.select %lt3A_558, %get3A_538, %broadcast_in_dim3A_560 : vector<16xi1>, vector<16xf32>
          %add3A_562 = vector.broadcast %add3A_532 : i32 to vector<16xi32>
          %add3A_563 = arith.addi %add3A_562, %iota3A : vector<16xi32>
          %masked_sort3A = arith.constant dense<true> : vector<16xi1>
          %masked_sort3A_564, %masked_sort3A_565, %masked_sort3A_566 = tpu.sort %select_n3A_555, %add3A_563 masked %masked_sort3A {descending = true} : (vector<16xf32>, vector<16xi32>, vector<16xi1>) -> (vector<16xi1>, vector<16xf32>, vector<16xi32>)
          %masked_sort3A_567 = arith.constant dense<true> : vector<16xi1>
          %masked_sort3A_568, %masked_sort3A_569, %masked_sort3A_570 = tpu.sort %select_n3A_561, %add3A_563 masked %masked_sort3A_567 {descending = true} : (vector<16xf32>, vector<16xi32>, vector<16xi1>) -> (vector<16xi1>, vector<16xf32>, vector<16xi32>)
          %select_n3A_571 = arith.select %lt3A_5, %while3A_526, %masked_sort3A_565 : vector<16xi1>, vector<16xf32>
          %select_n3A_572 = arith.select %lt3A_5, %while3A_527, %masked_sort3A_566 : vector<16xi1>, vector<16xi32>
          %masked_sort3A_573 = arith.constant dense<true> : vector<16xi1>
          %masked_sort3A_574, %masked_sort3A_575, %masked_sort3A_576 = tpu.sort %select_n3A_571, %select_n3A_572 masked %masked_sort3A_573 : (vector<16xf32>, vector<16xi32>, vector<16xi1>) -> (vector<16xi1>, vector<16xf32>, vector<16xi32>)
          %select_n3A_577 = arith.select %lt3A_5, %while3A_528, %masked_sort3A_569 : vector<16xi1>, vector<16xf32>
          %select_n3A_578 = arith.select %lt3A_5, %while3A_529, %masked_sort3A_570 : vector<16xi1>, vector<16xi32>
          %masked_sort3A_579 = arith.constant dense<true> : vector<16xi1>
          %masked_sort3A_580, %masked_sort3A_581, %masked_sort3A_582 = tpu.sort %select_n3A_577, %select_n3A_578 masked %masked_sort3A_579 : (vector<16xf32>, vector<16xi32>, vector<16xi1>) -> (vector<16xi1>, vector<16xf32>, vector<16xi32>)
          scf.yield %masked_sort3A_575, %masked_sort3A_576, %masked_sort3A_581, %masked_sort3A_582 : vector<16xf32>, vector<16xi32>, vector<16xf32>, vector<16xi32>
        }
        %while3A_316 = arith.constant 1 : i32
        %while3A_317:4 = scf.for %while3A_525 = %while3A_313 to %while3A_309 step %while3A_316 iter_args(%while3A_526 = %while3A_315#0, %while3A_527 = %while3A_315#1, %while3A_528 = %while3A_315#2, %while3A_529 = %while3A_315#3) -> (vector<16xf32>, vector<16xi32>, vector<16xf32>, vector<16xi32>)  : i32 {
          %mul3A_530 = arith.constant 16 : i32
          %mul3A_531 = arith.muli %while3A_525, %mul3A_530 : i32
          %add3A_532 = arith.addi %mul3A_302, %mul3A_531 : i32
          %get3A_533 = arith.index_cast %add3A_532 : i32 to index
          %get3A_534 = tpu.vector_load %arg8[%get3A_533] {strides = array<i32>} : memref<3072xf32, #tpu.memory_space<vmem>>, vector<16xf32>,
          %get3A_535 = arith.index_cast %add3A_532 : i32 to index
          %get3A_536 = tpu.vector_load %arg9[%get3A_535] {strides = array<i32>} : memref<3072xf32, #tpu.memory_space<vmem>>, vector<16xf32>,
          %get3A_537 = arith.index_cast %add3A_532 : i32 to index
          %get3A_538 = tpu.vector_load %arg10[%get3A_537] {strides = array<i32>} : memref<3072xf32, #tpu.memory_space<vmem>>, vector<16xf32>,
          %sub3A_539 = vector.broadcast %sub3A_268 : f32 to vector<16xf32>
          %sub3A_540 = arith.subf %get3A_534, %sub3A_539 : vector<16xf32>
          %mul3A_541 = arith.mulf %sub3A_540, %sub3A_540 : vector<16xf32>
          %sub3A_542 = vector.broadcast %sub3A_63 : f32 to vector<16xf32>
          %sub3A_543 = arith.subf %get3A_536, %sub3A_542 : vector<16xf32>
          %sub3A_544 = vector.broadcast %add3A_65 : f32 to vector<16xf32>
          %sub3A_545 = arith.subf %get3A_536, %sub3A_544 : vector<16xf32>
          %mul3A_546 = arith.mulf %sub3A_543, %sub3A_543 : vector<16xf32>
          %add3A_547 = arith.addf %mul3A_541, %mul3A_546 : vector<16xf32>
          %mul3A_548 = arith.mulf %sub3A_545, %sub3A_545 : vector<16xf32>
          %add3A_549 = arith.addf %mul3A_541, %mul3A_548 : vector<16xf32>
          %lt3A_550 = arith.constant 2.500000e-03 : f32
          %lt3A_551 = vector.broadcast %lt3A_550 : f32 to vector<16xf32>
          %lt3A_552 = arith.cmpf olt, %add3A_547, %lt3A_551 : vector<16xf32>
          %jit3A_553 = arith.constant 1.000000e+09 : f32
          %broadcast_in_dim3A_554 = vector.broadcast %jit3A_553 : f32 to vector<16xf32>
          %select_n3A_555 = arith.select %lt3A_552, %get3A_538, %broadcast_in_dim3A_554 : vector<16xi1>, vector<16xf32>
          %lt3A_556 = arith.constant 2.500000e-03 : f32
          %lt3A_557 = vector.broadcast %lt3A_556 : f32 to vector<16xf32>
          %lt3A_558 = arith.cmpf olt, %add3A_549, %lt3A_557 : vector<16xf32>
          %jit3A_559 = arith.constant 1.000000e+09 : f32
          %broadcast_in_dim3A_560 = vector.broadcast %jit3A_559 : f32 to vector<16xf32>
          %select_n3A_561 = arith.select %lt3A_558, %get3A_538, %broadcast_in_dim3A_560 : vector<16xi1>, vector<16xf32>
          %add3A_562 = vector.broadcast %add3A_532 : i32 to vector<16xi32>
          %add3A_563 = arith.addi %add3A_562, %iota3A : vector<16xi32>
          %masked_sort3A = arith.constant dense<true> : vector<16xi1>
          %masked_sort3A_564, %masked_sort3A_565, %masked_sort3A_566 = tpu.sort %select_n3A_555, %add3A_563 masked %masked_sort3A {descending = true} : (vector<16xf32>, vector<16xi32>, vector<16xi1>) -> (vector<16xi1>, vector<16xf32>, vector<16xi32>)
          %masked_sort3A_567 = arith.constant dense<true> : vector<16xi1>
          %masked_sort3A_568, %masked_sort3A_569, %masked_sort3A_570 = tpu.sort %select_n3A_561, %add3A_563 masked %masked_sort3A_567 {descending = true} : (vector<16xf32>, vector<16xi32>, vector<16xi1>) -> (vector<16xi1>, vector<16xf32>, vector<16xi32>)
          %select_n3A_571 = arith.select %lt3A_5, %while3A_526, %masked_sort3A_565 : vector<16xi1>, vector<16xf32>
          %select_n3A_572 = arith.select %lt3A_5, %while3A_527, %masked_sort3A_566 : vector<16xi1>, vector<16xi32>
          %masked_sort3A_573 = arith.constant dense<true> : vector<16xi1>
          %masked_sort3A_574, %masked_sort3A_575, %masked_sort3A_576 = tpu.sort %select_n3A_571, %select_n3A_572 masked %masked_sort3A_573 : (vector<16xf32>, vector<16xi32>, vector<16xi1>) -> (vector<16xi1>, vector<16xf32>, vector<16xi32>)
          %select_n3A_577 = arith.select %lt3A_5, %while3A_528, %masked_sort3A_569 : vector<16xi1>, vector<16xf32>
          %select_n3A_578 = arith.select %lt3A_5, %while3A_529, %masked_sort3A_570 : vector<16xi1>, vector<16xi32>
          %masked_sort3A_579 = arith.constant dense<true> : vector<16xi1>
          %masked_sort3A_580, %masked_sort3A_581, %masked_sort3A_582 = tpu.sort %select_n3A_577, %select_n3A_578 masked %masked_sort3A_579 : (vector<16xf32>, vector<16xi32>, vector<16xi1>) -> (vector<16xi1>, vector<16xf32>, vector<16xi32>)
          scf.yield %masked_sort3A_575, %masked_sort3A_576, %masked_sort3A_581, %masked_sort3A_582 : vector<16xf32>, vector<16xi32>, vector<16xf32>, vector<16xi32>
        }
        %add3A_318 = arith.constant 64 : i32
        %add3A_319 = arith.addi %while3A_237, %add3A_318 : i32
        %lt3A_320 = arith.constant 1.000000e+02 : f32
        %lt3A_321 = vector.broadcast %lt3A_320 : f32 to vector<16xf32>
        %lt3A_322 = arith.cmpf olt, %while3A_317#0, %lt3A_321 : vector<16xf32>
        %and3A_323 = arith.andi %lt3A_5, %lt3A_322 : vector<16xi1>
        %jit3A_324 = arith.constant 0 : i32
        %broadcast_in_dim3A_325 = vector.broadcast %jit3A_324 : i32 to vector<16xi32>
        %select_n3A_326 = arith.select %and3A_323, %while3A_317#1, %broadcast_in_dim3A_325 : vector<16xi1>, vector<16xi32>
        %gather3A = tpu.vector_load_idx %arg11[%select_n3A_326] : memref<3072xi32, #tpu.memory_space<vmem>>[vector<16xi32>], vector<16xi32>,
        %jit3A_327 = arith.constant 0 : i32
        %broadcast_in_dim3A_328 = vector.broadcast %jit3A_327 : i32 to vector<16xi32>
        %select_n3A_329 = arith.select %and3A_323, %gather3A, %broadcast_in_dim3A_328 : vector<16xi1>, vector<16xi32>
        %gather3A_330 = tpu.vector_load_idx %arg8[%select_n3A_326] : memref<3072xf32, #tpu.memory_space<vmem>>[vector<16xi32>], vector<16xf32>,
        %gather3A_331 = tpu.vector_load_idx %arg9[%select_n3A_326] : memref<3072xf32, #tpu.memory_space<vmem>>[vector<16xi32>], vector<16xf32>,
        %gather3A_332 = tpu.vector_load_idx %arg10[%select_n3A_326] : memref<3072xf32, #tpu.memory_space<vmem>>[vector<16xi32>], vector<16xf32>,
        %sub3A_333 = vector.broadcast %sub3A_268 : f32 to vector<16xf32>
        %sub3A_334 = arith.subf %gather3A_330, %sub3A_333 : vector<16xf32>
        %sub3A_335 = vector.broadcast %sub3A_63 : f32 to vector<16xf32>
        %sub3A_336 = arith.subf %gather3A_331, %sub3A_335 : vector<16xf32>
        %mul3A_337 = arith.mulf %sub3A_334, %sub3A_334 : vector<16xf32>
        %mul3A_338 = arith.mulf %sub3A_336, %sub3A_336 : vector<16xf32>
        %add3A_339 = arith.addf %mul3A_337, %mul3A_338 : vector<16xf32>
        %div3A_340 = arith.constant 2.500000e-03 : f32
        %div3A_341 = vector.broadcast %div3A_340 : f32 to vector<16xf32>
        %div3A_342 = arith.divf %add3A_339, %div3A_341 : vector<16xf32>
        %sub3A_343 = arith.constant 1.000000e+00 : f32
        %sub3A_344 = vector.broadcast %sub3A_343 : f32 to vector<16xf32>
        %sub3A_345 = arith.subf %sub3A_344, %div3A_342 : vector<16xf32>
        %jit3A_346 = arith.constant 0.000000e+00 : f32
        %broadcast_in_dim3A_347 = vector.broadcast %jit3A_346 : f32 to vector<16xf32>
        %select_n3A_348 = arith.select %and3A_323, %sub3A_345, %broadcast_in_dim3A_347 : vector<16xi1>, vector<16xf32>
        %reduce_sum3A_349 = arith.constant true
        %reduce_sum3A_350 = vector.broadcast %reduce_sum3A_349 : i1 to vector<16xi1>
        %reduce_sum3A_351 = tpu.scan <sum>, %select_n3A_348 masked %reduce_sum3A_350 : vector<16xf32>, vector<16xi1> -> vector<16xf32>
        %reduce_sum3A_352 = vector.extract %reduce_sum3A_351[15] : f32 from vector<16xf32>
        %broadcast_in_dim3A_353 = vector.broadcast %reduce_sum3A_352 : f32 to vector<16xf32>
        %max3A = arith.constant 1.000000e-10 : f32
        %max3A_354 = vector.broadcast %max3A : f32 to vector<16xf32>
        %max3A_355 = arith.maximumf %broadcast_in_dim3A_353, %max3A_354 : vector<16xf32>
        %div3A_356 = arith.divf %select_n3A_348, %max3A_355 : vector<16xf32>
        %eq3A_357 = arith.constant 0 : i32
        %eq3A_358 = vector.broadcast %eq3A_357 : i32 to vector<16xi32>
        %eq3A_359 = arith.cmpi eq, %iota3A, %eq3A_358 : vector<16xi32>
        %and3A_360 = arith.andi %and3A_323, %eq3A_359 : vector<16xi1>
        %jit3A_361 = arith.constant 1 : i32
        %jit3A_362 = arith.constant 0 : i32
        %broadcast_in_dim3A_363 = vector.broadcast %jit3A_361 : i32 to vector<16xi32>
        %broadcast_in_dim3A_364 = vector.broadcast %jit3A_362 : i32 to vector<16xi32>
        %select_n3A_365 = arith.select %and3A_360, %broadcast_in_dim3A_363, %broadcast_in_dim3A_364 : vector<16xi1>, vector<16xi32>
        %reduce_sum3A_366 = arith.constant true
        %reduce_sum3A_367 = vector.broadcast %reduce_sum3A_366 : i1 to vector<16xi1>
        %reduce_sum3A_368 = tpu.scan <sum>, %select_n3A_365 masked %reduce_sum3A_367 : vector<16xi32>, vector<16xi1> -> vector<16xi32>
        %reduce_sum3A_369 = vector.extract %reduce_sum3A_368[15] : i32 from vector<16xi32>
        %gt3A = arith.constant 0 : i32
        %gt3A_370 = arith.cmpi sgt, %reduce_sum3A_369, %gt3A : i32
        %eq3A_371 = arith.constant 0 : i32
        %eq3A_372 = vector.broadcast %eq3A_371 : i32 to vector<16xi32>
        %eq3A_373 = arith.cmpi eq, %iota3A, %eq3A_372 : vector<16xi32>
        %jit3A_374 = arith.constant 0.000000e+00 : f32
        %broadcast_in_dim3A_375 = vector.broadcast %jit3A_374 : f32 to vector<16xf32>
        %select_n3A_376 = arith.select %eq3A_373, %gather3A_332, %broadcast_in_dim3A_375 : vector<16xi1>, vector<16xf32>
        %reduce_sum3A_377 = arith.constant true
        %reduce_sum3A_378 = vector.broadcast %reduce_sum3A_377 : i1 to vector<16xi1>
        %reduce_sum3A_379 = tpu.scan <sum>, %select_n3A_376 masked %reduce_sum3A_378 : vector<16xf32>, vector<16xi1> -> vector<16xf32>
        %reduce_sum3A_380 = vector.extract %reduce_sum3A_379[15] : f32 from vector<16xf32>
        %jit3A_381 = arith.constant -1.000000e+00 : f32
        %select_n3A_382 = arith.select %gt3A_370, %reduce_sum3A_380, %jit3A_381 : f32
        %jit3A_383 = arith.constant 64 : i32
        %div3A_384 = arith.divsi %while3A_237, %jit3A_383 : i32
        %sign3A_385 = arith.constant 0 : i32
        %sign3A_386 = arith.cmpi sgt, %while3A_237, %sign3A_385 : i32
        %sign3A_387 = arith.extui %sign3A_386 : i1 to i32
        %sign3A_388 = arith.constant 0 : i32
        %sign3A_389 = arith.cmpi slt, %while3A_237, %sign3A_388 : i32
        %sign3A_390 = arith.extui %sign3A_389 : i1 to i32
        %sign3A_391 = arith.subi %sign3A_387, %sign3A_390 : i32
        %sign3A_392 = arith.constant 0 : i32
        %sign3A_393 = arith.cmpi sgt, %jit3A_383, %sign3A_392 : i32
        %sign3A_394 = arith.extui %sign3A_393 : i1 to i32
        %sign3A_395 = arith.constant 0 : i32
        %sign3A_396 = arith.cmpi slt, %jit3A_383, %sign3A_395 : i32
        %sign3A_397 = arith.extui %sign3A_396 : i1 to i32
        %sign3A_398 = arith.subi %sign3A_394, %sign3A_397 : i32
        %ne3A_399 = arith.cmpi ne, %sign3A_391, %sign3A_398 : i32
        %rem3A_400 = arith.remsi %while3A_237, %jit3A_383 : i32
        %ne3A_401 = arith.constant 0 : i32
        %ne3A_402 = arith.cmpi ne, %rem3A_400, %ne3A_401 : i32
        %and3A_403 = arith.andi %ne3A_399, %ne3A_402 : i1
        %sub3A_404 = arith.constant 1 : i32
        %sub3A_405 = arith.subi %div3A_384, %sub3A_404 : i32
        %select_n3A_406 = arith.select %and3A_403, %sub3A_405, %div3A_384 : i32
        %broadcast_in_dim3A_407 = vector.broadcast %select_n3A_406 : i32 to vector<16xi32>
        %broadcast_in_dim3A_408 = vector.broadcast %while3A_237 : i32 to vector<16xi32>
        %broadcast_in_dim3A_409 = vector.broadcast %select_n3A_382 : f32 to vector<16xf32>
        %eq3A_410 = arith.constant 0 : i32
        %eq3A_411 = vector.broadcast %eq3A_410 : i32 to vector<16xi32>
        %eq3A_412 = arith.cmpi eq, %iota3A, %eq3A_411 : vector<16xi32>
        tpu.vector_store_idx %arg17[%broadcast_in_dim3A_407, %broadcast_in_dim3A_408], %broadcast_in_dim3A_409 masked %eq3A_412 : memref<2x64xf32, #tpu.memory_space<vmem>>[vector<16xi32>, vector<16xi32>], vector<16xf32>, vector<16xi1>
        %mul3A_413 = arith.constant 8 : i32
        %mul3A_414 = arith.muli %while3A_237, %mul3A_413 : i32
        %add3A_415 = vector.broadcast %mul3A_414 : i32 to vector<16xi32>
        %add3A_416 = arith.addi %add3A_415, %iota3A : vector<16xi32>
        tpu.vector_store_idx %arg13[%add3A_416], %select_n3A_329 masked %lt3A_5 : memref<1024xi32, #tpu.memory_space<vmem>>[vector<16xi32>], vector<16xi32>, vector<16xi1>
        %mul3A_417 = arith.constant 16 : i32
        %mul3A_418 = arith.muli %while3A_237, %mul3A_417 : i32
        %add3A_419 = vector.broadcast %mul3A_418 : i32 to vector<16xi32>
        %add3A_420 = arith.addi %add3A_419, %iota3A : vector<16xi32>
        tpu.vector_store_idx %arg14[%add3A_420], %div3A_356 masked %lt3A_2 : memref<2048xf32, #tpu.memory_space<vmem>>[vector<16xi32>], vector<16xf32>, vector<16xi1>
        %lt3A_421 = arith.constant 1.000000e+02 : f32
        %lt3A_422 = vector.broadcast %lt3A_421 : f32 to vector<16xf32>
        %lt3A_423 = arith.cmpf olt, %while3A_317#2, %lt3A_422 : vector<16xf32>
        %and3A_424 = arith.andi %lt3A_5, %lt3A_423 : vector<16xi1>
        %jit3A_425 = arith.constant 0 : i32
        %broadcast_in_dim3A_426 = vector.broadcast %jit3A_425 : i32 to vector<16xi32>
        %select_n3A_427 = arith.select %and3A_424, %while3A_317#3, %broadcast_in_dim3A_426 : vector<16xi1>, vector<16xi32>
        %gather3A_428 = tpu.vector_load_idx %arg11[%select_n3A_427] : memref<3072xi32, #tpu.memory_space<vmem>>[vector<16xi32>], vector<16xi32>,
        %jit3A_429 = arith.constant 0 : i32
        %broadcast_in_dim3A_430 = vector.broadcast %jit3A_429 : i32 to vector<16xi32>
        %select_n3A_431 = arith.select %and3A_424, %gather3A_428, %broadcast_in_dim3A_430 : vector<16xi1>, vector<16xi32>
        %gather3A_432 = tpu.vector_load_idx %arg8[%select_n3A_427] : memref<3072xf32, #tpu.memory_space<vmem>>[vector<16xi32>], vector<16xf32>,
        %gather3A_433 = tpu.vector_load_idx %arg9[%select_n3A_427] : memref<3072xf32, #tpu.memory_space<vmem>>[vector<16xi32>], vector<16xf32>,
        %gather3A_434 = tpu.vector_load_idx %arg10[%select_n3A_427] : memref<3072xf32, #tpu.memory_space<vmem>>[vector<16xi32>], vector<16xf32>,
        %sub3A_435 = vector.broadcast %sub3A_268 : f32 to vector<16xf32>
        %sub3A_436 = arith.subf %gather3A_432, %sub3A_435 : vector<16xf32>
        %sub3A_437 = vector.broadcast %add3A_65 : f32 to vector<16xf32>
        %sub3A_438 = arith.subf %gather3A_433, %sub3A_437 : vector<16xf32>
        %mul3A_439 = arith.mulf %sub3A_436, %sub3A_436 : vector<16xf32>
        %mul3A_440 = arith.mulf %sub3A_438, %sub3A_438 : vector<16xf32>
        %add3A_441 = arith.addf %mul3A_439, %mul3A_440 : vector<16xf32>
        %div3A_442 = arith.constant 2.500000e-03 : f32
        %div3A_443 = vector.broadcast %div3A_442 : f32 to vector<16xf32>
        %div3A_444 = arith.divf %add3A_441, %div3A_443 : vector<16xf32>
        %sub3A_445 = arith.constant 1.000000e+00 : f32
        %sub3A_446 = vector.broadcast %sub3A_445 : f32 to vector<16xf32>
        %sub3A_447 = arith.subf %sub3A_446, %div3A_444 : vector<16xf32>
        %jit3A_448 = arith.constant 0.000000e+00 : f32
        %broadcast_in_dim3A_449 = vector.broadcast %jit3A_448 : f32 to vector<16xf32>
        %select_n3A_450 = arith.select %and3A_424, %sub3A_447, %broadcast_in_dim3A_449 : vector<16xi1>, vector<16xf32>
        %reduce_sum3A_451 = arith.constant true
        %reduce_sum3A_452 = vector.broadcast %reduce_sum3A_451 : i1 to vector<16xi1>
        %reduce_sum3A_453 = tpu.scan <sum>, %select_n3A_450 masked %reduce_sum3A_452 : vector<16xf32>, vector<16xi1> -> vector<16xf32>
        %reduce_sum3A_454 = vector.extract %reduce_sum3A_453[15] : f32 from vector<16xf32>
        %broadcast_in_dim3A_455 = vector.broadcast %reduce_sum3A_454 : f32 to vector<16xf32>
        %max3A_456 = arith.constant 1.000000e-10 : f32
        %max3A_457 = vector.broadcast %max3A_456 : f32 to vector<16xf32>
        %max3A_458 = arith.maximumf %broadcast_in_dim3A_455, %max3A_457 : vector<16xf32>
        %div3A_459 = arith.divf %select_n3A_450, %max3A_458 : vector<16xf32>
        %eq3A_460 = arith.constant 0 : i32
        %eq3A_461 = vector.broadcast %eq3A_460 : i32 to vector<16xi32>
        %eq3A_462 = arith.cmpi eq, %iota3A, %eq3A_461 : vector<16xi32>
        %and3A_463 = arith.andi %and3A_424, %eq3A_462 : vector<16xi1>
        %jit3A_464 = arith.constant 1 : i32
        %jit3A_465 = arith.constant 0 : i32
        %broadcast_in_dim3A_466 = vector.broadcast %jit3A_464 : i32 to vector<16xi32>
        %broadcast_in_dim3A_467 = vector.broadcast %jit3A_465 : i32 to vector<16xi32>
        %select_n3A_468 = arith.select %and3A_463, %broadcast_in_dim3A_466, %broadcast_in_dim3A_467 : vector<16xi1>, vector<16xi32>
        %reduce_sum3A_469 = arith.constant true
        %reduce_sum3A_470 = vector.broadcast %reduce_sum3A_469 : i1 to vector<16xi1>
        %reduce_sum3A_471 = tpu.scan <sum>, %select_n3A_468 masked %reduce_sum3A_470 : vector<16xi32>, vector<16xi1> -> vector<16xi32>
        %reduce_sum3A_472 = vector.extract %reduce_sum3A_471[15] : i32 from vector<16xi32>
        %gt3A_473 = arith.constant 0 : i32
        %gt3A_474 = arith.cmpi sgt, %reduce_sum3A_472, %gt3A_473 : i32
        %eq3A_475 = arith.constant 0 : i32
        %eq3A_476 = vector.broadcast %eq3A_475 : i32 to vector<16xi32>
        %eq3A_477 = arith.cmpi eq, %iota3A, %eq3A_476 : vector<16xi32>
        %jit3A_478 = arith.constant 0.000000e+00 : f32
        %broadcast_in_dim3A_479 = vector.broadcast %jit3A_478 : f32 to vector<16xf32>
        %select_n3A_480 = arith.select %eq3A_477, %gather3A_434, %broadcast_in_dim3A_479 : vector<16xi1>, vector<16xf32>
        %reduce_sum3A_481 = arith.constant true
        %reduce_sum3A_482 = vector.broadcast %reduce_sum3A_481 : i1 to vector<16xi1>
        %reduce_sum3A_483 = tpu.scan <sum>, %select_n3A_480 masked %reduce_sum3A_482 : vector<16xf32>, vector<16xi1> -> vector<16xf32>
        %reduce_sum3A_484 = vector.extract %reduce_sum3A_483[15] : f32 from vector<16xf32>
        %jit3A_485 = arith.constant -1.000000e+00 : f32
        %select_n3A_486 = arith.select %gt3A_474, %reduce_sum3A_484, %jit3A_485 : f32
        %jit3A_487 = arith.constant 64 : i32
        %div3A_488 = arith.divsi %add3A_319, %jit3A_487 : i32
        %sign3A_489 = arith.constant 0 : i32
        %sign3A_490 = arith.cmpi sgt, %add3A_319, %sign3A_489 : i32
        %sign3A_491 = arith.extui %sign3A_490 : i1 to i32
        %sign3A_492 = arith.constant 0 : i32
        %sign3A_493 = arith.cmpi slt, %add3A_319, %sign3A_492 : i32
        %sign3A_494 = arith.extui %sign3A_493 : i1 to i32
        %sign3A_495 = arith.subi %sign3A_491, %sign3A_494 : i32
        %sign3A_496 = arith.constant 0 : i32
        %sign3A_497 = arith.cmpi sgt, %jit3A_487, %sign3A_496 : i32
        %sign3A_498 = arith.extui %sign3A_497 : i1 to i32
        %sign3A_499 = arith.constant 0 : i32
        %sign3A_500 = arith.cmpi slt, %jit3A_487, %sign3A_499 : i32
        %sign3A_501 = arith.extui %sign3A_500 : i1 to i32
        %sign3A_502 = arith.subi %sign3A_498, %sign3A_501 : i32
        %ne3A_503 = arith.cmpi ne, %sign3A_495, %sign3A_502 : i32
        %rem3A_504 = arith.remsi %add3A_319, %jit3A_487 : i32
        %ne3A_505 = arith.constant 0 : i32
        %ne3A_506 = arith.cmpi ne, %rem3A_504, %ne3A_505 : i32
        %and3A_507 = arith.andi %ne3A_503, %ne3A_506 : i1
        %sub3A_508 = arith.constant 1 : i32
        %sub3A_509 = arith.subi %div3A_488, %sub3A_508 : i32
        %select_n3A_510 = arith.select %and3A_507, %sub3A_509, %div3A_488 : i32
        %broadcast_in_dim3A_511 = vector.broadcast %select_n3A_510 : i32 to vector<16xi32>
        %broadcast_in_dim3A_512 = vector.broadcast %while3A_237 : i32 to vector<16xi32>
        %broadcast_in_dim3A_513 = vector.broadcast %select_n3A_486 : f32 to vector<16xf32>
        %eq3A_514 = arith.constant 0 : i32
        %eq3A_515 = vector.broadcast %eq3A_514 : i32 to vector<16xi32>
        %eq3A_516 = arith.cmpi eq, %iota3A, %eq3A_515 : vector<16xi32>
        tpu.vector_store_idx %arg17[%broadcast_in_dim3A_511, %broadcast_in_dim3A_512], %broadcast_in_dim3A_513 masked %eq3A_516 : memref<2x64xf32, #tpu.memory_space<vmem>>[vector<16xi32>, vector<16xi32>], vector<16xf32>, vector<16xi1>
        %mul3A_517 = arith.constant 8 : i32
        %mul3A_518 = arith.muli %add3A_319, %mul3A_517 : i32
        %add3A_519 = vector.broadcast %mul3A_518 : i32 to vector<16xi32>
        %add3A_520 = arith.addi %add3A_519, %iota3A : vector<16xi32>
        tpu.vector_store_idx %arg13[%add3A_520], %select_n3A_431 masked %lt3A_5 : memref<1024xi32, #tpu.memory_space<vmem>>[vector<16xi32>], vector<16xi32>, vector<16xi1>
        %mul3A_521 = arith.constant 16 : i32
        %mul3A_522 = arith.muli %add3A_319, %mul3A_521 : i32
        %add3A_523 = vector.broadcast %mul3A_522 : i32 to vector<16xi32>
        %add3A_524 = arith.addi %add3A_523, %iota3A : vector<16xi32>
        tpu.vector_store_idx %arg14[%add3A_524], %div3A_459 masked %lt3A_2 : memref<2048xf32, #tpu.memory_space<vmem>>[vector<16xi32>], vector<16xf32>, vector<16xi1>
      }
      %mul3A_218 = arith.constant 64 : i32
      %mul3A_219 = arith.muli %scan3A_205, %mul3A_218 : i32
      %add3A_220 = arith.constant 0 : i32
      %add3A_221 = arith.addi %add3A_220, %mul3A_219 : i32
      %dma_start3A = arith.constant 0 : i32
      %dma_start3A_222 = tpu.memref_slice %arg15[%add3A_221, %dma_start3A] : memref<1024x64xf32, #tpu.memory_space<vmem>> -> memref<64x64xf32, #tpu.memory_space<vmem>>
      %dma_start3A_223 = tpu.memref_slice %arg13[%add3A_221] : memref<1024xi32, #tpu.memory_space<vmem>> -> memref<64xi32, #tpu.memory_space<vmem>>
      %dma_start3A_224 = arith.constant 0 : i32
      %dma_start3A_225 = arith.constant 0 : i32
      %dma_start3A_226 = tpu.memref_slice %arg3[%dma_start3A_224, %dma_start3A_225] : memref<8192x64xf32, #tpu.memory_space<hbm>> -> memref<8192x64xf32, #tpu.memory_space<hbm>>
      tpu.enqueue_indirect_dma source(%dma_start3A_226 : memref<8192x64xf32, #tpu.memory_space<hbm>>) target(%dma_start3A_222 : memref<64x64xf32, #tpu.memory_space<vmem>>) offsets(%dma_start3A_223 : memref<64xi32, #tpu.memory_space<vmem>>) semaphore(%arg18 : memref<!tpu.dma_semaphore, #tpu.memory_space<semaphore_mem>>)
      %mul3A_227 = arith.constant 64 : i32
      %mul3A_228 = arith.muli %scan3A_205, %mul3A_227 : i32
      %add3A_229 = arith.constant 512 : i32
      %add3A_230 = arith.addi %add3A_229, %mul3A_228 : i32
      %dma_start3A_231 = arith.constant 0 : i32
      %dma_start3A_232 = tpu.memref_slice %arg15[%add3A_230, %dma_start3A_231] : memref<1024x64xf32, #tpu.memory_space<vmem>> -> memref<64x64xf32, #tpu.memory_space<vmem>>
      %dma_start3A_233 = tpu.memref_slice %arg13[%add3A_230] : memref<1024xi32, #tpu.memory_space<vmem>> -> memref<64xi32, #tpu.memory_space<vmem>>
      %dma_start3A_234 = arith.constant 0 : i32
      %dma_start3A_235 = arith.constant 0 : i32
      %dma_start3A_236 = tpu.memref_slice %arg3[%dma_start3A_234, %dma_start3A_235] : memref<8192x64xf32, #tpu.memory_space<hbm>> -> memref<8192x64xf32, #tpu.memory_space<hbm>>
      tpu.enqueue_indirect_dma source(%dma_start3A_236 : memref<8192x64xf32, #tpu.memory_space<hbm>>) target(%dma_start3A_232 : memref<64x64xf32, #tpu.memory_space<vmem>>) offsets(%dma_start3A_233 : memref<64xi32, #tpu.memory_space<vmem>>) semaphore(%arg18 : memref<!tpu.dma_semaphore, #tpu.memory_space<semaphore_mem>>)
    }
    %scan3A_71 = arith.constant 8 : i32
    "tpu.trace_stop"() : () -> ()
    %dma_wait3A = arith.constant 0 : i32
    %dma_wait3A_72 = arith.constant 0 : i32
    %dma_wait3A_73 = tpu.memref_slice %arg15[%dma_wait3A, %dma_wait3A_72] : memref<1024x64xf32, #tpu.memory_space<vmem>> -> memref<64x64xf32, #tpu.memory_space<vmem>>
    %dma_wait3A_74 = arith.constant 0 : i32
    %dma_wait3A_75 = tpu.memref_slice %arg13[%dma_wait3A_74] : memref<1024xi32, #tpu.memory_space<vmem>> -> memref<64xi32, #tpu.memory_space<vmem>>
    %dma_wait3A_76 = arith.constant 0 : i32
    %dma_wait3A_77 = arith.constant 0 : i32
    %dma_wait3A_78 = tpu.memref_slice %arg3[%dma_wait3A_76, %dma_wait3A_77] : memref<8192x64xf32, #tpu.memory_space<hbm>> -> memref<8192x64xf32, #tpu.memory_space<hbm>>
    tpu.wait_indirect_dma semaphore(%arg18 : memref<!tpu.dma_semaphore, #tpu.memory_space<semaphore_mem>>) src(%dma_wait3A_78 : memref<8192x64xf32, #tpu.memory_space<hbm>>) dst(%dma_wait3A_73 : memref<64x64xf32, #tpu.memory_space<vmem>>)
    %dma_wait3A_79 = arith.constant 512 : i32
    %dma_wait3A_80 = arith.constant 0 : i32
    %dma_wait3A_81 = tpu.memref_slice %arg15[%dma_wait3A_79, %dma_wait3A_80] : memref<1024x64xf32, #tpu.memory_space<vmem>> -> memref<64x64xf32, #tpu.memory_space<vmem>>
    %dma_wait3A_82 = arith.constant 512 : i32
    %dma_wait3A_83 = tpu.memref_slice %arg13[%dma_wait3A_82] : memref<1024xi32, #tpu.memory_space<vmem>> -> memref<64xi32, #tpu.memory_space<vmem>>
    %dma_wait3A_84 = arith.constant 0 : i32
    %dma_wait3A_85 = arith.constant 0 : i32
    %dma_wait3A_86 = tpu.memref_slice %arg3[%dma_wait3A_84, %dma_wait3A_85] : memref<8192x64xf32, #tpu.memory_space<hbm>> -> memref<8192x64xf32, #tpu.memory_space<hbm>>
    tpu.wait_indirect_dma semaphore(%arg18 : memref<!tpu.dma_semaphore, #tpu.memory_space<semaphore_mem>>) src(%dma_wait3A_86 : memref<8192x64xf32, #tpu.memory_space<hbm>>) dst(%dma_wait3A_81 : memref<64x64xf32, #tpu.memory_space<vmem>>)
    %dma_wait3A_87 = arith.constant 64 : i32
    %dma_wait3A_88 = arith.constant 0 : i32
    %dma_wait3A_89 = tpu.memref_slice %arg15[%dma_wait3A_87, %dma_wait3A_88] : memref<1024x64xf32, #tpu.memory_space<vmem>> -> memref<64x64xf32, #tpu.memory_space<vmem>>
    %dma_wait3A_90 = arith.constant 64 : i32
    %dma_wait3A_91 = tpu.memref_slice %arg13[%dma_wait3A_90] : memref<1024xi32, #tpu.memory_space<vmem>> -> memref<64xi32, #tpu.memory_space<vmem>>
    %dma_wait3A_92 = arith.constant 0 : i32
    %dma_wait3A_93 = arith.constant 0 : i32
    %dma_wait3A_94 = tpu.memref_slice %arg3[%dma_wait3A_92, %dma_wait3A_93] : memref<8192x64xf32, #tpu.memory_space<hbm>> -> memref<8192x64xf32, #tpu.memory_space<hbm>>
    tpu.wait_indirect_dma semaphore(%arg18 : memref<!tpu.dma_semaphore, #tpu.memory_space<semaphore_mem>>) src(%dma_wait3A_94 : memref<8192x64xf32, #tpu.memory_space<hbm>>) dst(%dma_wait3A_89 : memref<64x64xf32, #tpu.memory_space<vmem>>)
    %dma_wait3A_95 = arith.constant 576 : i32
    %dma_wait3A_96 = arith.constant 0 : i32
    %dma_wait3A_97 = tpu.memref_slice %arg15[%dma_wait3A_95, %dma_wait3A_96] : memref<1024x64xf32, #tpu.memory_space<vmem>> -> memref<64x64xf32, #tpu.memory_space<vmem>>
    %dma_wait3A_98 = arith.constant 576 : i32
    %dma_wait3A_99 = tpu.memref_slice %arg13[%dma_wait3A_98] : memref<1024xi32, #tpu.memory_space<vmem>> -> memref<64xi32, #tpu.memory_space<vmem>>
    %dma_wait3A_100 = arith.constant 0 : i32
    %dma_wait3A_101 = arith.constant 0 : i32
    %dma_wait3A_102 = tpu.memref_slice %arg3[%dma_wait3A_100, %dma_wait3A_101] : memref<8192x64xf32, #tpu.memory_space<hbm>> -> memref<8192x64xf32, #tpu.memory_space<hbm>>
    tpu.wait_indirect_dma semaphore(%arg18 : memref<!tpu.dma_semaphore, #tpu.memory_space<semaphore_mem>>) src(%dma_wait3A_102 : memref<8192x64xf32, #tpu.memory_space<hbm>>) dst(%dma_wait3A_97 : memref<64x64xf32, #tpu.memory_space<vmem>>)
    %dma_wait3A_103 = arith.constant 128 : i32
    %dma_wait3A_104 = arith.constant 0 : i32
    %dma_wait3A_105 = tpu.memref_slice %arg15[%dma_wait3A_103, %dma_wait3A_104] : memref<1024x64xf32, #tpu.memory_space<vmem>> -> memref<64x64xf32, #tpu.memory_space<vmem>>
    %dma_wait3A_106 = arith.constant 128 : i32
    %dma_wait3A_107 = tpu.memref_slice %arg13[%dma_wait3A_106] : memref<1024xi32, #tpu.memory_space<vmem>> -> memref<64xi32, #tpu.memory_space<vmem>>
    %dma_wait3A_108 = arith.constant 0 : i32
    %dma_wait3A_109 = arith.constant 0 : i32
    %dma_wait3A_110 = tpu.memref_slice %arg3[%dma_wait3A_108, %dma_wait3A_109] : memref<8192x64xf32, #tpu.memory_space<hbm>> -> memref<8192x64xf32, #tpu.memory_space<hbm>>
    tpu.wait_indirect_dma semaphore(%arg18 : memref<!tpu.dma_semaphore, #tpu.memory_space<semaphore_mem>>) src(%dma_wait3A_110 : memref<8192x64xf32, #tpu.memory_space<hbm>>) dst(%dma_wait3A_105 : memref<64x64xf32, #tpu.memory_space<vmem>>)
    %dma_wait3A_111 = arith.constant 640 : i32
    %dma_wait3A_112 = arith.constant 0 : i32
    %dma_wait3A_113 = tpu.memref_slice %arg15[%dma_wait3A_111, %dma_wait3A_112] : memref<1024x64xf32, #tpu.memory_space<vmem>> -> memref<64x64xf32, #tpu.memory_space<vmem>>
    %dma_wait3A_114 = arith.constant 640 : i32
    %dma_wait3A_115 = tpu.memref_slice %arg13[%dma_wait3A_114] : memref<1024xi32, #tpu.memory_space<vmem>> -> memref<64xi32, #tpu.memory_space<vmem>>
    %dma_wait3A_116 = arith.constant 0 : i32
    %dma_wait3A_117 = arith.constant 0 : i32
    %dma_wait3A_118 = tpu.memref_slice %arg3[%dma_wait3A_116, %dma_wait3A_117] : memref<8192x64xf32, #tpu.memory_space<hbm>> -> memref<8192x64xf32, #tpu.memory_space<hbm>>
    tpu.wait_indirect_dma semaphore(%arg18 : memref<!tpu.dma_semaphore, #tpu.memory_space<semaphore_mem>>) src(%dma_wait3A_118 : memref<8192x64xf32, #tpu.memory_space<hbm>>) dst(%dma_wait3A_113 : memref<64x64xf32, #tpu.memory_space<vmem>>)
    %dma_wait3A_119 = arith.constant 192 : i32
    %dma_wait3A_120 = arith.constant 0 : i32
    %dma_wait3A_121 = tpu.memref_slice %arg15[%dma_wait3A_119, %dma_wait3A_120] : memref<1024x64xf32, #tpu.memory_space<vmem>> -> memref<64x64xf32, #tpu.memory_space<vmem>>
    %dma_wait3A_122 = arith.constant 192 : i32
    %dma_wait3A_123 = tpu.memref_slice %arg13[%dma_wait3A_122] : memref<1024xi32, #tpu.memory_space<vmem>> -> memref<64xi32, #tpu.memory_space<vmem>>
    %dma_wait3A_124 = arith.constant 0 : i32
    %dma_wait3A_125 = arith.constant 0 : i32
    %dma_wait3A_126 = tpu.memref_slice %arg3[%dma_wait3A_124, %dma_wait3A_125] : memref<8192x64xf32, #tpu.memory_space<hbm>> -> memref<8192x64xf32, #tpu.memory_space<hbm>>
    tpu.wait_indirect_dma semaphore(%arg18 : memref<!tpu.dma_semaphore, #tpu.memory_space<semaphore_mem>>) src(%dma_wait3A_126 : memref<8192x64xf32, #tpu.memory_space<hbm>>) dst(%dma_wait3A_121 : memref<64x64xf32, #tpu.memory_space<vmem>>)
    %dma_wait3A_127 = arith.constant 704 : i32
    %dma_wait3A_128 = arith.constant 0 : i32
    %dma_wait3A_129 = tpu.memref_slice %arg15[%dma_wait3A_127, %dma_wait3A_128] : memref<1024x64xf32, #tpu.memory_space<vmem>> -> memref<64x64xf32, #tpu.memory_space<vmem>>
    %dma_wait3A_130 = arith.constant 704 : i32
    %dma_wait3A_131 = tpu.memref_slice %arg13[%dma_wait3A_130] : memref<1024xi32, #tpu.memory_space<vmem>> -> memref<64xi32, #tpu.memory_space<vmem>>
    %dma_wait3A_132 = arith.constant 0 : i32
    %dma_wait3A_133 = arith.constant 0 : i32
    %dma_wait3A_134 = tpu.memref_slice %arg3[%dma_wait3A_132, %dma_wait3A_133] : memref<8192x64xf32, #tpu.memory_space<hbm>> -> memref<8192x64xf32, #tpu.memory_space<hbm>>
    tpu.wait_indirect_dma semaphore(%arg18 : memref<!tpu.dma_semaphore, #tpu.memory_space<semaphore_mem>>) src(%dma_wait3A_134 : memref<8192x64xf32, #tpu.memory_space<hbm>>) dst(%dma_wait3A_129 : memref<64x64xf32, #tpu.memory_space<vmem>>)
    %dma_wait3A_135 = arith.constant 256 : i32
    %dma_wait3A_136 = arith.constant 0 : i32
    %dma_wait3A_137 = tpu.memref_slice %arg15[%dma_wait3A_135, %dma_wait3A_136] : memref<1024x64xf32, #tpu.memory_space<vmem>> -> memref<64x64xf32, #tpu.memory_space<vmem>>
    %dma_wait3A_138 = arith.constant 256 : i32
    %dma_wait3A_139 = tpu.memref_slice %arg13[%dma_wait3A_138] : memref<1024xi32, #tpu.memory_space<vmem>> -> memref<64xi32, #tpu.memory_space<vmem>>
    %dma_wait3A_140 = arith.constant 0 : i32
    %dma_wait3A_141 = arith.constant 0 : i32
    %dma_wait3A_142 = tpu.memref_slice %arg3[%dma_wait3A_140, %dma_wait3A_141] : memref<8192x64xf32, #tpu.memory_space<hbm>> -> memref<8192x64xf32, #tpu.memory_space<hbm>>
    tpu.wait_indirect_dma semaphore(%arg18 : memref<!tpu.dma_semaphore, #tpu.memory_space<semaphore_mem>>) src(%dma_wait3A_142 : memref<8192x64xf32, #tpu.memory_space<hbm>>) dst(%dma_wait3A_137 : memref<64x64xf32, #tpu.memory_space<vmem>>)
    %dma_wait3A_143 = arith.constant 768 : i32
    %dma_wait3A_144 = arith.constant 0 : i32
    %dma_wait3A_145 = tpu.memref_slice %arg15[%dma_wait3A_143, %dma_wait3A_144] : memref<1024x64xf32, #tpu.memory_space<vmem>> -> memref<64x64xf32, #tpu.memory_space<vmem>>
    %dma_wait3A_146 = arith.constant 768 : i32
    %dma_wait3A_147 = tpu.memref_slice %arg13[%dma_wait3A_146] : memref<1024xi32, #tpu.memory_space<vmem>> -> memref<64xi32, #tpu.memory_space<vmem>>
    %dma_wait3A_148 = arith.constant 0 : i32
    %dma_wait3A_149 = arith.constant 0 : i32
    %dma_wait3A_150 = tpu.memref_slice %arg3[%dma_wait3A_148, %dma_wait3A_149] : memref<8192x64xf32, #tpu.memory_space<hbm>> -> memref<8192x64xf32, #tpu.memory_space<hbm>>
    tpu.wait_indirect_dma semaphore(%arg18 : memref<!tpu.dma_semaphore, #tpu.memory_space<semaphore_mem>>) src(%dma_wait3A_150 : memref<8192x64xf32, #tpu.memory_space<hbm>>) dst(%dma_wait3A_145 : memref<64x64xf32, #tpu.memory_space<vmem>>)
    %dma_wait3A_151 = arith.constant 320 : i32
    %dma_wait3A_152 = arith.constant 0 : i32
    %dma_wait3A_153 = tpu.memref_slice %arg15[%dma_wait3A_151, %dma_wait3A_152] : memref<1024x64xf32, #tpu.memory_space<vmem>> -> memref<64x64xf32, #tpu.memory_space<vmem>>
    %dma_wait3A_154 = arith.constant 320 : i32
    %dma_wait3A_155 = tpu.memref_slice %arg13[%dma_wait3A_154] : memref<1024xi32, #tpu.memory_space<vmem>> -> memref<64xi32, #tpu.memory_space<vmem>>
    %dma_wait3A_156 = arith.constant 0 : i32
    %dma_wait3A_157 = arith.constant 0 : i32
    %dma_wait3A_158 = tpu.memref_slice %arg3[%dma_wait3A_156, %dma_wait3A_157] : memref<8192x64xf32, #tpu.memory_space<hbm>> -> memref<8192x64xf32, #tpu.memory_space<hbm>>
    tpu.wait_indirect_dma semaphore(%arg18 : memref<!tpu.dma_semaphore, #tpu.memory_space<semaphore_mem>>) src(%dma_wait3A_158 : memref<8192x64xf32, #tpu.memory_space<hbm>>) dst(%dma_wait3A_153 : memref<64x64xf32, #tpu.memory_space<vmem>>)
    %dma_wait3A_159 = arith.constant 832 : i32
    %dma_wait3A_160 = arith.constant 0 : i32
    %dma_wait3A_161 = tpu.memref_slice %arg15[%dma_wait3A_159, %dma_wait3A_160] : memref<1024x64xf32, #tpu.memory_space<vmem>> -> memref<64x64xf32, #tpu.memory_space<vmem>>
    %dma_wait3A_162 = arith.constant 832 : i32
    %dma_wait3A_163 = tpu.memref_slice %arg13[%dma_wait3A_162] : memref<1024xi32, #tpu.memory_space<vmem>> -> memref<64xi32, #tpu.memory_space<vmem>>
    %dma_wait3A_164 = arith.constant 0 : i32
    %dma_wait3A_165 = arith.constant 0 : i32
    %dma_wait3A_166 = tpu.memref_slice %arg3[%dma_wait3A_164, %dma_wait3A_165] : memref<8192x64xf32, #tpu.memory_space<hbm>> -> memref<8192x64xf32, #tpu.memory_space<hbm>>
    tpu.wait_indirect_dma semaphore(%arg18 : memref<!tpu.dma_semaphore, #tpu.memory_space<semaphore_mem>>) src(%dma_wait3A_166 : memref<8192x64xf32, #tpu.memory_space<hbm>>) dst(%dma_wait3A_161 : memref<64x64xf32, #tpu.memory_space<vmem>>)
    %dma_wait3A_167 = arith.constant 384 : i32
    %dma_wait3A_168 = arith.constant 0 : i32
    %dma_wait3A_169 = tpu.memref_slice %arg15[%dma_wait3A_167, %dma_wait3A_168] : memref<1024x64xf32, #tpu.memory_space<vmem>> -> memref<64x64xf32, #tpu.memory_space<vmem>>
    %dma_wait3A_170 = arith.constant 384 : i32
    %dma_wait3A_171 = tpu.memref_slice %arg13[%dma_wait3A_170] : memref<1024xi32, #tpu.memory_space<vmem>> -> memref<64xi32, #tpu.memory_space<vmem>>
    %dma_wait3A_172 = arith.constant 0 : i32
    %dma_wait3A_173 = arith.constant 0 : i32
    %dma_wait3A_174 = tpu.memref_slice %arg3[%dma_wait3A_172, %dma_wait3A_173] : memref<8192x64xf32, #tpu.memory_space<hbm>> -> memref<8192x64xf32, #tpu.memory_space<hbm>>
    tpu.wait_indirect_dma semaphore(%arg18 : memref<!tpu.dma_semaphore, #tpu.memory_space<semaphore_mem>>) src(%dma_wait3A_174 : memref<8192x64xf32, #tpu.memory_space<hbm>>) dst(%dma_wait3A_169 : memref<64x64xf32, #tpu.memory_space<vmem>>)
    %dma_wait3A_175 = arith.constant 896 : i32
    %dma_wait3A_176 = arith.constant 0 : i32
    %dma_wait3A_177 = tpu.memref_slice %arg15[%dma_wait3A_175, %dma_wait3A_176] : memref<1024x64xf32, #tpu.memory_space<vmem>> -> memref<64x64xf32, #tpu.memory_space<vmem>>
    %dma_wait3A_178 = arith.constant 896 : i32
    %dma_wait3A_179 = tpu.memref_slice %arg13[%dma_wait3A_178] : memref<1024xi32, #tpu.memory_space<vmem>> -> memref<64xi32, #tpu.memory_space<vmem>>
    %dma_wait3A_180 = arith.constant 0 : i32
    %dma_wait3A_181 = arith.constant 0 : i32
    %dma_wait3A_182 = tpu.memref_slice %arg3[%dma_wait3A_180, %dma_wait3A_181] : memref<8192x64xf32, #tpu.memory_space<hbm>> -> memref<8192x64xf32, #tpu.memory_space<hbm>>
    tpu.wait_indirect_dma semaphore(%arg18 : memref<!tpu.dma_semaphore, #tpu.memory_space<semaphore_mem>>) src(%dma_wait3A_182 : memref<8192x64xf32, #tpu.memory_space<hbm>>) dst(%dma_wait3A_177 : memref<64x64xf32, #tpu.memory_space<vmem>>)
    %dma_wait3A_183 = arith.constant 448 : i32
    %dma_wait3A_184 = arith.constant 0 : i32
    %dma_wait3A_185 = tpu.memref_slice %arg15[%dma_wait3A_183, %dma_wait3A_184] : memref<1024x64xf32, #tpu.memory_space<vmem>> -> memref<64x64xf32, #tpu.memory_space<vmem>>
    %dma_wait3A_186 = arith.constant 448 : i32
    %dma_wait3A_187 = tpu.memref_slice %arg13[%dma_wait3A_186] : memref<1024xi32, #tpu.memory_space<vmem>> -> memref<64xi32, #tpu.memory_space<vmem>>
    %dma_wait3A_188 = arith.constant 0 : i32
    %dma_wait3A_189 = arith.constant 0 : i32
    %dma_wait3A_190 = tpu.memref_slice %arg3[%dma_wait3A_188, %dma_wait3A_189] : memref<8192x64xf32, #tpu.memory_space<hbm>> -> memref<8192x64xf32, #tpu.memory_space<hbm>>
    tpu.wait_indirect_dma semaphore(%arg18 : memref<!tpu.dma_semaphore, #tpu.memory_space<semaphore_mem>>) src(%dma_wait3A_190 : memref<8192x64xf32, #tpu.memory_space<hbm>>) dst(%dma_wait3A_185 : memref<64x64xf32, #tpu.memory_space<vmem>>)
    %dma_wait3A_191 = arith.constant 960 : i32
    %dma_wait3A_192 = arith.constant 0 : i32
    %dma_wait3A_193 = tpu.memref_slice %arg15[%dma_wait3A_191, %dma_wait3A_192] : memref<1024x64xf32, #tpu.memory_space<vmem>> -> memref<64x64xf32, #tpu.memory_space<vmem>>
    %dma_wait3A_194 = arith.constant 960 : i32
    %dma_wait3A_195 = tpu.memref_slice %arg13[%dma_wait3A_194] : memref<1024xi32, #tpu.memory_space<vmem>> -> memref<64xi32, #tpu.memory_space<vmem>>
    %dma_wait3A_196 = arith.constant 0 : i32
    %dma_wait3A_197 = arith.constant 0 : i32
    %dma_wait3A_198 = tpu.memref_slice %arg3[%dma_wait3A_196, %dma_wait3A_197] : memref<8192x64xf32, #tpu.memory_space<hbm>> -> memref<8192x64xf32, #tpu.memory_space<hbm>>
    tpu.wait_indirect_dma semaphore(%arg18 : memref<!tpu.dma_semaphore, #tpu.memory_space<semaphore_mem>>) src(%dma_wait3A_198 : memref<8192x64xf32, #tpu.memory_space<hbm>>) dst(%dma_wait3A_193 : memref<64x64xf32, #tpu.memory_space<vmem>>)
    "tpu.trace_start"() <{level = 10 : i32, message = "ph_c_composite"}> : () -> ()
    %scan3A_199 = arith.constant 0 : i32
    %scan3A_200 = arith.constant 0 : i32
    %scan3A_201 = arith.constant 64 : i32
    %scan3A_202 = arith.addi %scan3A_200, %scan3A_201 : i32
    %scan3A_203 = arith.constant 1 : i32
    scf.for %scan3A_205 = %scan3A_200 to %scan3A_202 step %scan3A_203  : i32 {
      %mul3A_206 = arith.constant 16 : i32
      %mul3A_207 = arith.muli %scan3A_205, %mul3A_206 : i32
      %get3A_208 = arith.index_cast %mul3A_207 : i32 to index
      %get3A_209 = tpu.vector_load %arg14[%get3A_208] {strides = array<i32>} : memref<2048xf32, #tpu.memory_space<vmem>>, vector<16xf32>,
      %add3A_210 = arith.constant 64 : i32
      %add3A_211 = arith.addi %add3A_210, %scan3A_205 : i32
      %mul3A_212 = arith.constant 16 : i32
      %mul3A_213 = arith.muli %add3A_211, %mul3A_212 : i32
      %get3A_214 = arith.index_cast %mul3A_213 : i32 to index
      %get3A_215 = tpu.vector_load %arg14[%get3A_214] {strides = array<i32>} : memref<2048xf32, #tpu.memory_space<vmem>>, vector<16xf32>,
      %broadcast_in_dim3A = arith.constant 0.000000e+00 : f32
      %broadcast_in_dim3A_216 = vector.broadcast %broadcast_in_dim3A : f32 to vector<16xf32>
      %broadcast_in_dim3A_217 = arith.constant 0.000000e+00 : f32
      %broadcast_in_dim3A_218 = vector.broadcast %broadcast_in_dim3A_217 : f32 to vector<16xf32>
      %slice3A = vector.extract_strided_slice %get3A_209 {offsets = [0], sizes = [1], strides = [1]} : vector<16xf32> to vector<1xf32>
      %squeeze3A = vector.extract %slice3A[0] : f32 from vector<1xf32>
      %mul3A_219 = arith.constant 8 : i32
      %mul3A_220 = arith.muli %scan3A_205, %mul3A_219 : i32
      %add3A_221 = arith.constant 0 : i32
      %add3A_222 = arith.addi %mul3A_220, %add3A_221 : i32
      %get3A_223 = arith.index_cast %add3A_222 : i32 to index
      %get3A_224 = arith.constant 0 : index
      %get3A_225 = tpu.vector_load %arg15[%get3A_223, %get3A_224] {strides = array<i32>} : memref<1024x64xf32, #tpu.memory_space<vmem>>, vector<16xf32>,
      %mul3A_226 = vector.broadcast %squeeze3A : f32 to vector<16xf32>
      %mul3A_227 = arith.mulf %mul3A_226, %get3A_225 : vector<16xf32>
      %add3A_228 = arith.addf %broadcast_in_dim3A_216, %mul3A_227 : vector<16xf32>
      %slice3A_229 = vector.extract_strided_slice %get3A_215 {offsets = [0], sizes = [1], strides = [1]} : vector<16xf32> to vector<1xf32>
      %squeeze3A_230 = vector.extract %slice3A_229[0] : f32 from vector<1xf32>
      %add3A_231 = arith.constant 64 : i32
      %add3A_232 = arith.addi %add3A_231, %scan3A_205 : i32
      %mul3A_233 = arith.constant 8 : i32
      %mul3A_234 = arith.muli %add3A_232, %mul3A_233 : i32
      %add3A_235 = arith.constant 0 : i32
      %add3A_236 = arith.addi %mul3A_234, %add3A_235 : i32
      %get3A_237 = arith.index_cast %add3A_236 : i32 to index
      %get3A_238 = arith.constant 0 : index
      %get3A_239 = tpu.vector_load %arg15[%get3A_237, %get3A_238] {strides = array<i32>} : memref<1024x64xf32, #tpu.memory_space<vmem>>, vector<16xf32>,
      %mul3A_240 = vector.broadcast %squeeze3A_230 : f32 to vector<16xf32>
      %mul3A_241 = arith.mulf %mul3A_240, %get3A_239 : vector<16xf32>
      %add3A_242 = arith.addf %broadcast_in_dim3A_218, %mul3A_241 : vector<16xf32>
      %slice3A_243 = vector.extract_strided_slice %get3A_209 {offsets = [1], sizes = [1], strides = [1]} : vector<16xf32> to vector<1xf32>
      %squeeze3A_244 = vector.extract %slice3A_243[0] : f32 from vector<1xf32>
      %mul3A_245 = arith.constant 8 : i32
      %mul3A_246 = arith.muli %scan3A_205, %mul3A_245 : i32
      %add3A_247 = arith.constant 1 : i32
      %add3A_248 = arith.addi %mul3A_246, %add3A_247 : i32
      %get3A_249 = arith.index_cast %add3A_248 : i32 to index
      %get3A_250 = arith.constant 0 : index
      %get3A_251 = tpu.vector_load %arg15[%get3A_249, %get3A_250] {strides = array<i32>} : memref<1024x64xf32, #tpu.memory_space<vmem>>, vector<16xf32>,
      %mul3A_252 = vector.broadcast %squeeze3A_244 : f32 to vector<16xf32>
      %mul3A_253 = arith.mulf %mul3A_252, %get3A_251 : vector<16xf32>
      %add3A_254 = arith.addf %add3A_228, %mul3A_253 : vector<16xf32>
      %slice3A_255 = vector.extract_strided_slice %get3A_215 {offsets = [1], sizes = [1], strides = [1]} : vector<16xf32> to vector<1xf32>
      %squeeze3A_256 = vector.extract %slice3A_255[0] : f32 from vector<1xf32>
      %add3A_257 = arith.constant 64 : i32
      %add3A_258 = arith.addi %add3A_257, %scan3A_205 : i32
      %mul3A_259 = arith.constant 8 : i32
      %mul3A_260 = arith.muli %add3A_258, %mul3A_259 : i32
      %add3A_261 = arith.constant 1 : i32
      %add3A_262 = arith.addi %mul3A_260, %add3A_261 : i32
      %get3A_263 = arith.index_cast %add3A_262 : i32 to index
      %get3A_264 = arith.constant 0 : index
      %get3A_265 = tpu.vector_load %arg15[%get3A_263, %get3A_264] {strides = array<i32>} : memref<1024x64xf32, #tpu.memory_space<vmem>>, vector<16xf32>,
      %mul3A_266 = vector.broadcast %squeeze3A_256 : f32 to vector<16xf32>
      %mul3A_267 = arith.mulf %mul3A_266, %get3A_265 : vector<16xf32>
      %add3A_268 = arith.addf %add3A_242, %mul3A_267 : vector<16xf32>
      %slice3A_269 = vector.extract_strided_slice %get3A_209 {offsets = [2], sizes = [1], strides = [1]} : vector<16xf32> to vector<1xf32>
      %squeeze3A_270 = vector.extract %slice3A_269[0] : f32 from vector<1xf32>
      %mul3A_271 = arith.constant 8 : i32
      %mul3A_272 = arith.muli %scan3A_205, %mul3A_271 : i32
      %add3A_273 = arith.constant 2 : i32
      %add3A_274 = arith.addi %mul3A_272, %add3A_273 : i32
      %get3A_275 = arith.index_cast %add3A_274 : i32 to index
      %get3A_276 = arith.constant 0 : index
      %get3A_277 = tpu.vector_load %arg15[%get3A_275, %get3A_276] {strides = array<i32>} : memref<1024x64xf32, #tpu.memory_space<vmem>>, vector<16xf32>,
      %mul3A_278 = vector.broadcast %squeeze3A_270 : f32 to vector<16xf32>
      %mul3A_279 = arith.mulf %mul3A_278, %get3A_277 : vector<16xf32>
      %add3A_280 = arith.addf %add3A_254, %mul3A_279 : vector<16xf32>
      %slice3A_281 = vector.extract_strided_slice %get3A_215 {offsets = [2], sizes = [1], strides = [1]} : vector<16xf32> to vector<1xf32>
      %squeeze3A_282 = vector.extract %slice3A_281[0] : f32 from vector<1xf32>
      %add3A_283 = arith.constant 64 : i32
      %add3A_284 = arith.addi %add3A_283, %scan3A_205 : i32
      %mul3A_285 = arith.constant 8 : i32
      %mul3A_286 = arith.muli %add3A_284, %mul3A_285 : i32
      %add3A_287 = arith.constant 2 : i32
      %add3A_288 = arith.addi %mul3A_286, %add3A_287 : i32
      %get3A_289 = arith.index_cast %add3A_288 : i32 to index
      %get3A_290 = arith.constant 0 : index
      %get3A_291 = tpu.vector_load %arg15[%get3A_289, %get3A_290] {strides = array<i32>} : memref<1024x64xf32, #tpu.memory_space<vmem>>, vector<16xf32>,
      %mul3A_292 = vector.broadcast %squeeze3A_282 : f32 to vector<16xf32>
      %mul3A_293 = arith.mulf %mul3A_292, %get3A_291 : vector<16xf32>
      %add3A_294 = arith.addf %add3A_268, %mul3A_293 : vector<16xf32>
      %slice3A_295 = vector.extract_strided_slice %get3A_209 {offsets = [3], sizes = [1], strides = [1]} : vector<16xf32> to vector<1xf32>
      %squeeze3A_296 = vector.extract %slice3A_295[0] : f32 from vector<1xf32>
      %mul3A_297 = arith.constant 8 : i32
      %mul3A_298 = arith.muli %scan3A_205, %mul3A_297 : i32
      %add3A_299 = arith.constant 3 : i32
      %add3A_300 = arith.addi %mul3A_298, %add3A_299 : i32
      %get3A_301 = arith.index_cast %add3A_300 : i32 to index
      %get3A_302 = arith.constant 0 : index
      %get3A_303 = tpu.vector_load %arg15[%get3A_301, %get3A_302] {strides = array<i32>} : memref<1024x64xf32, #tpu.memory_space<vmem>>, vector<16xf32>,
      %mul3A_304 = vector.broadcast %squeeze3A_296 : f32 to vector<16xf32>
      %mul3A_305 = arith.mulf %mul3A_304, %get3A_303 : vector<16xf32>
      %add3A_306 = arith.addf %add3A_280, %mul3A_305 : vector<16xf32>
      %slice3A_307 = vector.extract_strided_slice %get3A_215 {offsets = [3], sizes = [1], strides = [1]} : vector<16xf32> to vector<1xf32>
      %squeeze3A_308 = vector.extract %slice3A_307[0] : f32 from vector<1xf32>
      %add3A_309 = arith.constant 64 : i32
      %add3A_310 = arith.addi %add3A_309, %scan3A_205 : i32
      %mul3A_311 = arith.constant 8 : i32
      %mul3A_312 = arith.muli %add3A_310, %mul3A_311 : i32
      %add3A_313 = arith.constant 3 : i32
      %add3A_314 = arith.addi %mul3A_312, %add3A_313 : i32
      %get3A_315 = arith.index_cast %add3A_314 : i32 to index
      %get3A_316 = arith.constant 0 : index
      %get3A_317 = tpu.vector_load %arg15[%get3A_315, %get3A_316] {strides = array<i32>} : memref<1024x64xf32, #tpu.memory_space<vmem>>, vector<16xf32>,
      %mul3A_318 = vector.broadcast %squeeze3A_308 : f32 to vector<16xf32>
      %mul3A_319 = arith.mulf %mul3A_318, %get3A_317 : vector<16xf32>
      %add3A_320 = arith.addf %add3A_294, %mul3A_319 : vector<16xf32>
      %slice3A_321 = vector.extract_strided_slice %get3A_209 {offsets = [4], sizes = [1], strides = [1]} : vector<16xf32> to vector<1xf32>
      %squeeze3A_322 = vector.extract %slice3A_321[0] : f32 from vector<1xf32>
      %mul3A_323 = arith.constant 8 : i32
      %mul3A_324 = arith.muli %scan3A_205, %mul3A_323 : i32
      %add3A_325 = arith.constant 4 : i32
      %add3A_326 = arith.addi %mul3A_324, %add3A_325 : i32
      %get3A_327 = arith.index_cast %add3A_326 : i32 to index
      %get3A_328 = arith.constant 0 : index
      %get3A_329 = tpu.vector_load %arg15[%get3A_327, %get3A_328] {strides = array<i32>} : memref<1024x64xf32, #tpu.memory_space<vmem>>, vector<16xf32>,
      %mul3A_330 = vector.broadcast %squeeze3A_322 : f32 to vector<16xf32>
      %mul3A_331 = arith.mulf %mul3A_330, %get3A_329 : vector<16xf32>
      %add3A_332 = arith.addf %add3A_306, %mul3A_331 : vector<16xf32>
      %slice3A_333 = vector.extract_strided_slice %get3A_215 {offsets = [4], sizes = [1], strides = [1]} : vector<16xf32> to vector<1xf32>
      %squeeze3A_334 = vector.extract %slice3A_333[0] : f32 from vector<1xf32>
      %add3A_335 = arith.constant 64 : i32
      %add3A_336 = arith.addi %add3A_335, %scan3A_205 : i32
      %mul3A_337 = arith.constant 8 : i32
      %mul3A_338 = arith.muli %add3A_336, %mul3A_337 : i32
      %add3A_339 = arith.constant 4 : i32
      %add3A_340 = arith.addi %mul3A_338, %add3A_339 : i32
      %get3A_341 = arith.index_cast %add3A_340 : i32 to index
      %get3A_342 = arith.constant 0 : index
      %get3A_343 = tpu.vector_load %arg15[%get3A_341, %get3A_342] {strides = array<i32>} : memref<1024x64xf32, #tpu.memory_space<vmem>>, vector<16xf32>,
      %mul3A_344 = vector.broadcast %squeeze3A_334 : f32 to vector<16xf32>
      %mul3A_345 = arith.mulf %mul3A_344, %get3A_343 : vector<16xf32>
      %add3A_346 = arith.addf %add3A_320, %mul3A_345 : vector<16xf32>
      %slice3A_347 = vector.extract_strided_slice %get3A_209 {offsets = [5], sizes = [1], strides = [1]} : vector<16xf32> to vector<1xf32>
      %squeeze3A_348 = vector.extract %slice3A_347[0] : f32 from vector<1xf32>
      %mul3A_349 = arith.constant 8 : i32
      %mul3A_350 = arith.muli %scan3A_205, %mul3A_349 : i32
      %add3A_351 = arith.constant 5 : i32
      %add3A_352 = arith.addi %mul3A_350, %add3A_351 : i32
      %get3A_353 = arith.index_cast %add3A_352 : i32 to index
      %get3A_354 = arith.constant 0 : index
      %get3A_355 = tpu.vector_load %arg15[%get3A_353, %get3A_354] {strides = array<i32>} : memref<1024x64xf32, #tpu.memory_space<vmem>>, vector<16xf32>,
      %mul3A_356 = vector.broadcast %squeeze3A_348 : f32 to vector<16xf32>
      %mul3A_357 = arith.mulf %mul3A_356, %get3A_355 : vector<16xf32>
      %add3A_358 = arith.addf %add3A_332, %mul3A_357 : vector<16xf32>
      %slice3A_359 = vector.extract_strided_slice %get3A_215 {offsets = [5], sizes = [1], strides = [1]} : vector<16xf32> to vector<1xf32>
      %squeeze3A_360 = vector.extract %slice3A_359[0] : f32 from vector<1xf32>
      %add3A_361 = arith.constant 64 : i32
      %add3A_362 = arith.addi %add3A_361, %scan3A_205 : i32
      %mul3A_363 = arith.constant 8 : i32
      %mul3A_364 = arith.muli %add3A_362, %mul3A_363 : i32
      %add3A_365 = arith.constant 5 : i32
      %add3A_366 = arith.addi %mul3A_364, %add3A_365 : i32
      %get3A_367 = arith.index_cast %add3A_366 : i32 to index
      %get3A_368 = arith.constant 0 : index
      %get3A_369 = tpu.vector_load %arg15[%get3A_367, %get3A_368] {strides = array<i32>} : memref<1024x64xf32, #tpu.memory_space<vmem>>, vector<16xf32>,
      %mul3A_370 = vector.broadcast %squeeze3A_360 : f32 to vector<16xf32>
      %mul3A_371 = arith.mulf %mul3A_370, %get3A_369 : vector<16xf32>
      %add3A_372 = arith.addf %add3A_346, %mul3A_371 : vector<16xf32>
      %slice3A_373 = vector.extract_strided_slice %get3A_209 {offsets = [6], sizes = [1], strides = [1]} : vector<16xf32> to vector<1xf32>
      %squeeze3A_374 = vector.extract %slice3A_373[0] : f32 from vector<1xf32>
      %mul3A_375 = arith.constant 8 : i32
      %mul3A_376 = arith.muli %scan3A_205, %mul3A_375 : i32
      %add3A_377 = arith.constant 6 : i32
      %add3A_378 = arith.addi %mul3A_376, %add3A_377 : i32
      %get3A_379 = arith.index_cast %add3A_378 : i32 to index
      %get3A_380 = arith.constant 0 : index
      %get3A_381 = tpu.vector_load %arg15[%get3A_379, %get3A_380] {strides = array<i32>} : memref<1024x64xf32, #tpu.memory_space<vmem>>, vector<16xf32>,
      %mul3A_382 = vector.broadcast %squeeze3A_374 : f32 to vector<16xf32>
      %mul3A_383 = arith.mulf %mul3A_382, %get3A_381 : vector<16xf32>
      %add3A_384 = arith.addf %add3A_358, %mul3A_383 : vector<16xf32>
      %slice3A_385 = vector.extract_strided_slice %get3A_215 {offsets = [6], sizes = [1], strides = [1]} : vector<16xf32> to vector<1xf32>
      %squeeze3A_386 = vector.extract %slice3A_385[0] : f32 from vector<1xf32>
      %add3A_387 = arith.constant 64 : i32
      %add3A_388 = arith.addi %add3A_387, %scan3A_205 : i32
      %mul3A_389 = arith.constant 8 : i32
      %mul3A_390 = arith.muli %add3A_388, %mul3A_389 : i32
      %add3A_391 = arith.constant 6 : i32
      %add3A_392 = arith.addi %mul3A_390, %add3A_391 : i32
      %get3A_393 = arith.index_cast %add3A_392 : i32 to index
      %get3A_394 = arith.constant 0 : index
      %get3A_395 = tpu.vector_load %arg15[%get3A_393, %get3A_394] {strides = array<i32>} : memref<1024x64xf32, #tpu.memory_space<vmem>>, vector<16xf32>,
      %mul3A_396 = vector.broadcast %squeeze3A_386 : f32 to vector<16xf32>
      %mul3A_397 = arith.mulf %mul3A_396, %get3A_395 : vector<16xf32>
      %add3A_398 = arith.addf %add3A_372, %mul3A_397 : vector<16xf32>
      %slice3A_399 = vector.extract_strided_slice %get3A_209 {offsets = [7], sizes = [1], strides = [1]} : vector<16xf32> to vector<1xf32>
      %squeeze3A_400 = vector.extract %slice3A_399[0] : f32 from vector<1xf32>
      %mul3A_401 = arith.constant 8 : i32
      %mul3A_402 = arith.muli %scan3A_205, %mul3A_401 : i32
      %add3A_403 = arith.constant 7 : i32
      %add3A_404 = arith.addi %mul3A_402, %add3A_403 : i32
      %get3A_405 = arith.index_cast %add3A_404 : i32 to index
      %get3A_406 = arith.constant 0 : index
      %get3A_407 = tpu.vector_load %arg15[%get3A_405, %get3A_406] {strides = array<i32>} : memref<1024x64xf32, #tpu.memory_space<vmem>>, vector<16xf32>,
      %mul3A_408 = vector.broadcast %squeeze3A_400 : f32 to vector<16xf32>
      %mul3A_409 = arith.mulf %mul3A_408, %get3A_407 : vector<16xf32>
      %add3A_410 = arith.addf %add3A_384, %mul3A_409 : vector<16xf32>
      %slice3A_411 = vector.extract_strided_slice %get3A_215 {offsets = [7], sizes = [1], strides = [1]} : vector<16xf32> to vector<1xf32>
      %squeeze3A_412 = vector.extract %slice3A_411[0] : f32 from vector<1xf32>
      %add3A_413 = arith.constant 64 : i32
      %add3A_414 = arith.addi %add3A_413, %scan3A_205 : i32
      %mul3A_415 = arith.constant 8 : i32
      %mul3A_416 = arith.muli %add3A_414, %mul3A_415 : i32
      %add3A_417 = arith.constant 7 : i32
      %add3A_418 = arith.addi %mul3A_416, %add3A_417 : i32
      %get3A_419 = arith.index_cast %add3A_418 : i32 to index
      %get3A_420 = arith.constant 0 : index
      %get3A_421 = tpu.vector_load %arg15[%get3A_419, %get3A_420] {strides = array<i32>} : memref<1024x64xf32, #tpu.memory_space<vmem>>, vector<16xf32>,
      %mul3A_422 = vector.broadcast %squeeze3A_412 : f32 to vector<16xf32>
      %mul3A_423 = arith.mulf %mul3A_422, %get3A_421 : vector<16xf32>
      %add3A_424 = arith.addf %add3A_398, %mul3A_423 : vector<16xf32>
      %swap3A = arith.constant 0 : i32
      %swap3A_425 = arith.index_cast %swap3A : i32 to index
      %swap3A_426 = arith.index_cast %scan3A_205 : i32 to index
      %swap3A_427 = arith.constant 0 : index
      %swap3A_428 = tpu.vector_load %arg16[%swap3A_425, %swap3A_426, %swap3A_427] {strides = array<i32>} : memref<2x64x64xf32, #tpu.memory_space<vmem>>, vector<16xf32>,
      tpu.vector_store %arg16[%swap3A_425, %swap3A_426, %swap3A_427], %add3A_410 {strides = array<i32>} : memref<2x64x64xf32, #tpu.memory_space<vmem>>, vector<16xf32>,
      %swap3A_429 = arith.constant 1 : i32
      %swap3A_430 = arith.index_cast %swap3A_429 : i32 to index
      %swap3A_431 = arith.index_cast %scan3A_205 : i32 to index
      %swap3A_432 = arith.constant 0 : index
      %swap3A_433 = tpu.vector_load %arg16[%swap3A_430, %swap3A_431, %swap3A_432] {strides = array<i32>} : memref<2x64x64xf32, #tpu.memory_space<vmem>>, vector<16xf32>,
      tpu.vector_store %arg16[%swap3A_430, %swap3A_431, %swap3A_432], %add3A_424 {strides = array<i32>} : memref<2x64x64xf32, #tpu.memory_space<vmem>>, vector<16xf32>,
      %broadcast_in_dim3A_434 = arith.constant 0.000000e+00 : f32
      %broadcast_in_dim3A_435 = vector.broadcast %broadcast_in_dim3A_434 : f32 to vector<16xf32>
      %broadcast_in_dim3A_436 = arith.constant 0.000000e+00 : f32
      %broadcast_in_dim3A_437 = vector.broadcast %broadcast_in_dim3A_436 : f32 to vector<16xf32>
      %slice3A_438 = vector.extract_strided_slice %get3A_209 {offsets = [0], sizes = [1], strides = [1]} : vector<16xf32> to vector<1xf32>
      %squeeze3A_439 = vector.extract %slice3A_438[0] : f32 from vector<1xf32>
      %mul3A_440 = arith.constant 8 : i32
      %mul3A_441 = arith.muli %scan3A_205, %mul3A_440 : i32
      %add3A_442 = arith.constant 0 : i32
      %add3A_443 = arith.addi %mul3A_441, %add3A_442 : i32
      %get3A_444 = arith.index_cast %add3A_443 : i32 to index
      %get3A_445 = arith.constant 16 : index
      %get3A_446 = tpu.vector_load %arg15[%get3A_444, %get3A_445] {strides = array<i32>} : memref<1024x64xf32, #tpu.memory_space<vmem>>, vector<16xf32>,
      %mul3A_447 = vector.broadcast %squeeze3A_439 : f32 to vector<16xf32>
      %mul3A_448 = arith.mulf %mul3A_447, %get3A_446 : vector<16xf32>
      %add3A_449 = arith.addf %broadcast_in_dim3A_435, %mul3A_448 : vector<16xf32>
      %slice3A_450 = vector.extract_strided_slice %get3A_215 {offsets = [0], sizes = [1], strides = [1]} : vector<16xf32> to vector<1xf32>
      %squeeze3A_451 = vector.extract %slice3A_450[0] : f32 from vector<1xf32>
      %add3A_452 = arith.constant 64 : i32
      %add3A_453 = arith.addi %add3A_452, %scan3A_205 : i32
      %mul3A_454 = arith.constant 8 : i32
      %mul3A_455 = arith.muli %add3A_453, %mul3A_454 : i32
      %add3A_456 = arith.constant 0 : i32
      %add3A_457 = arith.addi %mul3A_455, %add3A_456 : i32
      %get3A_458 = arith.index_cast %add3A_457 : i32 to index
      %get3A_459 = arith.constant 16 : index
      %get3A_460 = tpu.vector_load %arg15[%get3A_458, %get3A_459] {strides = array<i32>} : memref<1024x64xf32, #tpu.memory_space<vmem>>, vector<16xf32>,
      %mul3A_461 = vector.broadcast %squeeze3A_451 : f32 to vector<16xf32>
      %mul3A_462 = arith.mulf %mul3A_461, %get3A_460 : vector<16xf32>
      %add3A_463 = arith.addf %broadcast_in_dim3A_437, %mul3A_462 : vector<16xf32>
      %slice3A_464 = vector.extract_strided_slice %get3A_209 {offsets = [1], sizes = [1], strides = [1]} : vector<16xf32> to vector<1xf32>
      %squeeze3A_465 = vector.extract %slice3A_464[0] : f32 from vector<1xf32>
      %mul3A_466 = arith.constant 8 : i32
      %mul3A_467 = arith.muli %scan3A_205, %mul3A_466 : i32
      %add3A_468 = arith.constant 1 : i32
      %add3A_469 = arith.addi %mul3A_467, %add3A_468 : i32
      %get3A_470 = arith.index_cast %add3A_469 : i32 to index
      %get3A_471 = arith.constant 16 : index
      %get3A_472 = tpu.vector_load %arg15[%get3A_470, %get3A_471] {strides = array<i32>} : memref<1024x64xf32, #tpu.memory_space<vmem>>, vector<16xf32>,
      %mul3A_473 = vector.broadcast %squeeze3A_465 : f32 to vector<16xf32>
      %mul3A_474 = arith.mulf %mul3A_473, %get3A_472 : vector<16xf32>
      %add3A_475 = arith.addf %add3A_449, %mul3A_474 : vector<16xf32>
      %slice3A_476 = vector.extract_strided_slice %get3A_215 {offsets = [1], sizes = [1], strides = [1]} : vector<16xf32> to vector<1xf32>
      %squeeze3A_477 = vector.extract %slice3A_476[0] : f32 from vector<1xf32>
      %add3A_478 = arith.constant 64 : i32
      %add3A_479 = arith.addi %add3A_478, %scan3A_205 : i32
      %mul3A_480 = arith.constant 8 : i32
      %mul3A_481 = arith.muli %add3A_479, %mul3A_480 : i32
      %add3A_482 = arith.constant 1 : i32
      %add3A_483 = arith.addi %mul3A_481, %add3A_482 : i32
      %get3A_484 = arith.index_cast %add3A_483 : i32 to index
      %get3A_485 = arith.constant 16 : index
      %get3A_486 = tpu.vector_load %arg15[%get3A_484, %get3A_485] {strides = array<i32>} : memref<1024x64xf32, #tpu.memory_space<vmem>>, vector<16xf32>,
      %mul3A_487 = vector.broadcast %squeeze3A_477 : f32 to vector<16xf32>
      %mul3A_488 = arith.mulf %mul3A_487, %get3A_486 : vector<16xf32>
      %add3A_489 = arith.addf %add3A_463, %mul3A_488 : vector<16xf32>
      %slice3A_490 = vector.extract_strided_slice %get3A_209 {offsets = [2], sizes = [1], strides = [1]} : vector<16xf32> to vector<1xf32>
      %squeeze3A_491 = vector.extract %slice3A_490[0] : f32 from vector<1xf32>
      %mul3A_492 = arith.constant 8 : i32
      %mul3A_493 = arith.muli %scan3A_205, %mul3A_492 : i32
      %add3A_494 = arith.constant 2 : i32
      %add3A_495 = arith.addi %mul3A_493, %add3A_494 : i32
      %get3A_496 = arith.index_cast %add3A_495 : i32 to index
      %get3A_497 = arith.constant 16 : index
      %get3A_498 = tpu.vector_load %arg15[%get3A_496, %get3A_497] {strides = array<i32>} : memref<1024x64xf32, #tpu.memory_space<vmem>>, vector<16xf32>,
      %mul3A_499 = vector.broadcast %squeeze3A_491 : f32 to vector<16xf32>
      %mul3A_500 = arith.mulf %mul3A_499, %get3A_498 : vector<16xf32>
      %add3A_501 = arith.addf %add3A_475, %mul3A_500 : vector<16xf32>
      %slice3A_502 = vector.extract_strided_slice %get3A_215 {offsets = [2], sizes = [1], strides = [1]} : vector<16xf32> to vector<1xf32>
      %squeeze3A_503 = vector.extract %slice3A_502[0] : f32 from vector<1xf32>
      %add3A_504 = arith.constant 64 : i32
      %add3A_505 = arith.addi %add3A_504, %scan3A_205 : i32
      %mul3A_506 = arith.constant 8 : i32
      %mul3A_507 = arith.muli %add3A_505, %mul3A_506 : i32
      %add3A_508 = arith.constant 2 : i32
      %add3A_509 = arith.addi %mul3A_507, %add3A_508 : i32
      %get3A_510 = arith.index_cast %add3A_509 : i32 to index
      %get3A_511 = arith.constant 16 : index
      %get3A_512 = tpu.vector_load %arg15[%get3A_510, %get3A_511] {strides = array<i32>} : memref<1024x64xf32, #tpu.memory_space<vmem>>, vector<16xf32>,
      %mul3A_513 = vector.broadcast %squeeze3A_503 : f32 to vector<16xf32>
      %mul3A_514 = arith.mulf %mul3A_513, %get3A_512 : vector<16xf32>
      %add3A_515 = arith.addf %add3A_489, %mul3A_514 : vector<16xf32>
      %slice3A_516 = vector.extract_strided_slice %get3A_209 {offsets = [3], sizes = [1], strides = [1]} : vector<16xf32> to vector<1xf32>
      %squeeze3A_517 = vector.extract %slice3A_516[0] : f32 from vector<1xf32>
      %mul3A_518 = arith.constant 8 : i32
      %mul3A_519 = arith.muli %scan3A_205, %mul3A_518 : i32
      %add3A_520 = arith.constant 3 : i32
      %add3A_521 = arith.addi %mul3A_519, %add3A_520 : i32
      %get3A_522 = arith.index_cast %add3A_521 : i32 to index
      %get3A_523 = arith.constant 16 : index
      %get3A_524 = tpu.vector_load %arg15[%get3A_522, %get3A_523] {strides = array<i32>} : memref<1024x64xf32, #tpu.memory_space<vmem>>, vector<16xf32>,
      %mul3A_525 = vector.broadcast %squeeze3A_517 : f32 to vector<16xf32>
      %mul3A_526 = arith.mulf %mul3A_525, %get3A_524 : vector<16xf32>
      %add3A_527 = arith.addf %add3A_501, %mul3A_526 : vector<16xf32>
      %slice3A_528 = vector.extract_strided_slice %get3A_215 {offsets = [3], sizes = [1], strides = [1]} : vector<16xf32> to vector<1xf32>
      %squeeze3A_529 = vector.extract %slice3A_528[0] : f32 from vector<1xf32>
      %add3A_530 = arith.constant 64 : i32
      %add3A_531 = arith.addi %add3A_530, %scan3A_205 : i32
      %mul3A_532 = arith.constant 8 : i32
      %mul3A_533 = arith.muli %add3A_531, %mul3A_532 : i32
      %add3A_534 = arith.constant 3 : i32
      %add3A_535 = arith.addi %mul3A_533, %add3A_534 : i32
      %get3A_536 = arith.index_cast %add3A_535 : i32 to index
      %get3A_537 = arith.constant 16 : index
      %get3A_538 = tpu.vector_load %arg15[%get3A_536, %get3A_537] {strides = array<i32>} : memref<1024x64xf32, #tpu.memory_space<vmem>>, vector<16xf32>,
      %mul3A_539 = vector.broadcast %squeeze3A_529 : f32 to vector<16xf32>
      %mul3A_540 = arith.mulf %mul3A_539, %get3A_538 : vector<16xf32>
      %add3A_541 = arith.addf %add3A_515, %mul3A_540 : vector<16xf32>
      %slice3A_542 = vector.extract_strided_slice %get3A_209 {offsets = [4], sizes = [1], strides = [1]} : vector<16xf32> to vector<1xf32>
      %squeeze3A_543 = vector.extract %slice3A_542[0] : f32 from vector<1xf32>
      %mul3A_544 = arith.constant 8 : i32
      %mul3A_545 = arith.muli %scan3A_205, %mul3A_544 : i32
      %add3A_546 = arith.constant 4 : i32
      %add3A_547 = arith.addi %mul3A_545, %add3A_546 : i32
      %get3A_548 = arith.index_cast %add3A_547 : i32 to index
      %get3A_549 = arith.constant 16 : index
      %get3A_550 = tpu.vector_load %arg15[%get3A_548, %get3A_549] {strides = array<i32>} : memref<1024x64xf32, #tpu.memory_space<vmem>>, vector<16xf32>,
      %mul3A_551 = vector.broadcast %squeeze3A_543 : f32 to vector<16xf32>
      %mul3A_552 = arith.mulf %mul3A_551, %get3A_550 : vector<16xf32>
      %add3A_553 = arith.addf %add3A_527, %mul3A_552 : vector<16xf32>
      %slice3A_554 = vector.extract_strided_slice %get3A_215 {offsets = [4], sizes = [1], strides = [1]} : vector<16xf32> to vector<1xf32>
      %squeeze3A_555 = vector.extract %slice3A_554[0] : f32 from vector<1xf32>
      %add3A_556 = arith.constant 64 : i32
      %add3A_557 = arith.addi %add3A_556, %scan3A_205 : i32
      %mul3A_558 = arith.constant 8 : i32
      %mul3A_559 = arith.muli %add3A_557, %mul3A_558 : i32
      %add3A_560 = arith.constant 4 : i32
      %add3A_561 = arith.addi %mul3A_559, %add3A_560 : i32
      %get3A_562 = arith.index_cast %add3A_561 : i32 to index
      %get3A_563 = arith.constant 16 : index
      %get3A_564 = tpu.vector_load %arg15[%get3A_562, %get3A_563] {strides = array<i32>} : memref<1024x64xf32, #tpu.memory_space<vmem>>, vector<16xf32>,
      %mul3A_565 = vector.broadcast %squeeze3A_555 : f32 to vector<16xf32>
      %mul3A_566 = arith.mulf %mul3A_565, %get3A_564 : vector<16xf32>
      %add3A_567 = arith.addf %add3A_541, %mul3A_566 : vector<16xf32>
      %slice3A_568 = vector.extract_strided_slice %get3A_209 {offsets = [5], sizes = [1], strides = [1]} : vector<16xf32> to vector<1xf32>
      %squeeze3A_569 = vector.extract %slice3A_568[0] : f32 from vector<1xf32>
      %mul3A_570 = arith.constant 8 : i32
      %mul3A_571 = arith.muli %scan3A_205, %mul3A_570 : i32
      %add3A_572 = arith.constant 5 : i32
      %add3A_573 = arith.addi %mul3A_571, %add3A_572 : i32
      %get3A_574 = arith.index_cast %add3A_573 : i32 to index
      %get3A_575 = arith.constant 16 : index
      %get3A_576 = tpu.vector_load %arg15[%get3A_574, %get3A_575] {strides = array<i32>} : memref<1024x64xf32, #tpu.memory_space<vmem>>, vector<16xf32>,
      %mul3A_577 = vector.broadcast %squeeze3A_569 : f32 to vector<16xf32>
      %mul3A_578 = arith.mulf %mul3A_577, %get3A_576 : vector<16xf32>
      %add3A_579 = arith.addf %add3A_553, %mul3A_578 : vector<16xf32>
      %slice3A_580 = vector.extract_strided_slice %get3A_215 {offsets = [5], sizes = [1], strides = [1]} : vector<16xf32> to vector<1xf32>
      %squeeze3A_581 = vector.extract %slice3A_580[0] : f32 from vector<1xf32>
      %add3A_582 = arith.constant 64 : i32
      %add3A_583 = arith.addi %add3A_582, %scan3A_205 : i32
      %mul3A_584 = arith.constant 8 : i32
      %mul3A_585 = arith.muli %add3A_583, %mul3A_584 : i32
      %add3A_586 = arith.constant 5 : i32
      %add3A_587 = arith.addi %mul3A_585, %add3A_586 : i32
      %get3A_588 = arith.index_cast %add3A_587 : i32 to index
      %get3A_589 = arith.constant 16 : index
      %get3A_590 = tpu.vector_load %arg15[%get3A_588, %get3A_589] {strides = array<i32>} : memref<1024x64xf32, #tpu.memory_space<vmem>>, vector<16xf32>,
      %mul3A_591 = vector.broadcast %squeeze3A_581 : f32 to vector<16xf32>
      %mul3A_592 = arith.mulf %mul3A_591, %get3A_590 : vector<16xf32>
      %add3A_593 = arith.addf %add3A_567, %mul3A_592 : vector<16xf32>
      %slice3A_594 = vector.extract_strided_slice %get3A_209 {offsets = [6], sizes = [1], strides = [1]} : vector<16xf32> to vector<1xf32>
      %squeeze3A_595 = vector.extract %slice3A_594[0] : f32 from vector<1xf32>
      %mul3A_596 = arith.constant 8 : i32
      %mul3A_597 = arith.muli %scan3A_205, %mul3A_596 : i32
      %add3A_598 = arith.constant 6 : i32
      %add3A_599 = arith.addi %mul3A_597, %add3A_598 : i32
      %get3A_600 = arith.index_cast %add3A_599 : i32 to index
      %get3A_601 = arith.constant 16 : index
      %get3A_602 = tpu.vector_load %arg15[%get3A_600, %get3A_601] {strides = array<i32>} : memref<1024x64xf32, #tpu.memory_space<vmem>>, vector<16xf32>,
      %mul3A_603 = vector.broadcast %squeeze3A_595 : f32 to vector<16xf32>
      %mul3A_604 = arith.mulf %mul3A_603, %get3A_602 : vector<16xf32>
      %add3A_605 = arith.addf %add3A_579, %mul3A_604 : vector<16xf32>
      %slice3A_606 = vector.extract_strided_slice %get3A_215 {offsets = [6], sizes = [1], strides = [1]} : vector<16xf32> to vector<1xf32>
      %squeeze3A_607 = vector.extract %slice3A_606[0] : f32 from vector<1xf32>
      %add3A_608 = arith.constant 64 : i32
      %add3A_609 = arith.addi %add3A_608, %scan3A_205 : i32
      %mul3A_610 = arith.constant 8 : i32
      %mul3A_611 = arith.muli %add3A_609, %mul3A_610 : i32
      %add3A_612 = arith.constant 6 : i32
      %add3A_613 = arith.addi %mul3A_611, %add3A_612 : i32
      %get3A_614 = arith.index_cast %add3A_613 : i32 to index
      %get3A_615 = arith.constant 16 : index
      %get3A_616 = tpu.vector_load %arg15[%get3A_614, %get3A_615] {strides = array<i32>} : memref<1024x64xf32, #tpu.memory_space<vmem>>, vector<16xf32>,
      %mul3A_617 = vector.broadcast %squeeze3A_607 : f32 to vector<16xf32>
      %mul3A_618 = arith.mulf %mul3A_617, %get3A_616 : vector<16xf32>
      %add3A_619 = arith.addf %add3A_593, %mul3A_618 : vector<16xf32>
      %slice3A_620 = vector.extract_strided_slice %get3A_209 {offsets = [7], sizes = [1], strides = [1]} : vector<16xf32> to vector<1xf32>
      %squeeze3A_621 = vector.extract %slice3A_620[0] : f32 from vector<1xf32>
      %mul3A_622 = arith.constant 8 : i32
      %mul3A_623 = arith.muli %scan3A_205, %mul3A_622 : i32
      %add3A_624 = arith.constant 7 : i32
      %add3A_625 = arith.addi %mul3A_623, %add3A_624 : i32
      %get3A_626 = arith.index_cast %add3A_625 : i32 to index
      %get3A_627 = arith.constant 16 : index
      %get3A_628 = tpu.vector_load %arg15[%get3A_626, %get3A_627] {strides = array<i32>} : memref<1024x64xf32, #tpu.memory_space<vmem>>, vector<16xf32>,
      %mul3A_629 = vector.broadcast %squeeze3A_621 : f32 to vector<16xf32>
      %mul3A_630 = arith.mulf %mul3A_629, %get3A_628 : vector<16xf32>
      %add3A_631 = arith.addf %add3A_605, %mul3A_630 : vector<16xf32>
      %slice3A_632 = vector.extract_strided_slice %get3A_215 {offsets = [7], sizes = [1], strides = [1]} : vector<16xf32> to vector<1xf32>
      %squeeze3A_633 = vector.extract %slice3A_632[0] : f32 from vector<1xf32>
      %add3A_634 = arith.constant 64 : i32
      %add3A_635 = arith.addi %add3A_634, %scan3A_205 : i32
      %mul3A_636 = arith.constant 8 : i32
      %mul3A_637 = arith.muli %add3A_635, %mul3A_636 : i32
      %add3A_638 = arith.constant 7 : i32
      %add3A_639 = arith.addi %mul3A_637, %add3A_638 : i32
      %get3A_640 = arith.index_cast %add3A_639 : i32 to index
      %get3A_641 = arith.constant 16 : index
      %get3A_642 = tpu.vector_load %arg15[%get3A_640, %get3A_641] {strides = array<i32>} : memref<1024x64xf32, #tpu.memory_space<vmem>>, vector<16xf32>,
      %mul3A_643 = vector.broadcast %squeeze3A_633 : f32 to vector<16xf32>
      %mul3A_644 = arith.mulf %mul3A_643, %get3A_642 : vector<16xf32>
      %add3A_645 = arith.addf %add3A_619, %mul3A_644 : vector<16xf32>
      %swap3A_646 = arith.constant 0 : i32
      %swap3A_647 = arith.index_cast %swap3A_646 : i32 to index
      %swap3A_648 = arith.index_cast %scan3A_205 : i32 to index
      %swap3A_649 = arith.constant 16 : index
      %swap3A_650 = tpu.vector_load %arg16[%swap3A_647, %swap3A_648, %swap3A_649] {strides = array<i32>} : memref<2x64x64xf32, #tpu.memory_space<vmem>>, vector<16xf32>,
      tpu.vector_store %arg16[%swap3A_647, %swap3A_648, %swap3A_649], %add3A_631 {strides = array<i32>} : memref<2x64x64xf32, #tpu.memory_space<vmem>>, vector<16xf32>,
      %swap3A_651 = arith.constant 1 : i32
      %swap3A_652 = arith.index_cast %swap3A_651 : i32 to index
      %swap3A_653 = arith.index_cast %scan3A_205 : i32 to index
      %swap3A_654 = arith.constant 16 : index
      %swap3A_655 = tpu.vector_load %arg16[%swap3A_652, %swap3A_653, %swap3A_654] {strides = array<i32>} : memref<2x64x64xf32, #tpu.memory_space<vmem>>, vector<16xf32>,
      tpu.vector_store %arg16[%swap3A_652, %swap3A_653, %swap3A_654], %add3A_645 {strides = array<i32>} : memref<2x64x64xf32, #tpu.memory_space<vmem>>, vector<16xf32>,
      %broadcast_in_dim3A_656 = arith.constant 0.000000e+00 : f32
      %broadcast_in_dim3A_657 = vector.broadcast %broadcast_in_dim3A_656 : f32 to vector<16xf32>
      %broadcast_in_dim3A_658 = arith.constant 0.000000e+00 : f32
      %broadcast_in_dim3A_659 = vector.broadcast %broadcast_in_dim3A_658 : f32 to vector<16xf32>
      %slice3A_660 = vector.extract_strided_slice %get3A_209 {offsets = [0], sizes = [1], strides = [1]} : vector<16xf32> to vector<1xf32>
      %squeeze3A_661 = vector.extract %slice3A_660[0] : f32 from vector<1xf32>
      %mul3A_662 = arith.constant 8 : i32
      %mul3A_663 = arith.muli %scan3A_205, %mul3A_662 : i32
      %add3A_664 = arith.constant 0 : i32
      %add3A_665 = arith.addi %mul3A_663, %add3A_664 : i32
      %get3A_666 = arith.index_cast %add3A_665 : i32 to index
      %get3A_667 = arith.constant 32 : index
      %get3A_668 = tpu.vector_load %arg15[%get3A_666, %get3A_667] {strides = array<i32>} : memref<1024x64xf32, #tpu.memory_space<vmem>>, vector<16xf32>,
      %mul3A_669 = vector.broadcast %squeeze3A_661 : f32 to vector<16xf32>
      %mul3A_670 = arith.mulf %mul3A_669, %get3A_668 : vector<16xf32>
      %add3A_671 = arith.addf %broadcast_in_dim3A_657, %mul3A_670 : vector<16xf32>
      %slice3A_672 = vector.extract_strided_slice %get3A_215 {offsets = [0], sizes = [1], strides = [1]} : vector<16xf32> to vector<1xf32>
      %squeeze3A_673 = vector.extract %slice3A_672[0] : f32 from vector<1xf32>
      %add3A_674 = arith.constant 64 : i32
      %add3A_675 = arith.addi %add3A_674, %scan3A_205 : i32
      %mul3A_676 = arith.constant 8 : i32
      %mul3A_677 = arith.muli %add3A_675, %mul3A_676 : i32
      %add3A_678 = arith.constant 0 : i32
      %add3A_679 = arith.addi %mul3A_677, %add3A_678 : i32
      %get3A_680 = arith.index_cast %add3A_679 : i32 to index
      %get3A_681 = arith.constant 32 : index
      %get3A_682 = tpu.vector_load %arg15[%get3A_680, %get3A_681] {strides = array<i32>} : memref<1024x64xf32, #tpu.memory_space<vmem>>, vector<16xf32>,
      %mul3A_683 = vector.broadcast %squeeze3A_673 : f32 to vector<16xf32>
      %mul3A_684 = arith.mulf %mul3A_683, %get3A_682 : vector<16xf32>
      %add3A_685 = arith.addf %broadcast_in_dim3A_659, %mul3A_684 : vector<16xf32>
      %slice3A_686 = vector.extract_strided_slice %get3A_209 {offsets = [1], sizes = [1], strides = [1]} : vector<16xf32> to vector<1xf32>
      %squeeze3A_687 = vector.extract %slice3A_686[0] : f32 from vector<1xf32>
      %mul3A_688 = arith.constant 8 : i32
      %mul3A_689 = arith.muli %scan3A_205, %mul3A_688 : i32
      %add3A_690 = arith.constant 1 : i32
      %add3A_691 = arith.addi %mul3A_689, %add3A_690 : i32
      %get3A_692 = arith.index_cast %add3A_691 : i32 to index
      %get3A_693 = arith.constant 32 : index
      %get3A_694 = tpu.vector_load %arg15[%get3A_692, %get3A_693] {strides = array<i32>} : memref<1024x64xf32, #tpu.memory_space<vmem>>, vector<16xf32>,
      %mul3A_695 = vector.broadcast %squeeze3A_687 : f32 to vector<16xf32>
      %mul3A_696 = arith.mulf %mul3A_695, %get3A_694 : vector<16xf32>
      %add3A_697 = arith.addf %add3A_671, %mul3A_696 : vector<16xf32>
      %slice3A_698 = vector.extract_strided_slice %get3A_215 {offsets = [1], sizes = [1], strides = [1]} : vector<16xf32> to vector<1xf32>
      %squeeze3A_699 = vector.extract %slice3A_698[0] : f32 from vector<1xf32>
      %add3A_700 = arith.constant 64 : i32
      %add3A_701 = arith.addi %add3A_700, %scan3A_205 : i32
      %mul3A_702 = arith.constant 8 : i32
      %mul3A_703 = arith.muli %add3A_701, %mul3A_702 : i32
      %add3A_704 = arith.constant 1 : i32
      %add3A_705 = arith.addi %mul3A_703, %add3A_704 : i32
      %get3A_706 = arith.index_cast %add3A_705 : i32 to index
      %get3A_707 = arith.constant 32 : index
      %get3A_708 = tpu.vector_load %arg15[%get3A_706, %get3A_707] {strides = array<i32>} : memref<1024x64xf32, #tpu.memory_space<vmem>>, vector<16xf32>,
      %mul3A_709 = vector.broadcast %squeeze3A_699 : f32 to vector<16xf32>
      %mul3A_710 = arith.mulf %mul3A_709, %get3A_708 : vector<16xf32>
      %add3A_711 = arith.addf %add3A_685, %mul3A_710 : vector<16xf32>
      %slice3A_712 = vector.extract_strided_slice %get3A_209 {offsets = [2], sizes = [1], strides = [1]} : vector<16xf32> to vector<1xf32>
      %squeeze3A_713 = vector.extract %slice3A_712[0] : f32 from vector<1xf32>
      %mul3A_714 = arith.constant 8 : i32
      %mul3A_715 = arith.muli %scan3A_205, %mul3A_714 : i32
      %add3A_716 = arith.constant 2 : i32
      %add3A_717 = arith.addi %mul3A_715, %add3A_716 : i32
      %get3A_718 = arith.index_cast %add3A_717 : i32 to index
      %get3A_719 = arith.constant 32 : index
      %get3A_720 = tpu.vector_load %arg15[%get3A_718, %get3A_719] {strides = array<i32>} : memref<1024x64xf32, #tpu.memory_space<vmem>>, vector<16xf32>,
      %mul3A_721 = vector.broadcast %squeeze3A_713 : f32 to vector<16xf32>
      %mul3A_722 = arith.mulf %mul3A_721, %get3A_720 : vector<16xf32>
      %add3A_723 = arith.addf %add3A_697, %mul3A_722 : vector<16xf32>
      %slice3A_724 = vector.extract_strided_slice %get3A_215 {offsets = [2], sizes = [1], strides = [1]} : vector<16xf32> to vector<1xf32>
      %squeeze3A_725 = vector.extract %slice3A_724[0] : f32 from vector<1xf32>
      %add3A_726 = arith.constant 64 : i32
      %add3A_727 = arith.addi %add3A_726, %scan3A_205 : i32
      %mul3A_728 = arith.constant 8 : i32
      %mul3A_729 = arith.muli %add3A_727, %mul3A_728 : i32
      %add3A_730 = arith.constant 2 : i32
      %add3A_731 = arith.addi %mul3A_729, %add3A_730 : i32
      %get3A_732 = arith.index_cast %add3A_731 : i32 to index
      %get3A_733 = arith.constant 32 : index
      %get3A_734 = tpu.vector_load %arg15[%get3A_732, %get3A_733] {strides = array<i32>} : memref<1024x64xf32, #tpu.memory_space<vmem>>, vector<16xf32>,
      %mul3A_735 = vector.broadcast %squeeze3A_725 : f32 to vector<16xf32>
      %mul3A_736 = arith.mulf %mul3A_735, %get3A_734 : vector<16xf32>
      %add3A_737 = arith.addf %add3A_711, %mul3A_736 : vector<16xf32>
      %slice3A_738 = vector.extract_strided_slice %get3A_209 {offsets = [3], sizes = [1], strides = [1]} : vector<16xf32> to vector<1xf32>
      %squeeze3A_739 = vector.extract %slice3A_738[0] : f32 from vector<1xf32>
      %mul3A_740 = arith.constant 8 : i32
      %mul3A_741 = arith.muli %scan3A_205, %mul3A_740 : i32
      %add3A_742 = arith.constant 3 : i32
      %add3A_743 = arith.addi %mul3A_741, %add3A_742 : i32
      %get3A_744 = arith.index_cast %add3A_743 : i32 to index
      %get3A_745 = arith.constant 32 : index
      %get3A_746 = tpu.vector_load %arg15[%get3A_744, %get3A_745] {strides = array<i32>} : memref<1024x64xf32, #tpu.memory_space<vmem>>, vector<16xf32>,
      %mul3A_747 = vector.broadcast %squeeze3A_739 : f32 to vector<16xf32>
      %mul3A_748 = arith.mulf %mul3A_747, %get3A_746 : vector<16xf32>
      %add3A_749 = arith.addf %add3A_723, %mul3A_748 : vector<16xf32>
      %slice3A_750 = vector.extract_strided_slice %get3A_215 {offsets = [3], sizes = [1], strides = [1]} : vector<16xf32> to vector<1xf32>
      %squeeze3A_751 = vector.extract %slice3A_750[0] : f32 from vector<1xf32>
      %add3A_752 = arith.constant 64 : i32
      %add3A_753 = arith.addi %add3A_752, %scan3A_205 : i32
      %mul3A_754 = arith.constant 8 : i32
      %mul3A_755 = arith.muli %add3A_753, %mul3A_754 : i32
      %add3A_756 = arith.constant 3 : i32
      %add3A_757 = arith.addi %mul3A_755, %add3A_756 : i32
      %get3A_758 = arith.index_cast %add3A_757 : i32 to index
      %get3A_759 = arith.constant 32 : index
      %get3A_760 = tpu.vector_load %arg15[%get3A_758, %get3A_759] {strides = array<i32>} : memref<1024x64xf32, #tpu.memory_space<vmem>>, vector<16xf32>,
      %mul3A_761 = vector.broadcast %squeeze3A_751 : f32 to vector<16xf32>
      %mul3A_762 = arith.mulf %mul3A_761, %get3A_760 : vector<16xf32>
      %add3A_763 = arith.addf %add3A_737, %mul3A_762 : vector<16xf32>
      %slice3A_764 = vector.extract_strided_slice %get3A_209 {offsets = [4], sizes = [1], strides = [1]} : vector<16xf32> to vector<1xf32>
      %squeeze3A_765 = vector.extract %slice3A_764[0] : f32 from vector<1xf32>
      %mul3A_766 = arith.constant 8 : i32
      %mul3A_767 = arith.muli %scan3A_205, %mul3A_766 : i32
      %add3A_768 = arith.constant 4 : i32
      %add3A_769 = arith.addi %mul3A_767, %add3A_768 : i32
      %get3A_770 = arith.index_cast %add3A_769 : i32 to index
      %get3A_771 = arith.constant 32 : index
      %get3A_772 = tpu.vector_load %arg15[%get3A_770, %get3A_771] {strides = array<i32>} : memref<1024x64xf32, #tpu.memory_space<vmem>>, vector<16xf32>,
      %mul3A_773 = vector.broadcast %squeeze3A_765 : f32 to vector<16xf32>
      %mul3A_774 = arith.mulf %mul3A_773, %get3A_772 : vector<16xf32>
      %add3A_775 = arith.addf %add3A_749, %mul3A_774 : vector<16xf32>
      %slice3A_776 = vector.extract_strided_slice %get3A_215 {offsets = [4], sizes = [1], strides = [1]} : vector<16xf32> to vector<1xf32>
      %squeeze3A_777 = vector.extract %slice3A_776[0] : f32 from vector<1xf32>
      %add3A_778 = arith.constant 64 : i32
      %add3A_779 = arith.addi %add3A_778, %scan3A_205 : i32
      %mul3A_780 = arith.constant 8 : i32
      %mul3A_781 = arith.muli %add3A_779, %mul3A_780 : i32
      %add3A_782 = arith.constant 4 : i32
      %add3A_783 = arith.addi %mul3A_781, %add3A_782 : i32
      %get3A_784 = arith.index_cast %add3A_783 : i32 to index
      %get3A_785 = arith.constant 32 : index
      %get3A_786 = tpu.vector_load %arg15[%get3A_784, %get3A_785] {strides = array<i32>} : memref<1024x64xf32, #tpu.memory_space<vmem>>, vector<16xf32>,
      %mul3A_787 = vector.broadcast %squeeze3A_777 : f32 to vector<16xf32>
      %mul3A_788 = arith.mulf %mul3A_787, %get3A_786 : vector<16xf32>
      %add3A_789 = arith.addf %add3A_763, %mul3A_788 : vector<16xf32>
      %slice3A_790 = vector.extract_strided_slice %get3A_209 {offsets = [5], sizes = [1], strides = [1]} : vector<16xf32> to vector<1xf32>
      %squeeze3A_791 = vector.extract %slice3A_790[0] : f32 from vector<1xf32>
      %mul3A_792 = arith.constant 8 : i32
      %mul3A_793 = arith.muli %scan3A_205, %mul3A_792 : i32
      %add3A_794 = arith.constant 5 : i32
      %add3A_795 = arith.addi %mul3A_793, %add3A_794 : i32
      %get3A_796 = arith.index_cast %add3A_795 : i32 to index
      %get3A_797 = arith.constant 32 : index
      %get3A_798 = tpu.vector_load %arg15[%get3A_796, %get3A_797] {strides = array<i32>} : memref<1024x64xf32, #tpu.memory_space<vmem>>, vector<16xf32>,
      %mul3A_799 = vector.broadcast %squeeze3A_791 : f32 to vector<16xf32>
      %mul3A_800 = arith.mulf %mul3A_799, %get3A_798 : vector<16xf32>
      %add3A_801 = arith.addf %add3A_775, %mul3A_800 : vector<16xf32>
      %slice3A_802 = vector.extract_strided_slice %get3A_215 {offsets = [5], sizes = [1], strides = [1]} : vector<16xf32> to vector<1xf32>
      %squeeze3A_803 = vector.extract %slice3A_802[0] : f32 from vector<1xf32>
      %add3A_804 = arith.constant 64 : i32
      %add3A_805 = arith.addi %add3A_804, %scan3A_205 : i32
      %mul3A_806 = arith.constant 8 : i32
      %mul3A_807 = arith.muli %add3A_805, %mul3A_806 : i32
      %add3A_808 = arith.constant 5 : i32
      %add3A_809 = arith.addi %mul3A_807, %add3A_808 : i32
      %get3A_810 = arith.index_cast %add3A_809 : i32 to index
      %get3A_811 = arith.constant 32 : index
      %get3A_812 = tpu.vector_load %arg15[%get3A_810, %get3A_811] {strides = array<i32>} : memref<1024x64xf32, #tpu.memory_space<vmem>>, vector<16xf32>,
      %mul3A_813 = vector.broadcast %squeeze3A_803 : f32 to vector<16xf32>
      %mul3A_814 = arith.mulf %mul3A_813, %get3A_812 : vector<16xf32>
      %add3A_815 = arith.addf %add3A_789, %mul3A_814 : vector<16xf32>
      %slice3A_816 = vector.extract_strided_slice %get3A_209 {offsets = [6], sizes = [1], strides = [1]} : vector<16xf32> to vector<1xf32>
      %squeeze3A_817 = vector.extract %slice3A_816[0] : f32 from vector<1xf32>
      %mul3A_818 = arith.constant 8 : i32
      %mul3A_819 = arith.muli %scan3A_205, %mul3A_818 : i32
      %add3A_820 = arith.constant 6 : i32
      %add3A_821 = arith.addi %mul3A_819, %add3A_820 : i32
      %get3A_822 = arith.index_cast %add3A_821 : i32 to index
      %get3A_823 = arith.constant 32 : index
      %get3A_824 = tpu.vector_load %arg15[%get3A_822, %get3A_823] {strides = array<i32>} : memref<1024x64xf32, #tpu.memory_space<vmem>>, vector<16xf32>,
      %mul3A_825 = vector.broadcast %squeeze3A_817 : f32 to vector<16xf32>
      %mul3A_826 = arith.mulf %mul3A_825, %get3A_824 : vector<16xf32>
      %add3A_827 = arith.addf %add3A_801, %mul3A_826 : vector<16xf32>
      %slice3A_828 = vector.extract_strided_slice %get3A_215 {offsets = [6], sizes = [1], strides = [1]} : vector<16xf32> to vector<1xf32>
      %squeeze3A_829 = vector.extract %slice3A_828[0] : f32 from vector<1xf32>
      %add3A_830 = arith.constant 64 : i32
      %add3A_831 = arith.addi %add3A_830, %scan3A_205 : i32
      %mul3A_832 = arith.constant 8 : i32
      %mul3A_833 = arith.muli %add3A_831, %mul3A_832 : i32
      %add3A_834 = arith.constant 6 : i32
      %add3A_835 = arith.addi %mul3A_833, %add3A_834 : i32
      %get3A_836 = arith.index_cast %add3A_835 : i32 to index
      %get3A_837 = arith.constant 32 : index
      %get3A_838 = tpu.vector_load %arg15[%get3A_836, %get3A_837] {strides = array<i32>} : memref<1024x64xf32, #tpu.memory_space<vmem>>, vector<16xf32>,
      %mul3A_839 = vector.broadcast %squeeze3A_829 : f32 to vector<16xf32>
      %mul3A_840 = arith.mulf %mul3A_839, %get3A_838 : vector<16xf32>
      %add3A_841 = arith.addf %add3A_815, %mul3A_840 : vector<16xf32>
      %slice3A_842 = vector.extract_strided_slice %get3A_209 {offsets = [7], sizes = [1], strides = [1]} : vector<16xf32> to vector<1xf32>
      %squeeze3A_843 = vector.extract %slice3A_842[0] : f32 from vector<1xf32>
      %mul3A_844 = arith.constant 8 : i32
      %mul3A_845 = arith.muli %scan3A_205, %mul3A_844 : i32
      %add3A_846 = arith.constant 7 : i32
      %add3A_847 = arith.addi %mul3A_845, %add3A_846 : i32
      %get3A_848 = arith.index_cast %add3A_847 : i32 to index
      %get3A_849 = arith.constant 32 : index
      %get3A_850 = tpu.vector_load %arg15[%get3A_848, %get3A_849] {strides = array<i32>} : memref<1024x64xf32, #tpu.memory_space<vmem>>, vector<16xf32>,
      %mul3A_851 = vector.broadcast %squeeze3A_843 : f32 to vector<16xf32>
      %mul3A_852 = arith.mulf %mul3A_851, %get3A_850 : vector<16xf32>
      %add3A_853 = arith.addf %add3A_827, %mul3A_852 : vector<16xf32>
      %slice3A_854 = vector.extract_strided_slice %get3A_215 {offsets = [7], sizes = [1], strides = [1]} : vector<16xf32> to vector<1xf32>
      %squeeze3A_855 = vector.extract %slice3A_854[0] : f32 from vector<1xf32>
      %add3A_856 = arith.constant 64 : i32
      %add3A_857 = arith.addi %add3A_856, %scan3A_205 : i32
      %mul3A_858 = arith.constant 8 : i32
      %mul3A_859 = arith.muli %add3A_857, %mul3A_858 : i32
      %add3A_860 = arith.constant 7 : i32
      %add3A_861 = arith.addi %mul3A_859, %add3A_860 : i32
      %get3A_862 = arith.index_cast %add3A_861 : i32 to index
      %get3A_863 = arith.constant 32 : index
      %get3A_864 = tpu.vector_load %arg15[%get3A_862, %get3A_863] {strides = array<i32>} : memref<1024x64xf32, #tpu.memory_space<vmem>>, vector<16xf32>,
      %mul3A_865 = vector.broadcast %squeeze3A_855 : f32 to vector<16xf32>
      %mul3A_866 = arith.mulf %mul3A_865, %get3A_864 : vector<16xf32>
      %add3A_867 = arith.addf %add3A_841, %mul3A_866 : vector<16xf32>
      %swap3A_868 = arith.constant 0 : i32
      %swap3A_869 = arith.index_cast %swap3A_868 : i32 to index
      %swap3A_870 = arith.index_cast %scan3A_205 : i32 to index
      %swap3A_871 = arith.constant 32 : index
      %swap3A_872 = tpu.vector_load %arg16[%swap3A_869, %swap3A_870, %swap3A_871] {strides = array<i32>} : memref<2x64x64xf32, #tpu.memory_space<vmem>>, vector<16xf32>,
      tpu.vector_store %arg16[%swap3A_869, %swap3A_870, %swap3A_871], %add3A_853 {strides = array<i32>} : memref<2x64x64xf32, #tpu.memory_space<vmem>>, vector<16xf32>,
      %swap3A_873 = arith.constant 1 : i32
      %swap3A_874 = arith.index_cast %swap3A_873 : i32 to index
      %swap3A_875 = arith.index_cast %scan3A_205 : i32 to index
      %swap3A_876 = arith.constant 32 : index
      %swap3A_877 = tpu.vector_load %arg16[%swap3A_874, %swap3A_875, %swap3A_876] {strides = array<i32>} : memref<2x64x64xf32, #tpu.memory_space<vmem>>, vector<16xf32>,
      tpu.vector_store %arg16[%swap3A_874, %swap3A_875, %swap3A_876], %add3A_867 {strides = array<i32>} : memref<2x64x64xf32, #tpu.memory_space<vmem>>, vector<16xf32>,
      %broadcast_in_dim3A_878 = arith.constant 0.000000e+00 : f32
      %broadcast_in_dim3A_879 = vector.broadcast %broadcast_in_dim3A_878 : f32 to vector<16xf32>
      %broadcast_in_dim3A_880 = arith.constant 0.000000e+00 : f32
      %broadcast_in_dim3A_881 = vector.broadcast %broadcast_in_dim3A_880 : f32 to vector<16xf32>
      %slice3A_882 = vector.extract_strided_slice %get3A_209 {offsets = [0], sizes = [1], strides = [1]} : vector<16xf32> to vector<1xf32>
      %squeeze3A_883 = vector.extract %slice3A_882[0] : f32 from vector<1xf32>
      %mul3A_884 = arith.constant 8 : i32
      %mul3A_885 = arith.muli %scan3A_205, %mul3A_884 : i32
      %add3A_886 = arith.constant 0 : i32
      %add3A_887 = arith.addi %mul3A_885, %add3A_886 : i32
      %get3A_888 = arith.index_cast %add3A_887 : i32 to index
      %get3A_889 = arith.constant 48 : index
      %get3A_890 = tpu.vector_load %arg15[%get3A_888, %get3A_889] {strides = array<i32>} : memref<1024x64xf32, #tpu.memory_space<vmem>>, vector<16xf32>,
      %mul3A_891 = vector.broadcast %squeeze3A_883 : f32 to vector<16xf32>
      %mul3A_892 = arith.mulf %mul3A_891, %get3A_890 : vector<16xf32>
      %add3A_893 = arith.addf %broadcast_in_dim3A_879, %mul3A_892 : vector<16xf32>
      %slice3A_894 = vector.extract_strided_slice %get3A_215 {offsets = [0], sizes = [1], strides = [1]} : vector<16xf32> to vector<1xf32>
      %squeeze3A_895 = vector.extract %slice3A_894[0] : f32 from vector<1xf32>
      %add3A_896 = arith.constant 64 : i32
      %add3A_897 = arith.addi %add3A_896, %scan3A_205 : i32
      %mul3A_898 = arith.constant 8 : i32
      %mul3A_899 = arith.muli %add3A_897, %mul3A_898 : i32
      %add3A_900 = arith.constant 0 : i32
      %add3A_901 = arith.addi %mul3A_899, %add3A_900 : i32
      %get3A_902 = arith.index_cast %add3A_901 : i32 to index
      %get3A_903 = arith.constant 48 : index
      %get3A_904 = tpu.vector_load %arg15[%get3A_902, %get3A_903] {strides = array<i32>} : memref<1024x64xf32, #tpu.memory_space<vmem>>, vector<16xf32>,
      %mul3A_905 = vector.broadcast %squeeze3A_895 : f32 to vector<16xf32>
      %mul3A_906 = arith.mulf %mul3A_905, %get3A_904 : vector<16xf32>
      %add3A_907 = arith.addf %broadcast_in_dim3A_881, %mul3A_906 : vector<16xf32>
      %slice3A_908 = vector.extract_strided_slice %get3A_209 {offsets = [1], sizes = [1], strides = [1]} : vector<16xf32> to vector<1xf32>
      %squeeze3A_909 = vector.extract %slice3A_908[0] : f32 from vector<1xf32>
      %mul3A_910 = arith.constant 8 : i32
      %mul3A_911 = arith.muli %scan3A_205, %mul3A_910 : i32
      %add3A_912 = arith.constant 1 : i32
      %add3A_913 = arith.addi %mul3A_911, %add3A_912 : i32
      %get3A_914 = arith.index_cast %add3A_913 : i32 to index
      %get3A_915 = arith.constant 48 : index
      %get3A_916 = tpu.vector_load %arg15[%get3A_914, %get3A_915] {strides = array<i32>} : memref<1024x64xf32, #tpu.memory_space<vmem>>, vector<16xf32>,
      %mul3A_917 = vector.broadcast %squeeze3A_909 : f32 to vector<16xf32>
      %mul3A_918 = arith.mulf %mul3A_917, %get3A_916 : vector<16xf32>
      %add3A_919 = arith.addf %add3A_893, %mul3A_918 : vector<16xf32>
      %slice3A_920 = vector.extract_strided_slice %get3A_215 {offsets = [1], sizes = [1], strides = [1]} : vector<16xf32> to vector<1xf32>
      %squeeze3A_921 = vector.extract %slice3A_920[0] : f32 from vector<1xf32>
      %add3A_922 = arith.constant 64 : i32
      %add3A_923 = arith.addi %add3A_922, %scan3A_205 : i32
      %mul3A_924 = arith.constant 8 : i32
      %mul3A_925 = arith.muli %add3A_923, %mul3A_924 : i32
      %add3A_926 = arith.constant 1 : i32
      %add3A_927 = arith.addi %mul3A_925, %add3A_926 : i32
      %get3A_928 = arith.index_cast %add3A_927 : i32 to index
      %get3A_929 = arith.constant 48 : index
      %get3A_930 = tpu.vector_load %arg15[%get3A_928, %get3A_929] {strides = array<i32>} : memref<1024x64xf32, #tpu.memory_space<vmem>>, vector<16xf32>,
      %mul3A_931 = vector.broadcast %squeeze3A_921 : f32 to vector<16xf32>
      %mul3A_932 = arith.mulf %mul3A_931, %get3A_930 : vector<16xf32>
      %add3A_933 = arith.addf %add3A_907, %mul3A_932 : vector<16xf32>
      %slice3A_934 = vector.extract_strided_slice %get3A_209 {offsets = [2], sizes = [1], strides = [1]} : vector<16xf32> to vector<1xf32>
      %squeeze3A_935 = vector.extract %slice3A_934[0] : f32 from vector<1xf32>
      %mul3A_936 = arith.constant 8 : i32
      %mul3A_937 = arith.muli %scan3A_205, %mul3A_936 : i32
      %add3A_938 = arith.constant 2 : i32
      %add3A_939 = arith.addi %mul3A_937, %add3A_938 : i32
      %get3A_940 = arith.index_cast %add3A_939 : i32 to index
      %get3A_941 = arith.constant 48 : index
      %get3A_942 = tpu.vector_load %arg15[%get3A_940, %get3A_941] {strides = array<i32>} : memref<1024x64xf32, #tpu.memory_space<vmem>>, vector<16xf32>,
      %mul3A_943 = vector.broadcast %squeeze3A_935 : f32 to vector<16xf32>
      %mul3A_944 = arith.mulf %mul3A_943, %get3A_942 : vector<16xf32>
      %add3A_945 = arith.addf %add3A_919, %mul3A_944 : vector<16xf32>
      %slice3A_946 = vector.extract_strided_slice %get3A_215 {offsets = [2], sizes = [1], strides = [1]} : vector<16xf32> to vector<1xf32>
      %squeeze3A_947 = vector.extract %slice3A_946[0] : f32 from vector<1xf32>
      %add3A_948 = arith.constant 64 : i32
      %add3A_949 = arith.addi %add3A_948, %scan3A_205 : i32
      %mul3A_950 = arith.constant 8 : i32
      %mul3A_951 = arith.muli %add3A_949, %mul3A_950 : i32
      %add3A_952 = arith.constant 2 : i32
      %add3A_953 = arith.addi %mul3A_951, %add3A_952 : i32
      %get3A_954 = arith.index_cast %add3A_953 : i32 to index
      %get3A_955 = arith.constant 48 : index
      %get3A_956 = tpu.vector_load %arg15[%get3A_954, %get3A_955] {strides = array<i32>} : memref<1024x64xf32, #tpu.memory_space<vmem>>, vector<16xf32>,
      %mul3A_957 = vector.broadcast %squeeze3A_947 : f32 to vector<16xf32>
      %mul3A_958 = arith.mulf %mul3A_957, %get3A_956 : vector<16xf32>
      %add3A_959 = arith.addf %add3A_933, %mul3A_958 : vector<16xf32>
      %slice3A_960 = vector.extract_strided_slice %get3A_209 {offsets = [3], sizes = [1], strides = [1]} : vector<16xf32> to vector<1xf32>
      %squeeze3A_961 = vector.extract %slice3A_960[0] : f32 from vector<1xf32>
      %mul3A_962 = arith.constant 8 : i32
      %mul3A_963 = arith.muli %scan3A_205, %mul3A_962 : i32
      %add3A_964 = arith.constant 3 : i32
      %add3A_965 = arith.addi %mul3A_963, %add3A_964 : i32
      %get3A_966 = arith.index_cast %add3A_965 : i32 to index
      %get3A_967 = arith.constant 48 : index
      %get3A_968 = tpu.vector_load %arg15[%get3A_966, %get3A_967] {strides = array<i32>} : memref<1024x64xf32, #tpu.memory_space<vmem>>, vector<16xf32>,
      %mul3A_969 = vector.broadcast %squeeze3A_961 : f32 to vector<16xf32>
      %mul3A_970 = arith.mulf %mul3A_969, %get3A_968 : vector<16xf32>
      %add3A_971 = arith.addf %add3A_945, %mul3A_970 : vector<16xf32>
      %slice3A_972 = vector.extract_strided_slice %get3A_215 {offsets = [3], sizes = [1], strides = [1]} : vector<16xf32> to vector<1xf32>
      %squeeze3A_973 = vector.extract %slice3A_972[0] : f32 from vector<1xf32>
      %add3A_974 = arith.constant 64 : i32
      %add3A_975 = arith.addi %add3A_974, %scan3A_205 : i32
      %mul3A_976 = arith.constant 8 : i32
      %mul3A_977 = arith.muli %add3A_975, %mul3A_976 : i32
      %add3A_978 = arith.constant 3 : i32
      %add3A_979 = arith.addi %mul3A_977, %add3A_978 : i32
      %get3A_980 = arith.index_cast %add3A_979 : i32 to index
      %get3A_981 = arith.constant 48 : index
      %get3A_982 = tpu.vector_load %arg15[%get3A_980, %get3A_981] {strides = array<i32>} : memref<1024x64xf32, #tpu.memory_space<vmem>>, vector<16xf32>,
      %mul3A_983 = vector.broadcast %squeeze3A_973 : f32 to vector<16xf32>
      %mul3A_984 = arith.mulf %mul3A_983, %get3A_982 : vector<16xf32>
      %add3A_985 = arith.addf %add3A_959, %mul3A_984 : vector<16xf32>
      %slice3A_986 = vector.extract_strided_slice %get3A_209 {offsets = [4], sizes = [1], strides = [1]} : vector<16xf32> to vector<1xf32>
      %squeeze3A_987 = vector.extract %slice3A_986[0] : f32 from vector<1xf32>
      %mul3A_988 = arith.constant 8 : i32
      %mul3A_989 = arith.muli %scan3A_205, %mul3A_988 : i32
      %add3A_990 = arith.constant 4 : i32
      %add3A_991 = arith.addi %mul3A_989, %add3A_990 : i32
      %get3A_992 = arith.index_cast %add3A_991 : i32 to index
      %get3A_993 = arith.constant 48 : index
      %get3A_994 = tpu.vector_load %arg15[%get3A_992, %get3A_993] {strides = array<i32>} : memref<1024x64xf32, #tpu.memory_space<vmem>>, vector<16xf32>,
      %mul3A_995 = vector.broadcast %squeeze3A_987 : f32 to vector<16xf32>
      %mul3A_996 = arith.mulf %mul3A_995, %get3A_994 : vector<16xf32>
      %add3A_997 = arith.addf %add3A_971, %mul3A_996 : vector<16xf32>
      %slice3A_998 = vector.extract_strided_slice %get3A_215 {offsets = [4], sizes = [1], strides = [1]} : vector<16xf32> to vector<1xf32>
      %squeeze3A_999 = vector.extract %slice3A_998[0] : f32 from vector<1xf32>
      %add3A_1000 = arith.constant 64 : i32
      %add3A_1001 = arith.addi %add3A_1000, %scan3A_205 : i32
      %mul3A_1002 = arith.constant 8 : i32
      %mul3A_1003 = arith.muli %add3A_1001, %mul3A_1002 : i32
      %add3A_1004 = arith.constant 4 : i32
      %add3A_1005 = arith.addi %mul3A_1003, %add3A_1004 : i32
      %get3A_1006 = arith.index_cast %add3A_1005 : i32 to index
      %get3A_1007 = arith.constant 48 : index
      %get3A_1008 = tpu.vector_load %arg15[%get3A_1006, %get3A_1007] {strides = array<i32>} : memref<1024x64xf32, #tpu.memory_space<vmem>>, vector<16xf32>,
      %mul3A_1009 = vector.broadcast %squeeze3A_999 : f32 to vector<16xf32>
      %mul3A_1010 = arith.mulf %mul3A_1009, %get3A_1008 : vector<16xf32>
      %add3A_1011 = arith.addf %add3A_985, %mul3A_1010 : vector<16xf32>
      %slice3A_1012 = vector.extract_strided_slice %get3A_209 {offsets = [5], sizes = [1], strides = [1]} : vector<16xf32> to vector<1xf32>
      %squeeze3A_1013 = vector.extract %slice3A_1012[0] : f32 from vector<1xf32>
      %mul3A_1014 = arith.constant 8 : i32
      %mul3A_1015 = arith.muli %scan3A_205, %mul3A_1014 : i32
      %add3A_1016 = arith.constant 5 : i32
      %add3A_1017 = arith.addi %mul3A_1015, %add3A_1016 : i32
      %get3A_1018 = arith.index_cast %add3A_1017 : i32 to index
      %get3A_1019 = arith.constant 48 : index
      %get3A_1020 = tpu.vector_load %arg15[%get3A_1018, %get3A_1019] {strides = array<i32>} : memref<1024x64xf32, #tpu.memory_space<vmem>>, vector<16xf32>,
      %mul3A_1021 = vector.broadcast %squeeze3A_1013 : f32 to vector<16xf32>
      %mul3A_1022 = arith.mulf %mul3A_1021, %get3A_1020 : vector<16xf32>
      %add3A_1023 = arith.addf %add3A_997, %mul3A_1022 : vector<16xf32>
      %slice3A_1024 = vector.extract_strided_slice %get3A_215 {offsets = [5], sizes = [1], strides = [1]} : vector<16xf32> to vector<1xf32>
      %squeeze3A_1025 = vector.extract %slice3A_1024[0] : f32 from vector<1xf32>
      %add3A_1026 = arith.constant 64 : i32
      %add3A_1027 = arith.addi %add3A_1026, %scan3A_205 : i32
      %mul3A_1028 = arith.constant 8 : i32
      %mul3A_1029 = arith.muli %add3A_1027, %mul3A_1028 : i32
      %add3A_1030 = arith.constant 5 : i32
      %add3A_1031 = arith.addi %mul3A_1029, %add3A_1030 : i32
      %get3A_1032 = arith.index_cast %add3A_1031 : i32 to index
      %get3A_1033 = arith.constant 48 : index
      %get3A_1034 = tpu.vector_load %arg15[%get3A_1032, %get3A_1033] {strides = array<i32>} : memref<1024x64xf32, #tpu.memory_space<vmem>>, vector<16xf32>,
      %mul3A_1035 = vector.broadcast %squeeze3A_1025 : f32 to vector<16xf32>
      %mul3A_1036 = arith.mulf %mul3A_1035, %get3A_1034 : vector<16xf32>
      %add3A_1037 = arith.addf %add3A_1011, %mul3A_1036 : vector<16xf32>
      %slice3A_1038 = vector.extract_strided_slice %get3A_209 {offsets = [6], sizes = [1], strides = [1]} : vector<16xf32> to vector<1xf32>
      %squeeze3A_1039 = vector.extract %slice3A_1038[0] : f32 from vector<1xf32>
      %mul3A_1040 = arith.constant 8 : i32
      %mul3A_1041 = arith.muli %scan3A_205, %mul3A_1040 : i32
      %add3A_1042 = arith.constant 6 : i32
      %add3A_1043 = arith.addi %mul3A_1041, %add3A_1042 : i32
      %get3A_1044 = arith.index_cast %add3A_1043 : i32 to index
      %get3A_1045 = arith.constant 48 : index
      %get3A_1046 = tpu.vector_load %arg15[%get3A_1044, %get3A_1045] {strides = array<i32>} : memref<1024x64xf32, #tpu.memory_space<vmem>>, vector<16xf32>,
      %mul3A_1047 = vector.broadcast %squeeze3A_1039 : f32 to vector<16xf32>
      %mul3A_1048 = arith.mulf %mul3A_1047, %get3A_1046 : vector<16xf32>
      %add3A_1049 = arith.addf %add3A_1023, %mul3A_1048 : vector<16xf32>
      %slice3A_1050 = vector.extract_strided_slice %get3A_215 {offsets = [6], sizes = [1], strides = [1]} : vector<16xf32> to vector<1xf32>
      %squeeze3A_1051 = vector.extract %slice3A_1050[0] : f32 from vector<1xf32>
      %add3A_1052 = arith.constant 64 : i32
      %add3A_1053 = arith.addi %add3A_1052, %scan3A_205 : i32
      %mul3A_1054 = arith.constant 8 : i32
      %mul3A_1055 = arith.muli %add3A_1053, %mul3A_1054 : i32
      %add3A_1056 = arith.constant 6 : i32
      %add3A_1057 = arith.addi %mul3A_1055, %add3A_1056 : i32
      %get3A_1058 = arith.index_cast %add3A_1057 : i32 to index
      %get3A_1059 = arith.constant 48 : index
      %get3A_1060 = tpu.vector_load %arg15[%get3A_1058, %get3A_1059] {strides = array<i32>} : memref<1024x64xf32, #tpu.memory_space<vmem>>, vector<16xf32>,
      %mul3A_1061 = vector.broadcast %squeeze3A_1051 : f32 to vector<16xf32>
      %mul3A_1062 = arith.mulf %mul3A_1061, %get3A_1060 : vector<16xf32>
      %add3A_1063 = arith.addf %add3A_1037, %mul3A_1062 : vector<16xf32>
      %slice3A_1064 = vector.extract_strided_slice %get3A_209 {offsets = [7], sizes = [1], strides = [1]} : vector<16xf32> to vector<1xf32>
      %squeeze3A_1065 = vector.extract %slice3A_1064[0] : f32 from vector<1xf32>
      %mul3A_1066 = arith.constant 8 : i32
      %mul3A_1067 = arith.muli %scan3A_205, %mul3A_1066 : i32
      %add3A_1068 = arith.constant 7 : i32
      %add3A_1069 = arith.addi %mul3A_1067, %add3A_1068 : i32
      %get3A_1070 = arith.index_cast %add3A_1069 : i32 to index
      %get3A_1071 = arith.constant 48 : index
      %get3A_1072 = tpu.vector_load %arg15[%get3A_1070, %get3A_1071] {strides = array<i32>} : memref<1024x64xf32, #tpu.memory_space<vmem>>, vector<16xf32>,
      %mul3A_1073 = vector.broadcast %squeeze3A_1065 : f32 to vector<16xf32>
      %mul3A_1074 = arith.mulf %mul3A_1073, %get3A_1072 : vector<16xf32>
      %add3A_1075 = arith.addf %add3A_1049, %mul3A_1074 : vector<16xf32>
      %slice3A_1076 = vector.extract_strided_slice %get3A_215 {offsets = [7], sizes = [1], strides = [1]} : vector<16xf32> to vector<1xf32>
      %squeeze3A_1077 = vector.extract %slice3A_1076[0] : f32 from vector<1xf32>
      %add3A_1078 = arith.constant 64 : i32
      %add3A_1079 = arith.addi %add3A_1078, %scan3A_205 : i32
      %mul3A_1080 = arith.constant 8 : i32
      %mul3A_1081 = arith.muli %add3A_1079, %mul3A_1080 : i32
      %add3A_1082 = arith.constant 7 : i32
      %add3A_1083 = arith.addi %mul3A_1081, %add3A_1082 : i32
      %get3A_1084 = arith.index_cast %add3A_1083 : i32 to index
      %get3A_1085 = arith.constant 48 : index
      %get3A_1086 = tpu.vector_load %arg15[%get3A_1084, %get3A_1085] {strides = array<i32>} : memref<1024x64xf32, #tpu.memory_space<vmem>>, vector<16xf32>,
      %mul3A_1087 = vector.broadcast %squeeze3A_1077 : f32 to vector<16xf32>
      %mul3A_1088 = arith.mulf %mul3A_1087, %get3A_1086 : vector<16xf32>
      %add3A_1089 = arith.addf %add3A_1063, %mul3A_1088 : vector<16xf32>
      %swap3A_1090 = arith.constant 0 : i32
      %swap3A_1091 = arith.index_cast %swap3A_1090 : i32 to index
      %swap3A_1092 = arith.index_cast %scan3A_205 : i32 to index
      %swap3A_1093 = arith.constant 48 : index
      %swap3A_1094 = tpu.vector_load %arg16[%swap3A_1091, %swap3A_1092, %swap3A_1093] {strides = array<i32>} : memref<2x64x64xf32, #tpu.memory_space<vmem>>, vector<16xf32>,
      tpu.vector_store %arg16[%swap3A_1091, %swap3A_1092, %swap3A_1093], %add3A_1075 {strides = array<i32>} : memref<2x64x64xf32, #tpu.memory_space<vmem>>, vector<16xf32>,
      %swap3A_1095 = arith.constant 1 : i32
      %swap3A_1096 = arith.index_cast %swap3A_1095 : i32 to index
      %swap3A_1097 = arith.index_cast %scan3A_205 : i32 to index
      %swap3A_1098 = arith.constant 48 : index
      %swap3A_1099 = tpu.vector_load %arg16[%swap3A_1096, %swap3A_1097, %swap3A_1098] {strides = array<i32>} : memref<2x64x64xf32, #tpu.memory_space<vmem>>, vector<16xf32>,
      tpu.vector_store %arg16[%swap3A_1096, %swap3A_1097, %swap3A_1098], %add3A_1089 {strides = array<i32>} : memref<2x64x64xf32, #tpu.memory_space<vmem>>, vector<16xf32>,
    }
    %scan3A_204 = arith.constant 64 : i32
    %run_scoped3A = arith.constant 0 : i32
    "tpu.trace_stop"() : () -> ()
    "tpu.region"() ({
      %run_scoped3A_205 = tpu.sem_alloc : memref<!tpu.dma_semaphore, #tpu.memory_space<semaphore_mem>>
      %dma_start3A = arith.constant 0 : i32
      %dma_start3A_206 = arith.constant 0 : i32
      %dma_start3A_207 = tpu.memref_slice %arg4[%run_scoped3A, %mul3A_7, %dma_start3A, %dma_start3A_206] : memref<1x64x64x64xf32, #tpu.memory_space<hbm>> -> memref<1x2x64x64xf32, #tpu.memory_space<hbm>>
      %dma_start3A_208 = tpu.memref_squeeze %dma_start3A_207 : memref<1x2x64x64xf32, #tpu.memory_space<hbm>> -> memref<2x64x64xf32, #tpu.memory_space<hbm>>
      %dma_start3A_209 = arith.constant 0 : i32
      %dma_start3A_210 = arith.constant 0 : i32
      %dma_start3A_211 = tpu.memref_slice %arg4[%run_scoped3A, %mul3A_7, %dma_start3A_209, %dma_start3A_210] : memref<1x64x64x64xf32, #tpu.memory_space<hbm>> -> memref<1x2x64x64xf32, #tpu.memory_space<hbm>>
      %dma_start3A_212 = tpu.memref_squeeze %dma_start3A_211 : memref<1x2x64x64xf32, #tpu.memory_space<hbm>> -> memref<2x64x64xf32, #tpu.memory_space<hbm>>
      tpu.enqueue_dma source(%arg16 : memref<2x64x64xf32, #tpu.memory_space<vmem>>) target(%dma_start3A_212 : memref<2x64x64xf32, #tpu.memory_space<hbm>>) target_semaphore(%run_scoped3A_205 : memref<!tpu.dma_semaphore, #tpu.memory_space<semaphore_mem>>)
      %dma_wait3A_213 = arith.constant 0 : i32
      %dma_wait3A_214 = arith.constant 0 : i32
      %dma_wait3A_215 = tpu.memref_slice %arg4[%run_scoped3A, %mul3A_7, %dma_wait3A_213, %dma_wait3A_214] : memref<1x64x64x64xf32, #tpu.memory_space<hbm>> -> memref<1x2x64x64xf32, #tpu.memory_space<hbm>>
      %dma_wait3A_216 = tpu.memref_squeeze %dma_wait3A_215 : memref<1x2x64x64xf32, #tpu.memory_space<hbm>> -> memref<2x64x64xf32, #tpu.memory_space<hbm>>
      %dma_wait3A_217 = arith.constant 0 : i32
      %dma_wait3A_218 = arith.constant 0 : i32
      %dma_wait3A_219 = tpu.memref_slice %arg4[%run_scoped3A, %mul3A_7, %dma_wait3A_217, %dma_wait3A_218] : memref<1x64x64x64xf32, #tpu.memory_space<hbm>> -> memref<1x2x64x64xf32, #tpu.memory_space<hbm>>
      %dma_wait3A_220 = tpu.memref_squeeze %dma_wait3A_219 : memref<1x2x64x64xf32, #tpu.memory_space<hbm>> -> memref<2x64x64xf32, #tpu.memory_space<hbm>>
      tpu.wait_dma2 semaphore(%run_scoped3A_205 : memref<!tpu.dma_semaphore, #tpu.memory_space<semaphore_mem>>) src(%arg16 : memref<2x64x64xf32, #tpu.memory_space<vmem>>) dst(%dma_wait3A_220 : memref<2x64x64xf32, #tpu.memory_space<hbm>>)
      tpu.yield
    }) : () -> ()
    "tpu.region"() ({
      %run_scoped3A_205 = tpu.sem_alloc : memref<!tpu.dma_semaphore, #tpu.memory_space<semaphore_mem>>
      %dma_start3A = arith.constant 0 : i32
      %dma_start3A_206 = tpu.memref_slice %arg5[%mul3A_7, %dma_start3A] : memref<64x64xf32, #tpu.memory_space<hbm>> -> memref<2x64xf32, #tpu.memory_space<hbm>>
      %dma_start3A_207 = arith.constant 0 : i32
      %dma_start3A_208 = tpu.memref_slice %arg5[%mul3A_7, %dma_start3A_207] : memref<64x64xf32, #tpu.memory_space<hbm>> -> memref<2x64xf32, #tpu.memory_space<hbm>>
      tpu.enqueue_dma source(%arg17 : memref<2x64xf32, #tpu.memory_space<vmem>>) target(%dma_start3A_208 : memref<2x64xf32, #tpu.memory_space<hbm>>) target_semaphore(%run_scoped3A_205 : memref<!tpu.dma_semaphore, #tpu.memory_space<semaphore_mem>>)
      %dma_wait3A_209 = arith.constant 0 : i32
      %dma_wait3A_210 = tpu.memref_slice %arg5[%mul3A_7, %dma_wait3A_209] : memref<64x64xf32, #tpu.memory_space<hbm>> -> memref<2x64xf32, #tpu.memory_space<hbm>>
      %dma_wait3A_211 = arith.constant 0 : i32
      %dma_wait3A_212 = tpu.memref_slice %arg5[%mul3A_7, %dma_wait3A_211] : memref<64x64xf32, #tpu.memory_space<hbm>> -> memref<2x64xf32, #tpu.memory_space<hbm>>
      tpu.wait_dma2 semaphore(%run_scoped3A_205 : memref<!tpu.dma_semaphore, #tpu.memory_space<semaphore_mem>>) src(%arg17 : memref<2x64xf32, #tpu.memory_space<vmem>>) dst(%dma_wait3A_212 : memref<2x64xf32, #tpu.memory_space<hbm>>)
      tpu.yield
    }) : () -> ()
    return
  }
}

</mosaic_0001>

<sc_bundles>
// kernel: kernel.3.cloned.1.call-start
scs
__scs_entry_jumppad:
0x0: {  	(pc) =	sbr.rel $0x88, $3  }
0x1: {  	(tag) =	ssettag $0x0;
	lr =	simm.s32 $0x1  }
0x2: {  	[smem:$0x3F9F] =	sst lr;
	_ =	strace $0xD0000000  }
0x3: {  	_ = 	snop  }
0x4: {  	_ = 	snop  }
0x5: {  	_ = 	snop  }
0x6: {  	_ = 	snop  }
0x7: {  	_ = 	snop  }
__scs_overlays_trampoline_lowered:
0x8: {  	[smem:$0x3FAE] =	sst s0  }
0x9: {  	[smem:$0x3FAF] =	sst s1  }
0xa: {  	[smem:$0x3FB0] =	sst s2  }
0xb: {  	[smem:$0x3FB1] =	sst s3  }
0xc: {  	[smem:$0x3FB2] =	sst s4  }
0xd: {  	[smem:$0x3FB3] =	sst s5  }
0xe: {  	[smem:$0x3FB4] =	sst s6  }
0xf: {  	[smem:$0x3FB5] =	sst s7  }
0x10: {  	[smem:$0x3FB6] =	sst s8  }
0x11: {  	[smem:$0x3FB7] =	sst s9;
	s0 =	simm.s32 @!p0 $0x0  }
0x12: {  	s1 =	sld [smem:$0x3F9D];
	s0 =	simm.s32 @p0 $0x1  }
0x13: {  	[smem:$0x3FB8] =	sst s0;
	s0 =	simm.s32 @!p1 $0x0  }
0x14: {  	s2 =	sld [smem:$0x3F9C];
	s0 =	simm.s32 @p1 $0x1  }
0x15: {  	[smem:$0x3FB9] =	sst s0;
	s0 =	simm.s32 @!p2 $0x0  }
0x16: {  	s3 =	sld [smem:$0x3FDB];
	s0 =	simm.s32 @p2 $0x1  }
0x17: {  	s4 =	simm.s32 $0x1BF5;
	[smem:$0x3FBB] =	sst s0  }
0x18: {  	s0 =	sld [smem:$0x3F9E];
	_ =	swait.ge [sflag:s4], $0x0  }
0x19: {  	s7 =	sld [smem:$0x3F9F]  }
0x1a: {  	s8 =	sadd.s32 $0xFFFFE003, lr  }
0x1b: {  	s9 =	sadd.s32 $0xFFFFFEF7, lr;
	s5 =	simm.s32 $0xFFFFFFFF;
	p2 =	slt.u32 s8, $0xFFFFF086  }
0x1c: {  	p1 =	slt.u32 s9, $0xF7A;
	s5 =	simm.s32 @!p2 $0x0  }
0x1d: {  	s5 =	simm.s32 @p1 $0x1;
	p0 =	seq.s32 s7, s2  }
0x1e: {  	s7 =	smul.u32 @!p0 $0xF7A, s2;
	p2 =	seq.s32 @!p0 s5, $0x0  }
0x1f: {  	s9 =	smul.u32 $0xF7A, s1;
	s8 =	simm.s32 @!p0 $0x1BF5;
	p2 =	por !p2, p0  }
0x20: {  	[sflag:s8] =	ssyncset.s32 @!p0 $0xFFFFF086;
	s6 =	sadd.s32 @!p0 s3, s7;
	s7 =	simm.s32 @!p0 $0x108  }
0x21: {  	s3 =	sadd.s32 s3, s9;
	s6 =	sadd.s32 @!p0 $0x88, s6;
	s7 =	simm.s32 @p2 $0x1082  }
0x22: {  	[simem:s7], [sflag:s8] =	dma.local @!p0 [hbm:s6], $0xF7A  }
0x23: {  	s9 =	sor.u32 $0xD0000000, s2;
	s6 =	simm.s32 $0x108;
	_ =	swait.ge @!p0 [sflag:s8], $0x0  }
0x24: {  	s3 =	sadd.s32 $0x88, s3;
	s6 =	simm.s32 @!p1 $0x1082;
	[sflag:s4] =	ssyncset.s32 $0xFFFFF086  }
0x25: {  	[simem:s6], [sflag:s4] =	dma.local [hbm:s3], $0xF7A  }
0x26: {  	[smem:$0x3F9F] =	sst s1;
	(tag) =	ssettag s2;
	_ =	strace s9  }
0x27: {  	s1 =	sld [smem:$0x3FAF]  }
0x28: {  	s2 =	sld [smem:$0x3FB0]  }
0x29: {  	s4 =	sld [smem:$0x3FB2]  }
0x2a: {  	p0 =	seq.s32 s5, $0x0;
	s5 =	sld [smem:$0x3FB3]  }
0x2b: {  	s6 =	sld [smem:$0x3FB4]  }
0x2c: {  	s7 =	sld [smem:$0x3FB5]  }
0x2d: {  	s3 =	simm.s32 $0x108;
	s8 =	sld [smem:$0x3FB6]  }
0x2e: {  	s3 =	simm.s32 @!p0 $0x1082;
	s9 =	sld [smem:$0x3FB7]  }
0x2f: {  	lr =	sadd.s32 s0, s3;
	s0 =	sld [smem:$0x3FAE]  }
0x30: {  	s3 =	sld [smem:$0x3FB1]  }
0x31: {  	[smem:$0x3FBA] =	sst s10  }
0x32: {  	s10 =	sld [smem:$0x3FB8];
	_ =	sdelay $0x3  }
0x33: {  	p0 =	seq.s32 s10, $0x1;
	s10 =	sld [smem:$0x3FBA];
	_ =	sdelay $0x3  }
0x34: {  	[smem:$0x3FBA] =	sst s10  }
0x35: {  	s10 =	sld [smem:$0x3FB9];
	_ =	sdelay $0x3  }
0x36: {  	p1 =	seq.s32 s10, $0x1;
	s10 =	sld [smem:$0x3FBA];
	_ =	sdelay $0x3  }
0x37: {  	[smem:$0x3FBA] =	sst s10  }
0x38: {  	s10 =	sld [smem:$0x3FBB]  }
0x39: {  	_ = 	snop;
	(pc) =	sbr.ind lr, $3  }
0x3a: {  	_ = 	snop  }
0x3b: {  	_ = 	snop  }
0x3c: {  	p2 =	seq.s32 s10, $0x1;
	s10 =	sld [smem:$0x3FBA]  }
0x3d: {  	_ =	shalt  }
0x3e: {  	_ =	shalt  }
0x3f: {  	_ =	shalt  }
0x40: {  	_ =	shalt  }
0x41: {  	_ =	shalt  }
0x42: {  	_ =	shalt  }
0x43: {  	_ =	shalt  }
0x44: {  	_ =	shalt  }
0x45: {  	_ =	shalt  }
0x46: {  	_ =	shalt  }
0x47: {  	_ =	shalt  }
0x48: {  	_ =	shalt  }
0x49: {  	_ =	shalt  }
0x4a: {  	_ =	shalt  }
0x4b: {  	_ =	shalt  }
0x4c: {  	_ =	shalt  }
0x4d: {  	_ =	shalt  }
0x4e: {  	_ =	shalt  }
0x4f: {  	_ =	shalt  }
0x50: {  	_ =	shalt  }
0x51: {  	_ =	shalt  }
0x52: {  	_ =	shalt  }
0x53: {  	_ =	shalt  }
0x54: {  	_ =	shalt  }
0x55: {  	_ =	shalt  }
0x56: {  	_ =	shalt  }
0x57: {  	_ =	shalt  }
0x58: {  	_ =	shalt  }
0x59: {  	_ =	shalt  }
0x5a: {  	_ =	shalt  }
0x5b: {  	_ =	shalt  }
0x5c: {  	_ =	shalt  }
0x5d: {  	_ =	shalt  }
0x5e: {  	_ =	shalt  }
0x5f: {  	_ =	shalt  }
0x60: {  	_ =	shalt  }
0x61: {  	_ =	shalt  }
0x62: {  	_ =	shalt  }
0x63: {  	_ =	shalt  }
0x64: {  	_ =	shalt  }
0x65: {  	_ =	shalt  }
0x66: {  	_ =	shalt  }
0x67: {  	_ =	shalt  }
0x68: {  	_ =	shalt  }
0x69: {  	_ =	shalt  }
0x6a: {  	_ =	shalt  }
0x6b: {  	_ =	shalt  }
0x6c: {  	_ =	shalt  }
0x6d: {  	_ =	shalt  }
0x6e: {  	_ =	shalt  }
0x6f: {  	_ =	shalt  }
0x70: {  	_ =	shalt  }
0x71: {  	_ =	shalt  }
0x72: {  	_ =	shalt  }
0x73: {  	_ =	shalt  }
0x74: {  	_ =	shalt  }
0x75: {  	_ =	shalt  }
0x76: {  	_ =	shalt  }
0x77: {  	_ =	shalt  }
0x78: {  	_ =	shalt  }
0x79: {  	_ =	shalt  }
0x7a: {  	_ =	shalt  }
0x7b: {  	_ =	shalt  }
0x7c: {  	_ =	shalt  }
0x7d: {  	_ =	shalt  }
0x7e: {  	_ =	shalt  }
0x7f: {  	_ =	shalt  }
0x80: {  	_ =	shalt  }
0x81: {  	_ =	shalt  }
0x82: {  	_ =	shalt  }
0x83: {  	_ =	shalt  }
0x84: {  	_ =	shalt  }
0x85: {  	_ =	shalt  }
0x86: {  	_ =	shalt  }
0x87: {  	_ =	shalt  }
.Lfunc_end0:
.L_simem_size_0:
called_computation_lowered:
.L_overlay_start_0:
0x88: {  	s2 =	sld [smem:$0x3FD9]  }
0x89: {  	s3 =	sld [smem:$0x3FFE];
	_ =	sdelay $0x1  }
0x8a: {  	s1 =	srdreg.scid  }
0x8b: {  	s0 =	sand.u32 $0x1, s1  }
0x8c: {  	s14 =	sshll.u32 s0, $0xA;
	s2 =	sadd.s32 s3, s2  }
0x8d: {  	s2 =	sadd.s32 s2, s14  }
0x8e: {  	[smem:$0x3FC6] =	sst s2  }
0x8f: {  	_ = 	snop  }
0x90: {  	s2 =	sld [smem:$0x3FD0];
	_ =	sdelay $0x2  }
0x91: {  	s15 =	simm.s32 $0xA;
	s4 =	simm.s32 $0x10  }
0x92: {  	[smem:s4], [sflag:s15] =	dma.local [hbm:s2], $0x1  }
0x93: {  	_ =	swait.eq [sflag:s15], $0x1  }
0x94: {  	[sflag:s15] =	ssyncset.done $0x0  }
0x95: {  	s16 =	sld [smem:$0x10];
	[sflag:s15] =	ssyncadd.s32 $0xFFFFFFFF  }
0x96: {  	s17 =	sld [smem:$0x11];
	(tm) =	ssettm $0x1  }
0x97: {  	s18 =	sld [smem:$0x3FFB];
	_ =	sdelay $0x3  }
0x98: {  	_ =	strace s18  }
0x99: {  	s4 =	sld [smem:$0x3FFC];
	_ =	sdelay $0x3  }
0x9a: {  	_ =	strace s4  }
0x9b: {  	s4 =	sld [smem:$0x3FFD];
	_ =	sdelay $0x3  }
0x9c: {  	_ =	strace s4  }
0x9d: {  	_ =	strace $0x8FFFFFFF  }
0x9e: {  	s19 =	sld [smem:$0x3FDB];
	_ =	sdelay $0x1  }
0x9f: {  	s5 =	simm.s32 $_scs_section_size  }
0xa0: {  	s6 =	simm.s32 $_size__tile_overlayer_lowered;
	s7 =	simm.s32 $_tile_overlayer_lowered  }
0xa1: {  	s22 =	simm.s32 $0x1BFF;
	s21 =	sshll.u32 s7, $0x1;
	s4 =	sadd.s32 s5, s19  }
0xa2: {  	s8 =	simm.s32 $0x0;
	s20 =	sshll.u32 s6, $0x1;
	s6 =	sadd.s32 s21, s4  }
0xa3: {  	[timem:s8], [sflag:s22] =	dma.local [hbm:s6], s20  }
0xa4: {  	_ =	swait.ge [sflag:s22], s20  }
0xa5: {  	s5 =	ssub.s32 $0x0, s20;
	[sflag:s22] =	ssyncset.done $0x0  }
0xa6: {  	[sflag:s22] =	ssyncadd.s32 s5;
	_ =	sdelay $0x1  }
0xa7: {  	s23 =	simm.s32 $0x1B8B  }
0xa8: {  	_ =	swait.ge [sflag:s23], $0x1  }
0xa9: {  	[sflag:s23] =	ssyncset.done $0x0  }
0xaa: {  	s25 =	simm.s32 $0x1B8E;
	s24 =	sld [smem:$0x3FFE];
	[sflag:s23] =	ssyncadd.s32 $0xFFFFFFFF  }
0xab: {  	s26 =	simm.s32 $execute0_lowered;
	[smem:$0x3FD2] =	sst s25  }
0xac: {  	s6 =	sshll.u32 s26, $0x1;
	_ =	strace $0x80000046;
	[dreg:$0x1] =	wrdreg $0xFFFFFFFF  }
0xad: {  	s28 =	simm.s32 $_size_execute0_lowered;
	s4 =	sadd.s32 s4, s6;
	[dreg:$0x0] =	wrdreg $0x0  }
0xae: {  	s6 =	sshll.u32 s28, $0x1;
	[dreg:$0x2] =	wrdreg s4  }
0xaf: {  	[dreg:$0x3] =	wrdreg s6  }
0xb0: {  	[dreg:$0x4] =	wrdreg $0xC0  }
0xb1: {  	_ =	task [dreg:s8], $0x5FFFF  }
0xb2: {  	[dreg:$0x1] =	wrdreg $0xFFFFFFFF  }
0xb3: {  	[dreg:$0x0] =	wrdreg $0x60  }
0xb4: {  	[dreg:$0x2] =	wrdreg s24  }
0xb5: {  	[dreg:$0x3] =	wrdreg s16  }
0xb6: {  	[dreg:$0x4] =	wrdreg s17  }
0xb7: {  	[dreg:$0x5] =	wrdreg $0x9  }
0xb8: {  	_ =	task.clear_ibuf [dreg:s8], $0x6FFFF;
	_ =	strace $0x90000046  }
0xb9: {  	s29 =	simm.s32 $0x9;
	_ =	strace $0x8000004C  }
0xba: {  	_ =	swait.ge [sflag:s29], $0x1  }
0xbb: {  	[sflag:s29] =	ssyncadd.s32 $0xFFFFFFFF  }
0xbc: {  	_ =	strace $0x9000004C  }
0xbd: {  	_ =	sfence  }
0xbe: {  	s30 =	sld [smem:$0x0];
	_ =	sdelay $0x2  }
0xbf: {  	s31 =	sshll.u32 s1, $0xD;
	s1 =	sshrl.u32 s1, $0x2  }
0xc0: {  	s3 =	sand.u32 $0x4000, s31;
	s1 =	sadd.s32 s1, s30  }
0xc1: {  	s0 =	sor.u32 s3, s0;
	s1 =	sshll.u32 s1, $0x11  }
0xc2: {  	s0 =	sor.u32 s1, s0  }
0xc3: {  	s0 =	sadd.s32 $0x8F2B, s0  }
0xc4: {  	[sflag:s0] =	ssyncadd.remote.s32 $0x1  }
0xc5: {  	_ =	sfence.sel $0xFFFF  }
0xc6: {  	[dreg:$0x0] =	wrdreg $0xFFFFFFFF;
	(pc) =	sbr.abs _section_cstart, $3  }
0xc7: {  	[dreg:$0x1] =	wrdreg $0xFFFFFFFF  }
0xc8: {  	_ =	task.clear_ibuf [dreg:s8], $0x2FFFF;
	_ =	strace $0x9FFFFFFF  }
0xc9: {  	(tm) =	ssettm $0x7FFFFFFF  }
tec
execute0_lowered:
.L_overlay_start_1:
0x0: {  	(tag) =	ssettag $0x1  }
0x1: {  	s1 =	srdreg.scid  }
0x2: {  	s0 =	stileid.u32;
	s1 =	sand.u32 $0x1, s1  }
0x3: {  	s3 =	sshll.u32 s0, $0x2;
	s4 =	sshll.u32 s1, $0x1  }
0x4: {  	s5 =	rddreg [dreg:$0x0];
	s6 =	sor.u32 s4, s3  }
0x5: {  	s2 =	rddreg [dreg:$0x1];
	s3 =	scvt.s32.f32 s6  }
0x6: {  	s7 =	rddreg [dreg:$0x2]  }
0x7: {  	s4 =	sor.u32 $0x1, s6;
	s8 =	sadd.f32 $5.000000000e-01, s3;
	s3 =	simm.s32 $0x0  }
0x8: {  	s4 =	scvt.s32.f32 s4;
	[smem:$0x7FF] =	sst s3  }
0x9: {  	v0 =	vimm.f32 $2.499999940e-03;
	s12 =	simm.s32 $0x7400;
	s15 =	simm.s32 $0x9800;
	_ =	strace $0x80000047  }
0xa: {  	s16 =	simm.s32 $0x1C410;
	s17 =	simm.s32 $0x9810;
	s4 =	sadd.f32 $5.000000000e-01, s4;
	(erf) = vrcp.f32 v0  }
0xb: {  	s18 =	simm.s32 $0x9C10;
	s19 =	simm.s32 $0x40;
	s8 =	smul.f32 $3.125000000e-02, s8  }
0xc: {  	s20 =	simm.s32 $0x1A410;
	s1 =	ssub.s32 $0x2, s1;
	s9 =	smul.f32 $3.125000000e-02, s4  }
0xd: {  	s21 =	simm.s32 $0x0;
	s31 =	sshrl.u32 s1, $0x1;
	s13 =	sadd.f32 $-1.000000000e+00, s8  }
0xe: {  	s30 =	sshll.u32 s6, $0x9;
	s6 =	sshll.u32 s6, $0x3;
	s9 =	sadd.f32 $-1.000000000e+00, s9  }
0xf: {  	s1 =	ssub.s32 s1, s31;
	s6 =	sadd.s32 s7, s6;
	s10 =	sadd.f32 $-5.000000070e-02, s13  }
0x10: {  	v4 =	vlaneseq.u32;
	v5 =	vimm.s32 $0x0;
	s4 =	sadd.s32 $0xC00, s5;
	s5 =	sadd.s32 s30, s5;
	s14 =	sadd.f32 $3.125000000e-02, s13  }
0x11: {  	v6 =	vimm.f32 $1.000000000e+09;
	vm0 =	vmxor vm0, vm0;
	vm1 =	vmmov $0xff;
	s7 =	smax.u32 s1, $0x1;
	s5 =	sadd.s32 $0x1800, s5;
	s11 =	sadd.f32 $5.000000070e-02, s9  }
0x12: {  	vm2 =	vmmov $0x1;
	v8 =	vand.u32 $0x7, v4;
	s8 =	simm.s32 $0x2;
	v2 =	vmov s13;
	s13 =	simm.s32 $0x8000;
	s9 =	simm.s32 $0x6000  }
0x13: {  	v0 =	vmov s10;
	s10 =	simm.s32 $0x1;
	v3 =	vmov s14;
	s14 =	simm.s32 $0x8C00;
	v1 =	vmov s11;
	s11 =	simm.s32 $0x6800;
	v7 =	vpop (erf)  }
.LBB2_1:
0x14: {  	[tilespmem:s3], [sflag:$0x2] =	stream.linear.gather [hbm4b:s4+s3], $0x6000, $0x38;
	[tilespmem:$0x1C490] =	vst v63  }
0x15: {  	_ =	swait.ge [sflag:s8], $0x6000  }
0x16: {  	[sflag:s8] =	ssyncset.done $0x0  }
0x17: {  	[sflag:s8] =	ssyncadd.s32 $0xFFFFA000  }
0x18: {  	s1 =	simm.s32 $0x2010;
	_ =	strace $0x80000048  }
0x19: {  	v9 =	vld [tilespmem:s1+$0xFFFFFFF0];
	_ =	sdelay $0x4  }
0x1a: {  	vm3 =	vge.f32 v9, v0;
	vm4 =	vle.f32 v9, v1  }
0x1b: {  	vm3 =	vmand vm3, vm4  }
0x1c: {  	v9 =	vsel vm3, $0x1, v5  }
0x1d: {  	(xrf0) =	vadd.scan.msk.s32 $0xffff, v9;
	_ =	sdelay $0x2  }
0x1e: {  	v9 =	vmov s3  }
0x1f: {  	v9 =	vadd.s32 $0xFFFFFFFF, v9  }
0x20: {  	v9 =	vbroadcast v9, $0x0  }
0x21: {  	v10, _, _ =	vpop (xrf0)  }
0x22: {  	v9 =	vadd.s32 v10, v9  }
0x23: {  	(v2sf) =	vpush v10, $0xF;
	vm4 =	vlt.s32 v9, $0x7FF  }
0x24: {  	v9 =	vnsel vm4, $0x7FF, v9;
	_ =	sdelay $0x3  }
0x25: {  	v10 =	vor.u32 s3, v4  }
0x26: {  	[tilespmem:v9+s9+$0x0] =	vst.idx.msk vm3, v10  }
0x27: {  	v9 =	vld [tilespmem:s1+$0x0];
	_ =	sdelay $0x4  }
0x28: {  	vm3 =	vge.f32 v9, v0;
	vm4 =	vle.f32 v9, v1  }
0x29: {  	vm3 =	vmand vm3, vm4  }
0x2a: {  	v9 =	vsel vm3, $0x1, v5  }
0x2b: {  	s30 =	spop (v2sf);
	(xrf0) =	vadd.scan.msk.s32 $0xffff, v9  }
0x2c: {  	s1 =	sadd.s32 $0x0, s30  }
0x2d: {  	p0 =	slt.s32 s1, $0x800  }
0x2e: {  	s1 =	simm.s32 @!p0 $0x800  }
0x2f: {  	v9 =	vmov s1  }
0x30: {  	v9 =	vadd.s32 $0xFFFFFFFF, v9  }
0x31: {  	v9 =	vbroadcast v9, $0x0;
	v10, _, _ =	vpop (xrf0)  }
0x32: {  	(v2sf) =	vpush v10, $0xF  }
0x33: {  	v9 =	vadd.s32 v10, v9  }
0x34: {  	vm4 =	vlt.s32 v9, $0x7FF  }
0x35: {  	v9 =	vnsel vm4, $0x7FF, v9;
	_ =	sdelay $0x2  }
0x36: {  	s22 =	simm.s32 $0x10  }
0x37: {  	v10 =	vor.u32 s22, v4  }
0x38: {  	s23 =	simm.s32 $0x2030;
	[tilespmem:v9+s9+$0x0] =	vst.idx.msk vm3, v10  }
0x39: {  	v9 =	vld [tilespmem:s23+$0xFFFFFFF0];
	_ =	sdelay $0x4  }
0x3a: {  	vm3 =	vge.f32 v9, v0;
	vm4 =	vle.f32 v9, v1  }
0x3b: {  	vm3 =	vmand vm3, vm4;
	s31 =	spop (v2sf)  }
0x3c: {  	v9 =	vsel vm3, $0x1, v5;
	s25 =	sadd.s32 s31, s1  }
0x3d: {  	s24 =	simm.s32 $0x40;
	s22 =	simm.s32 $0x20;
	(xrf0) =	vadd.scan.msk.s32 $0xffff, v9;
	p1 =	slt.s32 s25, $0x800  }
.LBB2_2:
0x3e: {  	p0 =	sne.s32 s24, $0x1FE0  }
0x3f: {  	s25 =	simm.s32 @!p1 $0x800;
	s26 =	smov.u32 s24;
	s24 =	sadd.s32 $0x20, s24  }
0x40: {  	v9 =	vmov s25  }
0x41: {  	v9 =	vadd.s32 $0xFFFFFFFF, v9  }
0x42: {  	v9 =	vbroadcast v9, $0x0  }
0x43: {  	v10, _, _ =	vpop (xrf0)  }
0x44: {  	v9 =	vadd.s32 v10, v9;
	(v2sf) =	vpush v10, $0xF  }
0x45: {  	vm4 =	vlt.s32 v9, $0x7FF  }
0x46: {  	v9 =	vnsel vm4, $0x7FF, v9;
	_ =	sdelay $0x3  }
0x47: {  	v10 =	vor.u32 s22, v4  }
0x48: {  	[tilespmem:v9+s9+$0x0] =	vst.idx.msk vm3, v10  }
0x49: {  	v9 =	vld [tilespmem:s23+$0x0];
	_ =	sdelay $0x4  }
0x4a: {  	vm3 =	vge.f32 v9, v0;
	vm4 =	vle.f32 v9, v1  }
0x4b: {  	vm3 =	vmand vm3, vm4  }
0x4c: {  	v9 =	vsel vm3, $0x1, v5;
	s1 =	spop (v2sf)  }
0x4d: {  	s1 =	sadd.s32 s25, s1;
	(xrf0) =	vadd.scan.msk.s32 $0xffff, v9  }
0x4e: {  	p1 =	slt.s32 s1, $0x800  }
0x4f: {  	s1 =	simm.s32 @!p1 $0x800  }
0x50: {  	v9 =	vmov s1  }
0x51: {  	v9 =	vadd.s32 $0xFFFFFFFF, v9  }
0x52: {  	v9 =	vbroadcast v9, $0x0  }
0x53: {  	v10, _, _ =	vpop (xrf0)  }
0x54: {  	v9 =	vadd.s32 v10, v9;
	(v2sf) =	vpush v10, $0xF  }
0x55: {  	vm4 =	vlt.s32 v9, $0x7FF  }
0x56: {  	v9 =	vnsel vm4, $0x7FF, v9;
	_ =	sdelay $0x2  }
0x57: {  	s25 =	sadd.s32 $0x10, s22;
	s22 =	smov.u32 s26  }
0x58: {  	v10 =	vor.u32 s25, v4  }
0x59: {  	s23 =	sadd.s32 $0x20, s23;
	[tilespmem:v9+s9+$0x0] =	vst.idx.msk vm3, v10  }
0x5a: {  	v9 =	vld [tilespmem:s23+$0xFFFFFFF0];
	_ =	sdelay $0x4  }
.Ltmp0:
0x5b: {  	vm3 =	vge.f32 v9, v0;
	vm4 =	vle.f32 v9, v1;
	(pc) =	sbr.rel @p0 .LBB2_2-.Ltmp0, $4  }
0x5c: {  	vm3 =	vmand vm3, vm4  }
0x5d: {  	v9 =	vsel vm3, $0x1, v5;
	s25 =	spop (v2sf)  }
0x5e: {  	(xrf0) =	vadd.scan.msk.s32 $0xffff, v9;
	s25 =	sadd.s32 s25, s1  }
0x5f: {  	p1 =	slt.s32 s25, $0x800  }
0x60: {  	s25 =	simm.s32 @!p1 $0x800  }
0x61: {  	v9 =	vmov s25  }
0x62: {  	v9 =	vadd.s32 $0xFFFFFFFF, v9  }
0x63: {  	v9 =	vbroadcast v9, $0x0  }
0x64: {  	v10, _, _ =	vpop (xrf0)  }
0x65: {  	v9 =	vadd.s32 v10, v9  }
0x66: {  	vm4 =	vlt.s32 v9, $0x7FF  }
0x67: {  	v9 =	vnsel vm4, $0x7FF, v9;
	_ =	sdelay $0x3  }
0x68: {  	v11 =	vor.u32 s22, v4  }
0x69: {  	[tilespmem:v9+s9+$0x0] =	vst.idx.msk vm3, v11  }
0x6a: {  	v9 =	vld [tilespmem:s23+$0x0];
	_ =	sdelay $0x4  }
0x6b: {  	vm3 =	vge.f32 v9, v0;
	vm14 =	vle.f32 v9, v1  }
0x6c: {  	vm3 =	vmand vm3, vm14  }
0x6d: {  	v9 =	vsel vm3, $0x1, v5  }
0x6e: {  	(xrf0) =	vadd.scan.msk.s32 $0xffff, v9  }
0x6f: {  	(v2sf) =	vpush v10, $0xF;
	_ =	sdelay $0x4  }
0x70: {  	v9, _, _ =	vpop (xrf0)  }
0x71: {  	(v2sf) =	vpush v9, $0xF;
	_ =	sdelay $0x8  }
0x72: {  	s1 =	spop (v2sf)  }
0x73: {  	s1 =	sadd.s32 s25, s1  }
0x74: {  	p0 =	slt.s32 s1, $0x800  }
0x75: {  	s1 =	simm.s32 @!p0 $0x800  }
0x76: {  	v10 =	vmov s1  }
0x77: {  	v10 =	vadd.s32 $0xFFFFFFFF, v10  }
0x78: {  	v10 =	vbroadcast v10, $0x0;
	s28 =	spop (v2sf)  }
0x79: {  	s1 =	sadd.s32 s28, s1  }
0x7a: {  	v9 =	vadd.s32 v9, v10;
	p0 =	slt.s32 s1, $0x800;
	s23 =	smov.u32 s1  }
0x7b: {  	vm15 =	vlt.s32 v9, $0x7FF;
	s23 =	simm.s32 @!p0 $0x800  }
0x7c: {  	v9 =	vnsel vm15, $0x7FF, v9;
	s24 =	sadd.s32 $0xF, s23  }
0x7d: {  	s31 =	sadd.s32 $0x10, s22;
	s29 =	sand.u32 $0xF, s24  }
0x7e: {  	p5 =	slt.s32 s1, $0xFFFFFFF2;
	s30 =	sshra.s32 s24, $0x1F;
	p6 =	sne.s32 s29, $0x0  }
.Ltmp1:
0x7f: {  	s1 =	sshrl.u32 s30, $0x1C;
	p0 =	por !p5, !p6;
	(pc) =	sbr.rel .LBB2_4-.Ltmp1, $4  }
0x80: {  	s22 =	simm.s32 $0x1;
	v10 =	vor.u32 s31, v4;
	s1 =	sadd.s32 s1, s24;
	p0 =	por !p0, !p0  }
0x81: {  	[tilespmem:v9+s9+$0x0] =	vst.idx.msk vm3, v10;
	s1 =	sshra.s32 s1, $0x4;
	s22 =	simm.s32 @!p0 $0x0  }
0x82: {  	_ =	strace $0x90000048;
	s22 =	ssub.s32 s1, s22  }
0x83: {  	_ =	strace $0x80000049;
	v9 =	vmov s23;
	s23 =	simm.s32 $0x0;
	p0 =	sgt.s32 s22, $0x0  }
.LBB2_5:
0x84: {  	s24 =	smul.u32 $0x180, s23;
	s1 =	simm.s32 $0x0  }
.LBB2_12:
0x85: {  	_ = 	snop  }
0x86: {  	s24 =	sadd.s32 s24, s1  }
0x87: {  	v11 =	vmov s23;
	s23 =	sadd.s32 $0x1, s23;
	v10 =	vadd.s32 s24, v4  }
0x88: {  	p1 =	sne.s32 s23, $0x8  }
.Ltmp2:
0x89: {  	_ = 	snop;
	(pc) =	sbr.rel @!p1 .LBB2_13-.Ltmp2, $3  }
0x8a: {  	_ =	sdelay $0x1  }
0x8b: {  	[tilespmem:v10+s11+$0x0] =	vst.idx.msk $0xffff, v6;
	v10 =	vmov s1  }
0x8c: {  	[tilespmem:v11+s15+$0x0] =	vst.idx.msk $0x1, v10  }
.LBB2_4:
.Ltmp3:
0x8d: {  	(pc) =	sbr.rel @!p0 .LBB2_5-.Ltmp3, $1  }
0x8e: {  	_ =	sdelay $0x3  }
0x8f: {  	s1 =	scvt.s32.f32 s23;
	_ =	sdelay $0x1  }
0x90: {  	s1 =	smul.f32 $8.000000000e+00, s1;
	_ =	sdelay $0x1  }
0x91: {  	s24 =	sadd.f32 $7.000000000e+00, s1  }
0x92: {  	s1 =	sadd.f32 $5.000000000e-01, s1  }
0x93: {  	s24 =	sadd.f32 $5.000000000e-01, s24  }
0x94: {  	s1 =	smul.f32 $3.125000000e-02, s1  }
0x95: {  	s24 =	smul.f32 $3.125000000e-02, s24  }
0x96: {  	p2 =	sne.s32 s22, $0x1;
	s1 =	sadd.f32 $-1.000000000e+00, s1  }
.Ltmp4:
0x97: {  	s24 =	sadd.f32 $-1.000000000e+00, s24;
	(pc) =	sbr.rel @!p2 .LBB2_7-.Ltmp4, $4  }
0x98: {  	s1 =	sadd.f32 $-5.000000070e-02, s1  }
0x99: {  	s25 =	sadd.f32 $5.000000070e-02, s24;
	s24 =	smul.u32 $0x180, s23  }
0x9a: {  	s26 =	simm.s32 $0x6000  }
0x9b: {  	p1 =	por $0x0, $0x0;
	v13 =	vld [tilespmem:s26+$0x0];
	v11 =	vmov s1;
	s1 =	sadd.s32 $0xFFFFFFFF, s22;
	v12 =	vmov s25;
	v10 =	vmov s24;
	s25 =	simm.s32 $0x0  }
0x9c: {  	_ =	sdelay $0x1  }
0x9d: {  	v14 =	vor.u32 s25, v4  }
0x9e: {  	vm3 =	vlt.s32 v14, v9  }
0x9f: {  	v13 =	vnsel vm3, $0x0, v13;
	_ =	sdelay $0x4  }
0xa0: {  	v14 =	vld.idx.msk [tilespmem:v13+s3+$0x0], $0xffff;
	_ =	sdelay $0x4  }
0xa1: {  	vm4 =	vge.f32 v14, v11;
	vm5 =	vle.f32 v14, v12  }
0xa2: {  	vm4 =	vmand vm4, vm5  }
0xa3: {  	vm3 =	vmand vm3, vm4  }
0xa4: {  	v15 =	vsel vm3, $0x1, v5  }
0xa5: {  	(xrf0) =	vadd.scan.msk.s32 $0xffff, v15;
	_ =	sdelay $0x2  }
0xa6: {  	v15 =	vmov s25  }
0xa7: {  	v15 =	vadd.s32 $0xFFFFFFFF, v15  }
0xa8: {  	v15 =	vbroadcast v15, $0x0  }
0xa9: {  	v16 =	vadd.s32 $0x2000, v13;
	v17, _, _ =	vpop (xrf0)  }
0xaa: {  	v18 =	vadd.s32 $0x4000, v13;
	v15 =	vadd.s32 v17, v15;
	(v2sf) =	vpush v17, $0xF  }
0xab: {  	vm15 =	vlt.s32 v15, $0x17F  }
0xac: {  	v15 =	vnsel vm15, $0x17F, v15  }
0xad: {  	v15 =	vadd.s32 v10, v15  }
0xae: {  	v16 =	vld.idx.msk [tilespmem:v16+s3+$0x0], $0xffff  }
0xaf: {  	v18 =	vld.idx.msk [tilespmem:v18+s3+$0x0], $0xffff;
	_ =	sdelay $0x1  }
0xb0: {  	p2 =	sne.s32 s1, $0x1  }
.Ltmp5:
0xb1: {  	[tilespmem:v15+s11+$0x0] =	vst.idx.msk vm3, v14;
	(pc) =	sbr.rel @!p2 .LBB2_9-.Ltmp5, $4  }
0xb2: {  	[tilespmem:v15+s12+$0x0] =	vst.idx.msk vm3, v16  }
0xb3: {  	[tilespmem:v15+s13+$0x0] =	vst.idx.msk vm3, v18  }
0xb4: {  	s29 =	simm.s32 $0x6010;
	s30 =	sadd.s32 $0xFFFFFFFF, s1;
	[tilespmem:v15+s14+$0x0] =	vst.idx.msk vm3, v13  }
0xb5: {  	p1 =	por $0x1, $0x1;
	s28 =	simm.s32 $0x0;
	s26 =	simm.s32 $0x0;
	v13 =	vld [tilespmem:s29+$0x0]  }
.LBB2_10:
0xb6: {  	p2 =	sne.s32 s30, $0x1  }
0xb7: {  	s28 =	sadd.s32 $0x10, s28  }
0xb8: {  	v14 =	vor.u32 s28, v4;
	s1 =	spop (v2sf)  }
0xb9: {  	vm3 =	vlt.s32 v14, v9;
	s26 =	sadd.s32 s26, s1  }
0xba: {  	v13 =	vnsel vm3, $0x0, v13;
	p3 =	slt.s32 s26, $0x170  }
0xbb: {  	v14 =	vadd.s32 $0x2000, v13;
	v15 =	vadd.s32 $0x4000, v13;
	s26 =	simm.s32 @!p3 $0x170  }
0xbc: {  	v16 =	vmov s26  }
0xbd: {  	v16 =	vadd.s32 $0xFFFFFFFF, v16  }
0xbe: {  	v16 =	vbroadcast v16, $0x0  }
0xbf: {  	v17 =	vld.idx.msk [tilespmem:v13+s3+$0x0], $0xffff;
	_ =	sdelay $0x5  }
0xc0: {  	vm4 =	vge.f32 v17, v11;
	vm5 =	vle.f32 v17, v12  }
0xc1: {  	vm4 =	vmand vm4, vm5  }
0xc2: {  	vm3 =	vmand vm3, vm4  }
0xc3: {  	v18 =	vsel vm3, $0x1, v5  }
0xc4: {  	(xrf0) =	vadd.scan.msk.s32 $0xffff, v18;
	_ =	sdelay $0x5  }
0xc5: {  	v18, _, _ =	vpop (xrf0)  }
0xc6: {  	v16 =	vadd.s32 v18, v16;
	(v2sf) =	vpush v18, $0xF  }
0xc7: {  	vm4 =	vlt.s32 v16, $0x17F  }
0xc8: {  	v16 =	vnsel vm4, $0x17F, v16  }
0xc9: {  	v16 =	vadd.s32 v10, v16;
	v14 =	vld.idx.msk [tilespmem:v14+s3+$0x0], $0xffff  }
0xca: {  	v15 =	vld.idx.msk [tilespmem:v15+s3+$0x0], $0xffff;
	_ =	sdelay $0x3  }
.Ltmp6:
0xcb: {  	[tilespmem:v16+s11+$0x0] =	vst.idx.msk vm3, v17;
	(pc) =	sbr.rel @p2 .LBB2_10-.Ltmp6, $4  }
0xcc: {  	[tilespmem:v16+s12+$0x0] =	vst.idx.msk vm3, v14  }
0xcd: {  	[tilespmem:v16+s13+$0x0] =	vst.idx.msk vm3, v15  }
0xce: {  	s29 =	sadd.s32 $0x10, s29;
	[tilespmem:v16+s14+$0x0] =	vst.idx.msk vm3, v13  }
0xcf: {  	s30 =	sadd.s32 $0xFFFFFFFF, s30;
	v13 =	vld [tilespmem:s29+$0x0]  }
.LBB2_11:
0xd0: {  	s1 =	sadd.s32 @p1 $0x10, s28;
	s28 =	simm.s32 $0x0  }
0xd1: {  	s28 =	smov.u32 @p1 s1  }
0xd2: {  	v14 =	vor.u32 s28, v4  }
0xd3: {  	vm3 =	vlt.s32 v14, v9  }
0xd4: {  	v13 =	vnsel vm3, $0x0, v13;
	_ =	sdelay $0x4  }
0xd5: {  	v61 =	vld.idx.msk [tilespmem:v13+s3+$0x0], $0xffff;
	_ =	sdelay $0x4  }
0xd6: {  	vm4 =	vge.f32 v61, v11;
	vm5 =	vle.f32 v61, v12  }
0xd7: {  	vm4 =	vmand vm4, vm5  }
0xd8: {  	vm3 =	vmand vm3, vm4  }
0xd9: {  	v11 =	vsel vm3, $0x1, v5  }
0xda: {  	(xrf0) =	vadd.scan.msk.s32 $0xffff, v11;
	_ =	sdelay $0x3  }
0xdb: {  	s1 =	spop @p1 (v2sf)  }
0xdc: {  	s1 =	sadd.s32 @p1 s26, s1  }
0xdd: {  	p2 =	slt.s32 @p1 s1, $0x170;
	v11, _, _ =	vpop (xrf0)  }
0xde: {  	p2 =	por !p2, !p1;
	(v2sf) =	vpush v11, $0xF  }
0xdf: {  	s1 =	simm.s32 @p2 $0x170  }
0xe0: {  	s25 =	smov.u32 @p1 s1  }
0xe1: {  	v62 =	vmov s25  }
0xe2: {  	v12 =	vadd.s32 $0xFFFFFFFF, v62  }
0xe3: {  	v12 =	vbroadcast v12, $0x0  }
0xe4: {  	v15 =	vadd.s32 $0x2000, v13  }
0xe5: {  	v16 =	vadd.s32 $0x4000, v13;
	v11 =	vadd.s32 v11, v12  }
0xe6: {  	vm15 =	vlt.s32 v11, $0x17F  }
0xe7: {  	v11 =	vnsel vm15, $0x17F, v11  }
0xe8: {  	v10 =	vadd.s32 v10, v11  }
0xe9: {  	v11 =	vld.idx.msk [tilespmem:v15+s3+$0x0], $0xffff  }
0xea: {  	v63 =	vld.idx.msk [tilespmem:v16+s3+$0x0], $0xffff;
	_ =	sdelay $0x1  }
.Ltmp7:
0xeb: {  	_ = 	snop;
	(pc) =	sbr.rel .LBB2_12-.Ltmp7, $4  }
0xec: {  	[tilespmem:v10+s11+$0x0] =	vst.idx.msk vm3, v61;
	s31 =	spop (v2sf)  }
0xed: {  	[tilespmem:v10+s12+$0x0] =	vst.idx.msk vm3, v11;
	s1 =	sadd.s32 s25, s31  }
0xee: {  	[tilespmem:v10+s13+$0x0] =	vst.idx.msk vm3, v63;
	p1 =	slt.s32 s1, $0x170  }
0xef: {  	[tilespmem:v10+s14+$0x0] =	vst.idx.msk vm3, v13;
	s1 =	simm.s32 @!p1 $0x170  }
.LBB2_7:
.Ltmp8:
0xf0: {  	(pc) =	sbr.rel .LBB2_11-.Ltmp8, $2  }
0xf1: {  	_ =	sdelay $0x2  }
0xf2: {  	s28 =	simm.s32 $0x0;
	s26 =	simm.s32 $0x0  }
.LBB2_9:
.Ltmp9:
0xf3: {  	(pc) =	sbr.rel .LBB2_11-.Ltmp9, $2  }
0xf4: {  	_ =	sdelay $0x2  }
0xf5: {  	s28 =	simm.s32 $0x0;
	s26 =	simm.s32 $0x0  }
.LBB2_13:
.Ltmp10:
0xf6: {  	(pc) =	sbr.rel .LBB2_14-.Ltmp10, $3  }
0xf7: {  	_ =	sdelay $0x1  }
0xf8: {  	_ =	strace $0x90000049  }
0xf9: {  	s22 =	simm.s32 $0x0;
	s23 =	simm.s32 $0x8;
	v9 =	vld [tilespmem:$0x9800];
	_ =	strace $0x8000004A  }
.LBB2_25:
0xfa: {  	s1 =	sshll.u32 s22, $0xC;
	s24 =	sshll.u32 s22, $0x6;
	s22 =	sadd.s32 $0x1, s22  }
0xfb: {  	p0 =	sne.s32 s22, $0x8  }
.Ltmp11:
0xfc: {  	s25 =	sand.u32 $0x3FFFF000, s1;
	s1 =	sor.u32 $0x8000, s1;
	(pc) =	sbr.rel @!p0 .LBB2_26-.Ltmp11, $4  }
0xfd: {  	s26 =	sadd.s32 $0x9810, s24;
	s25 =	sadd.s32 $0xA410, s25;
	s1 =	sand.u32 $0x3FFFF000, s1  }
0xfe: {  	[tilespmem:s25], [sflag:$0x1] =	stream.indirect.gather [hbm4b:s2+s19], $0x40, s26, s19, $0x2000b8;
	[tilespmem:$0x1C490] =	vst v63  }
0xff: {  	s23 =	sadd.s32 $0x8, s23;
	s24 =	sadd.s32 $0x9A10, s24;
	s1 =	sadd.s32 $0xA410, s1  }
0x100: {  	[tilespmem:s1], [sflag:$0x1] =	stream.indirect.gather [hbm4b:s2+s19], $0x40, s24, s19, $0x2000b8;
	[tilespmem:$0x1C490] =	vst v63  }
.LBB2_14:
.Ltmp12:
0x101: {  	(pc) =	sbr.rel .LBB2_15-.Ltmp12, $2  }
0x102: {  	_ =	sdelay $0x2  }
0x103: {  	s24 =	sshll.u32 s22, $0x3  }
.LBB2_16:
0x104: {  	vm4 =	vmmov vm0;
	vm3 =	vmmov vm0;
	v12 =	vimm.s32 $0x0  }
.LBB2_24:
0x105: {  	vm5 =	vmand vm4, vm1  }
0x106: {  	v11 =	vnsel vm5, $0x0, v11;
	_ =	sdelay $0x4  }
0x107: {  	v13 =	vld.idx.msk [tilespmem:v11+s11+$0x0], $0xffff  }
0x108: {  	v14 =	vld.idx.msk [tilespmem:v11+s12+$0x0], $0xffff;
	_ =	sdelay $0x4  }
0x109: {  	v13 =	vsub.f32 v13, v10;
	v14 =	vsub.f32 v14, v2;
	_ =	sdelay $0x1  }
0x10a: {  	v13 =	vmul.f32 v13, v13;
	v14 =	vmul.f32 v14, v14;
	_ =	sdelay $0x1  }
0x10b: {  	v13 =	vadd.f32 v14, v13;
	_ =	sdelay $0x1  }
0x10c: {  	v52 =	vld.idx.msk [tilespmem:v11+s13+$0x0], $0xffff;
	v13 =	vmul.f32 v13, v7;
	_ =	sdelay $0x1  }
0x10d: {  	v13 =	vsub.f32 $1.000000000e+00, v13;
	_ =	sdelay $0x1  }
0x10e: {  	v13 =	vnsel vm5, $0x0, v13  }
0x10f: {  	v14 =	vnsel vm2, $0x0, v52;
	(xrf2) =	vadd.scan.msk.f32 $0xffff, v13  }
0x110: {  	vm14 =	vmand vm4, vm2;
	(xrf2) =	vadd.scan.msk.f32 $0xffff, v14  }
0x111: {  	v53 =	vsel vm14, $0x1, v5  }
0x112: {  	(xrf0) =	vadd.scan.msk.s32 $0xffff, v53;
	_ =	sdelay $0x5  }
0x113: {  	v15, _, _ =	vpop (xrf0)  }
0x114: {  	v54, _, _ =	vpop (xrf2)  }
0x115: {  	(v2sf) =	vpush v15, $0xF;
	v55, _, _ =	vpop (xrf2)  }
0x116: {  	(v2sf) =	vpush v55, $0xF;
	_ =	sdelay $0x4  }
0x117: {  	v14 =	vmax.f32 v54, $1.000000010e-10  }
0x118: {  	v14 =	vbroadcast v14, $0xF;
	_ =	sdelay $0x1  }
0x119: {  	(erf) = vrcp.f32 v14;
	_ =	sdelay $0x1  }
0x11a: {  	v56 =	vmov s24  }
0x11b: {  	s1 =	sand.u32 $0xFFFFFFC0, s24;
	s25 =	sshll.u32 s24, $0x3;
	v57 =	vand.u32 $0x7FFFFFF8, v56  }
0x11c: {  	v17 =	vadd.s32 s25, v4;
	v16 =	vadd.s32 s1, v57;
	v14 =	vand.u32 $0x7, v56  }
0x11d: {  	v17 =	vand.u32 $0xFFFFFFF8, v17;
	v11 =	vld.idx.msk [tilespmem:v11+s14+$0x0], $0xffff;
	v16 =	vor.u32 v14, v16  }
0x11e: {  	s28 =	sshll.u32 s24, $0x4;
	v17 =	vor.u32 v8, v17;
	s26 =	spop (v2sf)  }
0x11f: {  	vm15 =	vmand vm3, vm1;
	v18 =	vor.u32 s28, v4;
	p0 =	sgt.s32 s26, $0x0;
	s1 =	spop (v2sf)  }
0x120: {  	v12 =	vnsel vm15, $0x0, v12;
	s1 =	simm.s32 @!p0 $0xBF800000  }
0x121: {  	v19 =	vpop (erf);
	v20 =	vmov s1  }
0x122: {  	v11 =	vnsel vm5, $0x0, v11;
	v13 =	vmul.f32 v19, v13;
	[tilespmem:v16+s16+$0x0] =	vst.idx.msk $0x1, v20  }
0x123: {  	[tilespmem:v17+s17+$0x0] =	vst.idx.msk $0xff, v11  }
0x124: {  	[tilespmem:v18+s18+$0x0] =	vst.idx.msk $0xffff, v13  }
0x125: {  	v11 =	vld.idx.msk [tilespmem:v12+s11+$0x0], $0xffff  }
0x126: {  	v13 =	vld.idx.msk [tilespmem:v12+s12+$0x0], $0xffff;
	_ =	sdelay $0x4  }
0x127: {  	v10 =	vsub.f32 v11, v10;
	v11 =	vsub.f32 v13, v3;
	_ =	sdelay $0x1  }
0x128: {  	v10 =	vmul.f32 v10, v10;
	v11 =	vmul.f32 v11, v11;
	_ =	sdelay $0x1  }
0x129: {  	v10 =	vadd.f32 v11, v10;
	_ =	sdelay $0x1  }
0x12a: {  	v11 =	vld.idx.msk [tilespmem:v12+s13+$0x0], $0xffff;
	v10 =	vmul.f32 v10, v7;
	_ =	sdelay $0x1  }
0x12b: {  	v10 =	vsub.f32 $1.000000000e+00, v10;
	_ =	sdelay $0x1  }
0x12c: {  	v10 =	vnsel vm15, $0x0, v10  }
0x12d: {  	v11 =	vnsel vm2, $0x0, v11;
	(xrf2) =	vadd.scan.msk.f32 $0xffff, v10  }
0x12e: {  	vm3 =	vmand vm3, vm2;
	(xrf2) =	vadd.scan.msk.f32 $0xffff, v11  }
0x12f: {  	v11 =	vsel vm3, $0x1, v5  }
0x130: {  	(xrf0) =	vadd.scan.msk.s32 $0xffff, v11;
	_ =	sdelay $0x5  }
0x131: {  	v58, _, _ =	vpop (xrf0)  }
0x132: {  	v11, _, _ =	vpop (xrf2)  }
0x133: {  	(v2sf) =	vpush v58, $0xF;
	v59, _, _ =	vpop (xrf2)  }
0x134: {  	(v2sf) =	vpush v59, $0xF;
	_ =	sdelay $0x5  }
0x135: {  	v11 =	vmax.f32 v11, $1.000000010e-10  }
0x136: {  	v11 =	vbroadcast v11, $0xF;
	_ =	sdelay $0x1  }
0x137: {  	(erf) = vrcp.f32 v11;
	_ =	sdelay $0x1  }
0x138: {  	s29 =	sadd.s32 $0x40, s24  }
0x139: {  	s30 =	sand.u32 $0xFFFFFFC0, s29;
	s26 =	sshll.u32 s29, $0x3  }
0x13a: {  	v60 =	vadd.s32 s26, v4;
	v11 =	vadd.s32 s30, v57  }
0x13b: {  	s24 =	sadd.s32 $0x1, s24;
	v13 =	vand.u32 $0xFFFFFFF8, v60;
	v12 =	vld.idx.msk [tilespmem:v12+s14+$0x0], $0xffff;
	v11 =	vor.u32 v14, v11;
	s31 =	spop (v2sf)  }
0x13c: {  	s1 =	sshll.u32 s29, $0x4;
	v13 =	vor.u32 v8, v13;
	p0 =	sgt.s32 s31, $0x0;
	s25 =	spop (v2sf)  }
0x13d: {  	v61 =	vor.u32 s1, v4;
	s25 =	simm.s32 @!p0 $0xBF800000;
	p0 =	sne.s32 s24, s23  }
.Ltmp13:
0x13e: {  	_ = 	snop;
	(pc) =	sbr.rel @!p0 .LBB2_25-.Ltmp13, $4  }
0x13f: {  	v62 =	vpop (erf);
	v63 =	vmov s25  }
0x140: {  	v12 =	vnsel vm15, $0x0, v12;
	v10 =	vmul.f32 v62, v10;
	[tilespmem:v11+s16+$0x0] =	vst.idx.msk $0x1, v63  }
0x141: {  	[tilespmem:v13+s17+$0x0] =	vst.idx.msk $0xff, v12  }
0x142: {  	[tilespmem:v61+s18+$0x0] =	vst.idx.msk $0xffff, v10  }
.LBB2_15:
0x143: {  	s1 =	sshrl.u32 s24, $0x3  }
0x144: {  	v10 =	vmov s1  }
0x145: {  	vm3 =	veq.s32 v10, v4  }
0x146: {  	v10 =	vnsel vm3, $0x0, v9  }
0x147: {  	(xrf0) =	vadd.scan.msk.s32 $0xffff, v10;
	_ =	sdelay $0x5  }
0x148: {  	v10, _, _ =	vpop (xrf0)  }
0x149: {  	(v2sf) =	vpush v10, $0xF;
	_ =	sdelay $0xe  }
0x14a: {  	s26 =	spop (v2sf)  }
0x14b: {  	s26 =	sadd.s32 $0xF, s26  }
0x14c: {  	s28 =	sand.u32 $0xF, s26  }
0x14d: {  	s31 =	sshra.s32 s26, $0x1F;
	p1 =	slt.s32 s26, $0x1;
	p0 =	sne.s32 s28, $0x0  }
0x14e: {  	s25 =	scvt.s32.f32 s24;
	s28 =	sshrl.u32 s31, $0x1C;
	p0 =	por !p1, !p0  }
0x14f: {  	s26 =	sadd.s32 s28, s26;
	s28 =	simm.s32 $0x1;
	p0 =	por !p0, !p0  }
0x150: {  	s25 =	sadd.f32 $5.000000000e-01, s25;
	s26 =	sshra.s32 s26, $0x4;
	s28 =	simm.s32 @!p0 $0x0  }
0x151: {  	s30 =	ssub.s32 s26, s28  }
0x152: {  	s25 =	smul.f32 $3.125000000e-02, s25;
	p0 =	slt.s32 s30, $0x1  }
.Ltmp14:
0x153: {  	_ = 	snop;
	(pc) =	sbr.rel @p0 .LBB2_16-.Ltmp14, $3  }
0x154: {  	_ = 	snop  }
0x155: {  	s25 =	sadd.f32 $-1.000000000e+00, s25;
	_ =	sdelay $0x1  }
0x156: {  	v11 =	vimm.s32 $0x0;
	v10 =	vmov s25  }
0x157: {  	s25 =	smul.u32 $0x600, s1;
	p2 =	sne.s32 s30, $0x1  }
.Ltmp15:
0x158: {  	_ = 	snop;
	(pc) =	sbr.rel @!p2 .LBB2_18-.Ltmp15, $4  }
0x159: {  	s25 =	sshra.s32 s25, $0x2  }
0x15a: {  	s29 =	sadd.s32 $0x6800, s25  }
0x15b: {  	p0 =	por $0x0, $0x0;
	p1 =	por $0x0, $0x0;
	s28 =	sadd.s32 $0x7400, s25;
	v13 =	vld [tilespmem:s29+$0x0]  }
0x15c: {  	v12 =	vimm.f32 $1.000000000e+09;
	s26 =	sadd.s32 $0x8000, s25;
	s25 =	smul.u32 $0x180, s1;
	s1 =	sadd.s32 $0xFFFFFFFF, s30;
	v14 =	vld [tilespmem:s28+$0x0]  }
0x15d: {  	_ =	sdelay $0x3  }
0x15e: {  	v13 =	vsub.f32 v13, v10;
	v15 =	vsub.f32 v14, v2  }
0x15f: {  	v14 =	vsub.f32 v14, v3  }
0x160: {  	v16 =	vld [tilespmem:s26+$0x0];
	v13 =	vmul.f32 v13, v13;
	v15 =	vmul.f32 v15, v15  }
0x161: {  	v14 =	vmul.f32 v14, v14  }
0x162: {  	p2 =	sne.s32 s1, $0x1;
	v15 =	vadd.f32 v15, v13  }
.Ltmp16:
0x163: {  	v13 =	vadd.f32 v14, v13;
	(pc) =	sbr.rel @!p2 .LBB2_20-.Ltmp16, $4  }
0x164: {  	vm3 =	vlt.f32 v15, $2.499999940e-03  }
0x165: {  	s30 =	sadd.s32 $0x10, s29;
	v15 =	vor.u32 s25, v4;
	v14 =	vnsel vm3, $0x4E6E6B28, v16;
	vm3 =	vlt.f32 v13, $2.499999940e-03  }
0x166: {  	s31 =	sadd.s32 $0x10, s28;
	v13 =	vld [tilespmem:s30+$0x0];
	v16 =	vnsel vm3, $0x4E6E6B28, v16;
	(xrf1) =	vsort.dscd.msk.f32 $0xffff, v14, v15  }
0x167: {  	s1 =	sadd.s32 $0xFFFFFFFF, s1;
	p0 =	por $0x1, $0x1;
	v14 =	vld [tilespmem:s31+$0x0];
	(xrf1) =	vsort.dscd.msk.f32 $0xffff, v16, v15  }
0x168: {  	_ =	sdelay $0x3  }
0x169: {  	v13 =	vsub.f32 v13, v10;
	v15 =	vsub.f32 v14, v2;
	_ =	sdelay $0x1  }
0x16a: {  	s28 =	sadd.s32 $0x10, s26;
	v14 =	vsub.f32 v14, v3;
	v13 =	vmul.f32 v13, v13;
	v15 =	vmul.f32 v15, v15  }
0x16b: {  	v16 =	vld [tilespmem:s28+$0x0]  }
0x16c: {  	v14 =	vmul.f32 v14, v14;
	v15 =	vadd.f32 v15, v13;
	_ =	sdelay $0x1  }
0x16d: {  	v13 =	vadd.f32 v14, v13  }
0x16e: {  	s29 =	sadd.s32 $0x10, s25;
	vm3 =	vlt.f32 v15, $2.499999940e-03  }
0x16f: {  	v17 =	vnsel vm3, $0x4E6E6B28, v16;
	vm3 =	vlt.f32 v13, $2.499999940e-03;
	v13 =	vor.u32 s29, v4  }
0x170: {  	v16 =	vnsel vm3, $0x4E6E6B28, v16;
	v14, v15, _ =	vpop (xrf1);
	(xrf1) =	vsort.dscd.msk.f32 $0xffff, v17, v13  }
0x171: {  	s30 =	sadd.s32 $0x10, s30;
	p2 =	sne.s32 s1, $0x1;
	v18, v19, _ =	vpop (xrf1);
	(xrf1) =	vsort.dscd.msk.f32 $0xffff, v16, v13;
	v14 =	vsel vm1, v12, v14;
	v15 =	vsel vm1, v11, v15  }
.Ltmp17:
0x172: {  	s31 =	sadd.s32 $0x10, s31;
	v13 =	vld [tilespmem:s30+$0x0];
	v62 =	vsel vm1, v12, v18;
	v63 =	vsel vm1, v11, v19;
	(xrf1) =	vsort.ascd.msk.f32 $0xffff, v14, v15;
	(pc) =	sbr.rel @!p2 .LBB2_23-.Ltmp17, $2  }
0x173: {  	v14 =	vld [tilespmem:s31+$0x0];
	(xrf1) =	vsort.ascd.msk.f32 $0xffff, v62, v63;
	_ =	sdelay $0x2  }
0x174: {  	s1 =	sadd.s32 $0xFFFFFFFF, s1;
	p1 =	por $0x1, $0x1  }
.LBB2_22:
0x175: {  	p2 =	sne.s32 s1, $0x1  }
0x176: {  	v13 =	vsub.f32 v13, v10;
	v15 =	vsub.f32 v14, v2  }
0x177: {  	s28 =	sadd.s32 $0x10, s28;
	v14 =	vsub.f32 v14, v3  }
0x178: {  	v13 =	vmul.f32 v13, v13;
	v16 =	vld [tilespmem:s28+$0x0];
	v19 =	vmul.f32 v15, v15  }
0x179: {  	v18 =	vmul.f32 v14, v14  }
0x17a: {  	v17 =	vadd.f32 v19, v13  }
0x17b: {  	v13 =	vadd.f32 v18, v13  }
0x17c: {  	s29 =	sadd.s32 $0x10, s29;
	vm3 =	vlt.f32 v17, $2.499999940e-03;
	v14, v15, _ =	vpop (xrf1)  }
0x17d: {  	v23 =	vnsel vm3, $0x4E6E6B28, v16;
	vm3 =	vlt.f32 v13, $2.499999940e-03;
	v13 =	vor.u32 s29, v4;
	v18, v19, _ =	vpop (xrf1)  }
0x17e: {  	v22 =	vnsel vm3, $0x4E6E6B28, v16;
	(xrf1) =	vsort.dscd.msk.f32 $0xffff, v23, v13;
	v21, v20, _ =	vpop (xrf1)  }
0x17f: {  	s30 =	sadd.s32 $0x10, s30;
	(xrf1) =	vsort.dscd.msk.f32 $0xffff, v22, v13;
	v14 =	vsel vm1, v21, v14;
	v15 =	vsel vm1, v20, v15;
	v16, v17, _ =	vpop (xrf1)  }
.Ltmp18:
0x180: {  	s31 =	sadd.s32 $0x10, s31;
	v13 =	vld [tilespmem:s30+$0x0];
	v16 =	vsel vm1, v16, v18;
	v17 =	vsel vm1, v17, v19;
	(xrf1) =	vsort.ascd.msk.f32 $0xffff, v14, v15;
	(pc) =	sbr.rel @p2 .LBB2_22-.Ltmp18, $2  }
0x181: {  	v14 =	vld [tilespmem:s31+$0x0];
	(xrf1) =	vsort.ascd.msk.f32 $0xffff, v16, v17;
	_ =	sdelay $0x2  }
0x182: {  	s1 =	sadd.s32 $0xFFFFFFFF, s1  }
.LBB2_23:
0x183: {  	_ = 	snop  }
0x184: {  	v13 =	vsub.f32 v13, v10;
	s1 =	sadd.s32 @p0 $0x10, s28;
	v15 =	vsub.f32 v14, v2  }
0x185: {  	v14 =	vsub.f32 v14, v3;
	s26 =	smov.u32 @p0 s1  }
0x186: {  	v16 =	vld [tilespmem:s26+$0x0];
	v13 =	vmul.f32 v13, v13;
	v15 =	vmul.f32 v15, v15  }
0x187: {  	v14 =	vmul.f32 v14, v14  }
0x188: {  	v15 =	vadd.f32 v15, v13  }
0x189: {  	v13 =	vadd.f32 v14, v13  }
0x18a: {  	vm3 =	vlt.f32 v15, $2.499999940e-03  }
0x18b: {  	s1 =	sadd.s32 @p0 $0x10, s29;
	v14, v17, _ =	vpop @p0 (xrf1);
	v19 =	vnsel vm3, $0x4E6E6B28, v16;
	vm3 =	vlt.f32 v13, $2.499999940e-03  }
0x18c: {  	s25 =	smov.u32 @p0 s1;
	v15, v18, _ =	vpop @p0 (xrf1);
	v16 =	vnsel vm3, $0x4E6E6B28, v16  }
0x18d: {  	v13 =	vor.u32 s25, v4;
	v20, v21, _ =	vpop @p1 (xrf1)  }
0x18e: {  	(xrf1) =	vsort.dscd.msk.f32 $0xffff, v19, v13;
	v19 =	vpsel p1, v20, v12;
	v20 =	vpsel p1, v21, v11  }
0x18f: {  	(xrf1) =	vsort.dscd.msk.f32 $0xffff, v16, v13;
	v13 =	vsel @p0 vm1, v19, v14;
	v14 =	vsel @p0 vm1, v20, v17;
	v16, v17, _ =	vpop @p1 (xrf1)  }
0x190: {  	v16 =	vpsel p1, v16, v12;
	v17 =	vpsel p1, v17, v11;
	(xrf1) =	vsort.ascd.msk.f32 @p0 $0xffff, v13, v14  }
0x191: {  	v13 =	vsel @p0 vm1, v16, v15;
	v14 =	vsel @p0 vm1, v17, v18  }
0x192: {  	(xrf1) =	vsort.ascd.msk.f32 @p0 $0xffff, v13, v14;
	_ =	sdelay $0x9  }
0x193: {  	v13, v14, _ =	vpop (xrf1)  }
0x194: {  	v15, v16, _ =	vpop (xrf1)  }
0x195: {  	v17, v18, _ =	vpop @p0 (xrf1)  }
0x196: {  	v17 =	vpsel p0, v17, v12  }
0x197: {  	v63 =	vpsel p0, v18, v11;
	v13 =	vsel vm1, v17, v13;
	v18, v19, _ =	vpop @p0 (xrf1)  }
0x198: {  	v14 =	vsel vm1, v63, v14;
	v12 =	vpsel p0, v18, v12;
	v11 =	vpsel p0, v19, v11  }
0x199: {  	(xrf1) =	vsort.ascd.msk.f32 $0xffff, v13, v14;
	v12 =	vsel vm1, v12, v15;
	v11 =	vsel vm1, v11, v16  }
0x19a: {  	(xrf1) =	vsort.ascd.msk.f32 $0xffff, v12, v11;
	_ =	sdelay $0xa  }
.Ltmp19:
0x19b: {  	_ = 	snop;
	(pc) =	sbr.rel .LBB2_24-.Ltmp19, $4  }
0x19c: {  	_ = 	snop  }
0x19d: {  	v13, v11, _ =	vpop (xrf1)  }
0x19e: {  	v14, v12, _ =	vpop (xrf1)  }
0x19f: {  	vm4 =	vlt.f32 v13, $1.000000000e+02;
	vm3 =	vlt.f32 v14, $1.000000000e+02  }
.LBB2_18:
.Ltmp20:
0x1a0: {  	(pc) =	sbr.rel .LBB2_23-.Ltmp20, $2  }
0x1a1: {  	_ =	sdelay $0x2  }
0x1a2: {  	s28 =	smov.u32 s26;
	s29 =	smov.u32 s25  }
.LBB2_20:
.Ltmp21:
0x1a3: {  	(pc) =	sbr.rel .LBB2_23-.Ltmp21, $2  }
0x1a4: {  	_ =	sdelay $0x2  }
0x1a5: {  	s28 =	smov.u32 s26;
	s29 =	smov.u32 s25  }
.LBB2_26:
0x1a6: {  	_ =	strace $0x9000004A  }
0x1a7: {  	_ =	swait.ge [sflag:s10], $0x1000  }
0x1a8: {  	[sflag:s10] =	ssyncset.done $0x0  }
0x1a9: {  	[sflag:s10] =	ssyncadd.s32 $0xFFFFF000  }
0x1aa: {  	_ =	swait.ge [sflag:s10], $0x1000  }
0x1ab: {  	[sflag:s10] =	ssyncset.done $0x0  }
0x1ac: {  	[sflag:s10] =	ssyncadd.s32 $0xFFFFF000  }
0x1ad: {  	_ =	swait.ge [sflag:s10], $0x1000  }
0x1ae: {  	[sflag:s10] =	ssyncset.done $0x0  }
0x1af: {  	[sflag:s10] =	ssyncadd.s32 $0xFFFFF000  }
0x1b0: {  	_ =	swait.ge [sflag:s10], $0x1000  }
0x1b1: {  	[sflag:s10] =	ssyncset.done $0x0  }
0x1b2: {  	[sflag:s10] =	ssyncadd.s32 $0xFFFFF000  }
0x1b3: {  	_ =	swait.ge [sflag:s10], $0x1000  }
0x1b4: {  	[sflag:s10] =	ssyncset.done $0x0  }
0x1b5: {  	[sflag:s10] =	ssyncadd.s32 $0xFFFFF000  }
0x1b6: {  	_ =	swait.ge [sflag:s10], $0x1000  }
0x1b7: {  	[sflag:s10] =	ssyncset.done $0x0  }
0x1b8: {  	[sflag:s10] =	ssyncadd.s32 $0xFFFFF000  }
0x1b9: {  	_ =	swait.ge [sflag:s10], $0x1000  }
0x1ba: {  	[sflag:s10] =	ssyncset.done $0x0  }
0x1bb: {  	[sflag:s10] =	ssyncadd.s32 $0xFFFFF000  }
0x1bc: {  	_ =	swait.ge [sflag:s10], $0x1000  }
0x1bd: {  	[sflag:s10] =	ssyncset.done $0x0  }
0x1be: {  	[sflag:s10] =	ssyncadd.s32 $0xFFFFF000  }
0x1bf: {  	_ =	swait.ge [sflag:s10], $0x1000  }
0x1c0: {  	[sflag:s10] =	ssyncset.done $0x0  }
0x1c1: {  	[sflag:s10] =	ssyncadd.s32 $0xFFFFF000  }
0x1c2: {  	_ =	swait.ge [sflag:s10], $0x1000  }
0x1c3: {  	[sflag:s10] =	ssyncset.done $0x0  }
0x1c4: {  	[sflag:s10] =	ssyncadd.s32 $0xFFFFF000  }
0x1c5: {  	_ =	swait.ge [sflag:s10], $0x1000  }
0x1c6: {  	[sflag:s10] =	ssyncset.done $0x0  }
0x1c7: {  	[sflag:s10] =	ssyncadd.s32 $0xFFFFF000  }
0x1c8: {  	_ =	swait.ge [sflag:s10], $0x1000  }
0x1c9: {  	[sflag:s10] =	ssyncset.done $0x0  }
0x1ca: {  	[sflag:s10] =	ssyncadd.s32 $0xFFFFF000  }
0x1cb: {  	_ =	swait.ge [sflag:s10], $0x1000  }
0x1cc: {  	[sflag:s10] =	ssyncset.done $0x0  }
0x1cd: {  	[sflag:s10] =	ssyncadd.s32 $0xFFFFF000  }
0x1ce: {  	_ =	swait.ge [sflag:s10], $0x1000  }
0x1cf: {  	[sflag:s10] =	ssyncset.done $0x0  }
0x1d0: {  	[sflag:s10] =	ssyncadd.s32 $0xFFFFF000  }
0x1d1: {  	_ =	swait.ge [sflag:s10], $0x1000  }
0x1d2: {  	[sflag:s10] =	ssyncset.done $0x0  }
0x1d3: {  	[sflag:s10] =	ssyncadd.s32 $0xFFFFF000  }
0x1d4: {  	_ =	swait.ge [sflag:s10], $0x1000  }
0x1d5: {  	[sflag:s10] =	ssyncset.done $0x0  }
0x1d6: {  	[sflag:s10] =	ssyncadd.s32 $0xFFFFF000  }
0x1d7: {  	s22 =	simm.s32 $0xA010;
	_ =	strace $0x8000004B  }
0x1d8: {  	v12 =	vld [tilespmem:s22+$0x0]  }
0x1d9: {  	s23 =	simm.s32 $0x0;
	v15 =	vld [tilespmem:s22+$0xFFFFFC00]  }
0x1da: {  	v9 =	vld [tilespmem:s23+$0x12410]  }
0x1db: {  	v10 =	vld [tilespmem:s23+$0xA410]  }
0x1dc: {  	v11 =	vld [tilespmem:s23+$0x12450]  }
0x1dd: {  	v13 =	vld [tilespmem:s23+$0xA450];
	v19 =	vbroadcast v12, $0x0  }
0x1de: {  	v14 =	vld [tilespmem:s23+$0x12490];
	v20 =	vbroadcast v15, $0x0  }
0x1df: {  	v24 =	vld [tilespmem:s23+$0xA490];
	v18 =	vbroadcast v12, $0x1;
	v9 =	vmul.f32 v9, v19  }
0x1e0: {  	v25 =	vld [tilespmem:s23+$0x124D0];
	v21 =	vbroadcast v15, $0x1;
	v10 =	vmul.f32 v10, v20  }
0x1e1: {  	v26 =	vld [tilespmem:s23+$0xA4D0];
	v16 =	vbroadcast v12, $0x2;
	v11 =	vmul.f32 v11, v18;
	v9 =	vadd.f32 $0.0e+00, v9  }
0x1e2: {  	v27 =	vld [tilespmem:s23+$0x12510];
	v22 =	vbroadcast v15, $0x2;
	v13 =	vmul.f32 v13, v21;
	v10 =	vadd.f32 $0.0e+00, v10  }
0x1e3: {  	v28 =	vld [tilespmem:s23+$0xA510];
	v17 =	vbroadcast v12, $0x3;
	v14 =	vmul.f32 v14, v16;
	v11 =	vadd.f32 v11, v9  }
0x1e4: {  	v29 =	vld [tilespmem:s23+$0x12550];
	v23 =	vbroadcast v15, $0x3;
	v10 =	vadd.f32 v13, v10;
	v13 =	vmul.f32 v24, v22  }
0x1e5: {  	v9 =	vbroadcast v12, $0x4;
	v11 =	vadd.f32 v14, v11;
	v14 =	vmul.f32 v25, v17;
	v25 =	vld [tilespmem:s23+$0xA550]  }
0x1e6: {  	v31 =	vld [tilespmem:s23+$0x12590];
	v26 =	vmul.f32 v26, v23;
	v24 =	vbroadcast v15, $0x4;
	v30 =	vadd.f32 v13, v10  }
0x1e7: {  	v32 =	vld [tilespmem:s23+$0xA590];
	v10 =	vbroadcast v12, $0x5;
	v27 =	vmul.f32 v27, v9;
	v14 =	vadd.f32 v14, v11  }
0x1e8: {  	v48 =	vld [tilespmem:s23+$0x125D0];
	v13 =	vbroadcast v15, $0x5;
	v28 =	vmul.f32 v28, v24;
	v26 =	vadd.f32 v26, v30  }
0x1e9: {  	v33 =	vld [tilespmem:s23+$0xA5D0];
	v11 =	vbroadcast v12, $0x6;
	v29 =	vmul.f32 v29, v10;
	v27 =	vadd.f32 v27, v14  }
0x1ea: {  	v14 =	vbroadcast v15, $0x6;
	v26 =	vadd.f32 v28, v26;
	v25 =	vmul.f32 v25, v13  }
0x1eb: {  	v12 =	vbroadcast v12, $0x7;
	v49 =	vmul.f32 v31, v11;
	v27 =	vadd.f32 v29, v27  }
0x1ec: {  	v15 =	vbroadcast v15, $0x7;
	v25 =	vadd.f32 v25, v26;
	v26 =	vmul.f32 v32, v14  }
0x1ed: {  	v50 =	vmul.f32 v48, v12;
	v27 =	vadd.f32 v49, v27  }
0x1ee: {  	v25 =	vadd.f32 v26, v25;
	v26 =	vmul.f32 v33, v15  }
0x1ef: {  	v27 =	vadd.f32 v50, v27  }
0x1f0: {  	s24 =	simm.s32 $0x1B410;
	v25 =	vadd.f32 v26, v25  }
0x1f1: {  	[tilespmem:s24+$0x0] =	vst v27  }
0x1f2: {  	[tilespmem:s24+$0xFFFFF000] =	vst v25  }
0x1f3: {  	v25 =	vld [tilespmem:s23+$0xA420]  }
0x1f4: {  	v26 =	vld [tilespmem:s23+$0x12420]  }
0x1f5: {  	v27 =	vld [tilespmem:s23+$0xA460]  }
0x1f6: {  	v51 =	vld [tilespmem:s23+$0x12460]  }
0x1f7: {  	v52 =	vld [tilespmem:s23+$0xA4A0]  }
0x1f8: {  	v53 =	vld [tilespmem:s23+$0x124A0];
	v25 =	vmul.f32 v25, v20  }
0x1f9: {  	v54 =	vld [tilespmem:s23+$0xA4E0];
	v26 =	vmul.f32 v26, v19  }
0x1fa: {  	v55 =	vld [tilespmem:s23+$0x124E0];
	v27 =	vmul.f32 v27, v21;
	v25 =	vadd.f32 $0.0e+00, v25  }
0x1fb: {  	v56 =	vld [tilespmem:s23+$0xA520];
	v28 =	vmul.f32 v51, v18;
	v26 =	vadd.f32 $0.0e+00, v26  }
0x1fc: {  	v57 =	vld [tilespmem:s23+$0x12520];
	v25 =	vadd.f32 v27, v25;
	v27 =	vmul.f32 v52, v22  }
0x1fd: {  	v59 =	vld [tilespmem:s23+$0xA560];
	v58 =	vmul.f32 v53, v16;
	v26 =	vadd.f32 v28, v26  }
0x1fe: {  	v60 =	vld [tilespmem:s23+$0x12560];
	v25 =	vadd.f32 v27, v25;
	v27 =	vmul.f32 v54, v23  }
0x1ff: {  	v62 =	vld [tilespmem:s23+$0xA5A0];
	v61 =	vmul.f32 v55, v17;
	v26 =	vadd.f32 v58, v26  }
0x200: {  	v63 =	vld [tilespmem:s23+$0x125A0];
	v25 =	vadd.f32 v27, v25;
	v27 =	vmul.f32 v56, v24  }
0x201: {  	v37 =	vld [tilespmem:s23+$0xA5E0];
	v36 =	vmul.f32 v57, v9;
	v26 =	vadd.f32 v61, v26  }
0x202: {  	v38 =	vld [tilespmem:s23+$0x125E0];
	v25 =	vadd.f32 v27, v25;
	v27 =	vmul.f32 v59, v13  }
0x203: {  	v39 =	vmul.f32 v60, v10;
	v26 =	vadd.f32 v36, v26  }
0x204: {  	v25 =	vadd.f32 v27, v25;
	v27 =	vmul.f32 v62, v14  }
0x205: {  	v40 =	vmul.f32 v63, v11;
	v26 =	vadd.f32 v39, v26  }
0x206: {  	v25 =	vadd.f32 v27, v25;
	v27 =	vmul.f32 v37, v15  }
0x207: {  	v41 =	vmul.f32 v38, v12;
	v26 =	vadd.f32 v40, v26  }
0x208: {  	v25 =	vadd.f32 v27, v25  }
0x209: {  	v26 =	vadd.f32 v41, v26  }
0x20a: {  	[tilespmem:s24+$0xFFFFF010] =	vst v25  }
0x20b: {  	[tilespmem:s24+$0x10] =	vst v26  }
0x20c: {  	v25 =	vld [tilespmem:s23+$0xA430]  }
0x20d: {  	v26 =	vld [tilespmem:s23+$0x12430]  }
0x20e: {  	v27 =	vld [tilespmem:s23+$0xA470]  }
0x20f: {  	v42 =	vld [tilespmem:s23+$0x12470]  }
0x210: {  	v43 =	vld [tilespmem:s23+$0xA4B0]  }
0x211: {  	v44 =	vld [tilespmem:s23+$0x124B0];
	v25 =	vmul.f32 v25, v20  }
0x212: {  	v45 =	vld [tilespmem:s23+$0xA4F0];
	v26 =	vmul.f32 v26, v19  }
0x213: {  	v46 =	vld [tilespmem:s23+$0x124F0];
	v27 =	vmul.f32 v27, v21;
	v25 =	vadd.f32 $0.0e+00, v25  }
0x214: {  	v47 =	vld [tilespmem:s23+$0xA530];
	v28 =	vmul.f32 v42, v18;
	v26 =	vadd.f32 $0.0e+00, v26  }
0x215: {  	v48 =	vld [tilespmem:s23+$0x12530];
	v25 =	vadd.f32 v27, v25;
	v27 =	vmul.f32 v43, v22  }
0x216: {  	v50 =	vld [tilespmem:s23+$0xA570];
	v49 =	vmul.f32 v44, v16;
	v26 =	vadd.f32 v28, v26  }
0x217: {  	v51 =	vld [tilespmem:s23+$0x12570];
	v25 =	vadd.f32 v27, v25;
	v27 =	vmul.f32 v45, v23  }
0x218: {  	v53 =	vld [tilespmem:s23+$0xA5B0];
	v52 =	vmul.f32 v46, v17;
	v26 =	vadd.f32 v49, v26  }
0x219: {  	v54 =	vld [tilespmem:s23+$0x125B0];
	v25 =	vadd.f32 v27, v25;
	v27 =	vmul.f32 v47, v24  }
0x21a: {  	v56 =	vld [tilespmem:s23+$0xA5F0];
	v55 =	vmul.f32 v48, v9;
	v26 =	vadd.f32 v52, v26  }
0x21b: {  	v57 =	vld [tilespmem:s23+$0x125F0];
	v25 =	vadd.f32 v27, v25;
	v27 =	vmul.f32 v50, v13  }
0x21c: {  	v58 =	vmul.f32 v51, v10;
	v26 =	vadd.f32 v55, v26  }
0x21d: {  	v25 =	vadd.f32 v27, v25;
	v27 =	vmul.f32 v53, v14  }
0x21e: {  	v59 =	vmul.f32 v54, v11;
	v26 =	vadd.f32 v58, v26  }
0x21f: {  	v25 =	vadd.f32 v27, v25;
	v27 =	vmul.f32 v56, v15  }
0x220: {  	v60 =	vmul.f32 v57, v12;
	v26 =	vadd.f32 v59, v26  }
0x221: {  	v25 =	vadd.f32 v27, v25  }
0x222: {  	v26 =	vadd.f32 v60, v26  }
0x223: {  	[tilespmem:s24+$0xFFFFF020] =	vst v25  }
0x224: {  	[tilespmem:s24+$0x20] =	vst v26  }
0x225: {  	v25 =	vld [tilespmem:s23+$0xA440]  }
0x226: {  	v26 =	vld [tilespmem:s23+$0x12440]  }
0x227: {  	v27 =	vld [tilespmem:s23+$0xA480]  }
0x228: {  	v61 =	vld [tilespmem:s23+$0x12480]  }
0x229: {  	v62 =	vld [tilespmem:s23+$0xA4C0]  }
0x22a: {  	v20 =	vmul.f32 v25, v20;
	v25 =	vld [tilespmem:s23+$0x124C0]  }
0x22b: {  	v19 =	vmul.f32 v26, v19;
	v26 =	vld [tilespmem:s23+$0xA500]  }
0x22c: {  	v21 =	vmul.f32 v27, v21;
	v27 =	vld [tilespmem:s23+$0x12500];
	v20 =	vadd.f32 $0.0e+00, v20  }
0x22d: {  	v63 =	vld [tilespmem:s23+$0xA540];
	v18 =	vmul.f32 v61, v18;
	v19 =	vadd.f32 $0.0e+00, v19  }
0x22e: {  	v22 =	vmul.f32 v62, v22;
	v21 =	vadd.f32 v21, v20;
	v20 =	vld [tilespmem:s23+$0x12540]  }
0x22f: {  	v18 =	vadd.f32 v18, v19;
	v19 =	vld [tilespmem:s23+$0xA580];
	v25 =	vmul.f32 v25, v16  }
0x230: {  	v23 =	vmul.f32 v26, v23;
	v16 =	vld [tilespmem:s23+$0x12580];
	v21 =	vadd.f32 v22, v21  }
0x231: {  	v22 =	vadd.f32 v25, v18;
	v18 =	vld [tilespmem:s23+$0xA5C0];
	v25 =	vmul.f32 v27, v17  }
0x232: {  	s26 =	simm.s32 $0x800;
	s25 =	simm.s32 $0x1B410;
	v17 =	vld [tilespmem:s23+$0x125C0];
	v21 =	vadd.f32 v23, v21;
	v23 =	vmul.f32 v63, v24  }
.LBB2_27:
0x233: {  	p0 =	sne.s32 s26, $0x1F800;
	v22 =	vadd.f32 v25, v22;
	v9 =	vmul.f32 v20, v9;
	v20 =	vld [tilespmem:s23+$0xA600];
	s24 =	sadd.s32 $0x40, s24;
	s22 =	sadd.s32 $0x10, s22  }
0x234: {  	s1 =	smov.u32 s26;
	s26 =	sadd.s32 $0x800, s26;
	v21 =	vadd.f32 v23, v21;
	v13 =	vmul.f32 v19, v13;
	v19 =	vld [tilespmem:s23+$0x12600]  }
0x235: {  	v9 =	vadd.f32 v9, v22;
	v10 =	vmul.f32 v16, v10  }
0x236: {  	v13 =	vadd.f32 v13, v21;
	v14 =	vmul.f32 v18, v14  }
0x237: {  	v9 =	vadd.f32 v10, v9;
	v10 =	vmul.f32 v17, v11  }
0x238: {  	v11 =	vadd.f32 v14, v13;
	v13 =	vmul.f32 v20, v15  }
0x239: {  	v9 =	vadd.f32 v10, v9;
	v10 =	vmul.f32 v19, v12  }
0x23a: {  	v11 =	vadd.f32 v13, v11  }
0x23b: {  	v9 =	vadd.f32 v10, v9  }
0x23c: {  	[tilespmem:s25+$0xFFFFF030] =	vst v11  }
0x23d: {  	[tilespmem:s25+$0x30] =	vst v9;
	s25 =	smov.u32 s24  }
0x23e: {  	v12 =	vld [tilespmem:s22+$0x0]  }
0x23f: {  	s23 =	sshra.s32 s1, $0x2;
	v15 =	vld [tilespmem:s22+$0xFFFFFC00]  }
0x240: {  	v9 =	vld [tilespmem:s23+$0x12410]  }
0x241: {  	v10 =	vld [tilespmem:s23+$0xA410]  }
0x242: {  	v11 =	vld [tilespmem:s23+$0x12450]  }
0x243: {  	v18 =	vbroadcast v12, $0x0;
	v13 =	vld [tilespmem:s23+$0xA450];
	v16 =	vbroadcast v12, $0x2  }
0x244: {  	v24 =	vbroadcast v15, $0x0;
	v19 =	vbroadcast v15, $0x1;
	v14 =	vld [tilespmem:s23+$0x12490]  }
0x245: {  	v20 =	vbroadcast v12, $0x1;
	v9 =	vmul.f32 v9, v18;
	v23 =	vld [tilespmem:s23+$0xA490]  }
0x246: {  	v21 =	vbroadcast v15, $0x2;
	v10 =	vmul.f32 v10, v24;
	v25 =	vld [tilespmem:s23+$0x124D0]  }
0x247: {  	v17 =	vbroadcast v12, $0x3;
	v9 =	vadd.f32 $0.0e+00, v9;
	v11 =	vmul.f32 v11, v20;
	v26 =	vld [tilespmem:s23+$0xA4D0]  }
0x248: {  	v22 =	vbroadcast v15, $0x3;
	v10 =	vadd.f32 $0.0e+00, v10;
	v13 =	vmul.f32 v13, v19;
	v27 =	vld [tilespmem:s23+$0x12510]  }
0x249: {  	v11 =	vadd.f32 v11, v9;
	v14 =	vmul.f32 v14, v16;
	v28 =	vld [tilespmem:s23+$0xA510];
	v9 =	vbroadcast v12, $0x4  }
0x24a: {  	v13 =	vadd.f32 v13, v10;
	v29 =	vmul.f32 v23, v21;
	v23 =	vbroadcast v15, $0x4;
	v30 =	vld [tilespmem:s23+$0x12550]  }
0x24b: {  	v10 =	vbroadcast v12, $0x5;
	v11 =	vadd.f32 v14, v11;
	v14 =	vmul.f32 v25, v17;
	v25 =	vld [tilespmem:s23+$0xA550]  }
0x24c: {  	v29 =	vadd.f32 v29, v13;
	v26 =	vmul.f32 v26, v22;
	v13 =	vbroadcast v15, $0x5;
	v31 =	vld [tilespmem:s23+$0x12590]  }
0x24d: {  	v32 =	vadd.f32 v14, v11;
	v27 =	vmul.f32 v27, v9;
	v33 =	vld [tilespmem:s23+$0xA590];
	v11 =	vbroadcast v12, $0x6  }
0x24e: {  	v14 =	vbroadcast v15, $0x6;
	v26 =	vadd.f32 v26, v29;
	v28 =	vmul.f32 v28, v23;
	v29 =	vld [tilespmem:s23+$0x125D0]  }
0x24f: {  	v12 =	vbroadcast v12, $0x7;
	v27 =	vadd.f32 v27, v32;
	v30 =	vmul.f32 v30, v10;
	v32 =	vld [tilespmem:s23+$0xA5D0]  }
0x250: {  	v15 =	vbroadcast v15, $0x7;
	v26 =	vadd.f32 v28, v26;
	v25 =	vmul.f32 v25, v13  }
0x251: {  	v27 =	vadd.f32 v30, v27;
	v28 =	vmul.f32 v31, v11  }
0x252: {  	v25 =	vadd.f32 v25, v26;
	v26 =	vmul.f32 v33, v14  }
0x253: {  	v27 =	vadd.f32 v28, v27;
	v28 =	vmul.f32 v29, v12  }
0x254: {  	v25 =	vadd.f32 v26, v25;
	v26 =	vmul.f32 v32, v15  }
0x255: {  	v27 =	vadd.f32 v28, v27  }
0x256: {  	v25 =	vadd.f32 v26, v25  }
0x257: {  	[tilespmem:s24+$0x0] =	vst v27  }
0x258: {  	[tilespmem:s24+$0xFFFFF000] =	vst v25  }
0x259: {  	v25 =	vld [tilespmem:s23+$0xA420]  }
0x25a: {  	v26 =	vld [tilespmem:s23+$0x12420]  }
0x25b: {  	v27 =	vld [tilespmem:s23+$0xA460]  }
0x25c: {  	v28 =	vld [tilespmem:s23+$0x12460]  }
0x25d: {  	v29 =	vld [tilespmem:s23+$0xA4A0]  }
0x25e: {  	v25 =	vmul.f32 v25, v24;
	v30 =	vld [tilespmem:s23+$0x124A0]  }
0x25f: {  	v26 =	vmul.f32 v26, v18;
	v31 =	vld [tilespmem:s23+$0xA4E0]  }
0x260: {  	v25 =	vadd.f32 $0.0e+00, v25;
	v27 =	vmul.f32 v27, v19;
	v32 =	vld [tilespmem:s23+$0x124E0]  }
0x261: {  	v26 =	vadd.f32 $0.0e+00, v26;
	v28 =	vmul.f32 v28, v20;
	v33 =	vld [tilespmem:s23+$0xA520]  }
0x262: {  	v25 =	vadd.f32 v27, v25;
	v27 =	vmul.f32 v29, v21;
	v29 =	vld [tilespmem:s23+$0x12520]  }
0x263: {  	v26 =	vadd.f32 v28, v26;
	v28 =	vmul.f32 v30, v16;
	v30 =	vld [tilespmem:s23+$0xA560]  }
0x264: {  	v25 =	vadd.f32 v27, v25;
	v27 =	vmul.f32 v31, v22;
	v31 =	vld [tilespmem:s23+$0x12560]  }
0x265: {  	v26 =	vadd.f32 v28, v26;
	v28 =	vmul.f32 v32, v17;
	v32 =	vld [tilespmem:s23+$0xA5A0]  }
0x266: {  	v25 =	vadd.f32 v27, v25;
	v27 =	vmul.f32 v33, v23;
	v33 =	vld [tilespmem:s23+$0x125A0]  }
0x267: {  	v26 =	vadd.f32 v28, v26;
	v28 =	vmul.f32 v29, v9;
	v29 =	vld [tilespmem:s23+$0xA5E0]  }
0x268: {  	v25 =	vadd.f32 v27, v25;
	v27 =	vmul.f32 v30, v13;
	v30 =	vld [tilespmem:s23+$0x125E0]  }
0x269: {  	v26 =	vadd.f32 v28, v26;
	v28 =	vmul.f32 v31, v10  }
0x26a: {  	v25 =	vadd.f32 v27, v25;
	v27 =	vmul.f32 v32, v14  }
0x26b: {  	v26 =	vadd.f32 v28, v26;
	v28 =	vmul.f32 v33, v11  }
0x26c: {  	v25 =	vadd.f32 v27, v25;
	v27 =	vmul.f32 v29, v15  }
0x26d: {  	v26 =	vadd.f32 v28, v26;
	v28 =	vmul.f32 v30, v12  }
0x26e: {  	v25 =	vadd.f32 v27, v25  }
0x26f: {  	v26 =	vadd.f32 v28, v26  }
0x270: {  	[tilespmem:s24+$0xFFFFF010] =	vst v25  }
0x271: {  	[tilespmem:s24+$0x10] =	vst v26  }
0x272: {  	v25 =	vld [tilespmem:s23+$0xA430]  }
0x273: {  	v26 =	vld [tilespmem:s23+$0x12430]  }
0x274: {  	v27 =	vld [tilespmem:s23+$0xA470]  }
0x275: {  	v28 =	vld [tilespmem:s23+$0x12470]  }
0x276: {  	v29 =	vld [tilespmem:s23+$0xA4B0]  }
0x277: {  	v25 =	vmul.f32 v25, v24;
	v30 =	vld [tilespmem:s23+$0x124B0]  }
0x278: {  	v26 =	vmul.f32 v26, v18;
	v31 =	vld [tilespmem:s23+$0xA4F0]  }
0x279: {  	v25 =	vadd.f32 $0.0e+00, v25;
	v27 =	vmul.f32 v27, v19;
	v32 =	vld [tilespmem:s23+$0x124F0]  }
0x27a: {  	v26 =	vadd.f32 $0.0e+00, v26;
	v28 =	vmul.f32 v28, v20;
	v33 =	vld [tilespmem:s23+$0xA530]  }
0x27b: {  	v25 =	vadd.f32 v27, v25;
	v27 =	vmul.f32 v29, v21;
	v29 =	vld [tilespmem:s23+$0x12530]  }
0x27c: {  	v26 =	vadd.f32 v28, v26;
	v28 =	vmul.f32 v30, v16;
	v30 =	vld [tilespmem:s23+$0xA570]  }
0x27d: {  	v25 =	vadd.f32 v27, v25;
	v27 =	vmul.f32 v31, v22;
	v31 =	vld [tilespmem:s23+$0x12570]  }
0x27e: {  	v26 =	vadd.f32 v28, v26;
	v28 =	vmul.f32 v32, v17;
	v32 =	vld [tilespmem:s23+$0xA5B0]  }
0x27f: {  	v25 =	vadd.f32 v27, v25;
	v27 =	vmul.f32 v33, v23;
	v33 =	vld [tilespmem:s23+$0x125B0]  }
0x280: {  	v26 =	vadd.f32 v28, v26;
	v28 =	vmul.f32 v29, v9;
	v29 =	vld [tilespmem:s23+$0xA5F0]  }
0x281: {  	v25 =	vadd.f32 v27, v25;
	v27 =	vmul.f32 v30, v13;
	v30 =	vld [tilespmem:s23+$0x125F0]  }
0x282: {  	v26 =	vadd.f32 v28, v26;
	v28 =	vmul.f32 v31, v10  }
0x283: {  	v25 =	vadd.f32 v27, v25;
	v27 =	vmul.f32 v32, v14  }
0x284: {  	v26 =	vadd.f32 v28, v26;
	v28 =	vmul.f32 v33, v11  }
0x285: {  	v25 =	vadd.f32 v27, v25;
	v27 =	vmul.f32 v29, v15  }
0x286: {  	v26 =	vadd.f32 v28, v26;
	v28 =	vmul.f32 v30, v12  }
0x287: {  	v25 =	vadd.f32 v27, v25  }
0x288: {  	v26 =	vadd.f32 v28, v26  }
0x289: {  	[tilespmem:s24+$0xFFFFF020] =	vst v25  }
0x28a: {  	[tilespmem:s24+$0x20] =	vst v26  }
0x28b: {  	v25 =	vld [tilespmem:s23+$0xA440]  }
0x28c: {  	v26 =	vld [tilespmem:s23+$0x12440]  }
0x28d: {  	v27 =	vld [tilespmem:s23+$0xA480]  }
0x28e: {  	v28 =	vld [tilespmem:s23+$0x12480]  }
0x28f: {  	v29 =	vld [tilespmem:s23+$0xA4C0]  }
0x290: {  	v24 =	vmul.f32 v25, v24;
	v25 =	vld [tilespmem:s23+$0x124C0]  }
0x291: {  	v18 =	vmul.f32 v26, v18;
	v26 =	vld [tilespmem:s23+$0xA500]  }
0x292: {  	v24 =	vadd.f32 $0.0e+00, v24;
	v19 =	vmul.f32 v27, v19;
	v27 =	vld [tilespmem:s23+$0x12500]  }
0x293: {  	v18 =	vadd.f32 $0.0e+00, v18;
	v28 =	vmul.f32 v28, v20;
	v30 =	vld [tilespmem:s23+$0xA540]  }
.Ltmp22:
0x294: {  	v24 =	vadd.f32 v19, v24;
	v21 =	vmul.f32 v29, v21;
	v20 =	vld [tilespmem:s23+$0x12540];
	(pc) =	sbr.rel @p0 .LBB2_27-.Ltmp22, $4  }
0x295: {  	v18 =	vadd.f32 v28, v18;
	v25 =	vmul.f32 v25, v16;
	v19 =	vld [tilespmem:s23+$0xA580]  }
0x296: {  	v21 =	vadd.f32 v21, v24;
	v24 =	vmul.f32 v26, v22;
	v16 =	vld [tilespmem:s23+$0x12580]  }
0x297: {  	v22 =	vadd.f32 v25, v18;
	v25 =	vmul.f32 v27, v17;
	v18 =	vld [tilespmem:s23+$0xA5C0]  }
0x298: {  	v21 =	vadd.f32 v24, v21;
	v23 =	vmul.f32 v30, v23;
	v17 =	vld [tilespmem:s23+$0x125C0]  }
0x299: {  	v22 =	vadd.f32 v25, v22;
	v9 =	vmul.f32 v20, v9;
	v61 =	vld [tilespmem:s23+$0xA600]  }
0x29a: {  	v62 =	vld [tilespmem:s23+$0x12600];
	v21 =	vadd.f32 v23, v21;
	v13 =	vmul.f32 v19, v13  }
0x29b: {  	v9 =	vadd.f32 v9, v22;
	v10 =	vmul.f32 v16, v10  }
0x29c: {  	v13 =	vadd.f32 v13, v21;
	v14 =	vmul.f32 v18, v14  }
0x29d: {  	v9 =	vadd.f32 v10, v9;
	v10 =	vmul.f32 v17, v11  }
0x29e: {  	v11 =	vadd.f32 v14, v13;
	v63 =	vmul.f32 v61, v15  }
0x29f: {  	v9 =	vadd.f32 v10, v9;
	v10 =	vmul.f32 v62, v12  }
0x2a0: {  	v11 =	vadd.f32 v63, v11  }
0x2a1: {  	v9 =	vadd.f32 v10, v9  }
0x2a2: {  	[tilespmem:s25+$0xFFFFF030] =	vst v11  }
0x2a3: {  	[tilespmem:s25+$0x30] =	vst v9  }
0x2a4: {  	_ =	strace $0x9000004B  }
0x2a5: {  	[hbm4b:s5+s3] =	stream.linear.scatter [tilespmem:s20], [sflag:$0x2], $0x2000, $0x38;
	[tilespmem:$0x1C490] =	vst v63  }
0x2a6: {  	s21 =	sadd.s32 $0x1, s21;
	_ =	swait.ge [sflag:s8], $0x2000  }
0x2a7: {  	p0 =	sne.s32 s21, s7;
	[sflag:s8] =	ssyncset.done $0x0  }
.Ltmp23:
0x2a8: {  	[sflag:s8] =	ssyncadd.s32 $0xFFFFE000;
	(pc) =	sbr.rel @p0 .LBB2_1-.Ltmp23, $4  }
0x2a9: {  	[hbm4b:s6+s3] =	stream.linear.scatter [tilespmem:s16], [sflag:$0x2], $0x80, $0x38;
	[tilespmem:$0x1C490] =	vst v63  }
0x2aa: {  	_ =	swait.ge [sflag:s8], $0x80  }
0x2ab: {  	[sflag:s8] =	ssyncset.done $0x0  }
0x2ac: {  	[sflag:s8] =	ssyncadd.s32 $0xFFFFFF80  }
0x2ad: {  	_ =	sfence.sel $0x180000  }
0x2ae: {  	[bflag:$0x0] =	sbarrier.arrive $0xFFFF  }
0x2af: {  	_ =	strace $0x90000047  }
0x2b0: {  	[bflag:$0x2] =	sbarrier.arrive $0xFFFF  }
0x2b1: {  	p0 =	sne.s32 s0, $0x0;
	s0 =	rddreg [dreg:$0x3]  }
0x2b2: {  	s0 =	sadd.s32 @!p0 $0x100000, s0  }
0x2b3: {  	[sflag:s0] =	ssyncadd.tile.s32 @!p0 $0x1;
	_ =	shalt  }
.Lfunc_end2:
_tile_overlayer_lowered:
.L_overlay_start_2:
0x2b4: {  	(tag) =	ssettag $0x2  }
0x2b5: {  	s0 =	rddreg [dreg:$0x0];
	s2 =	stileid.u32  }
0x2b6: {  	s1 =	rddreg [dreg:$0x1];
	p0 =	sne.s32 s2, $0x0  }
0x2b7: {  	s3 =	rddreg [dreg:$0x2];
	[bflag:$0x3] =	sbarrier.arrive $0xFFFF;
	s2 =	simm.s32 @!p0 $0x1C02  }
0x2b8: {  	[timem:s3], [sflag:s2] =	dma.local @!p0 [hbm:s0], s1  }
0x2b9: {  	s0 =	simm.s32 @!p0 $0x2  }
0x2ba: {  	_ =	swait.ge @!p0 [sflag:s0], s1  }
0x2bb: {  	s1 =	ssub.s32 @!p0 $0x0, s1;
	[sflag:s0] =	ssyncset.done @!p0 $0x0  }
0x2bc: {  	[sflag:s0] =	ssyncadd.s32 @!p0 s1  }
0x2bd: {  	[bflag:$0x3] =	sbarrier.arrive $0xFFFF  }
0x2be: {  	_ =	shalt  }

</sc_bundles>
